<compile_context>
chip_gen: v7x
topology: tpu7x:2x2x1
jax: 0.10.2.dev20260603
libtpu: 0.0.44.dev20260713+nightly
codegen_flags: <defaults>
</compile_context>

<pallas_src>
import jax
import jax.numpy as jnp
from jax import lax
from jax.experimental import pallas as pl
from jax.experimental.pallas import tpu as pltpu
from jax.experimental.pallas import tpu_sc as plsc

N = 10000
E = 320000
D = 128
NC = 2
NS = 16
NW = NC * NS
NP = 10240
RPW = 80
NROWS = NW * RPW
EP = NROWS * 128
SUB_ROWS = NP // NS
ZROWS = 64

_SC_PARAMS = pltpu.CompilerParams(needs_layout_passes=False)
_MESH = plsc.VectorSubcoreMesh(core_axis_name="c", subcore_axis_name="s")


IC = 16
NCH = RPW // IC
SLOTS = 3


def _sc_segsum_body(x_hbm, srcI_hbm, dstI_hbm, acc_out, srcb, dstb,
                    rows0, rows1, acc_sh, gsem0, gsem1, ssem0, ssem1, isem):
    rows = [rows0, rows1]
    gsem = [gsem0, gsem1]
    ssem = [ssem0, ssem1]
    cid = lax.axis_index("c")
    sid = lax.axis_index("s")
    wid = sid * NC + cid
    base = wid * RPW

    zero16 = jnp.zeros((16,), jnp.float32)

    def zrow(r, _):
        for i in range(D // 16):
            rows0[r, pl.ds(i * 16, 16)] = zero16
        return 0
    lax.fori_loop(0, 128, zrow, 0)

    def zacc(t, _):
        pltpu.sync_copy(rows0,
                        acc_sh.at[pl.ds(sid * SUB_ROWS + t * 128, 128)])
        return 0
    lax.fori_loop(0, SUB_ROWS // 128, zacc, 0)

    pltpu.sync_copy(srcI_hbm.at[pl.ds(base, IC)], srcb.at[pl.ds(0, IC)])
    pltpu.sync_copy(dstI_hbm.at[pl.ds(base, IC)], dstb.at[pl.ds(0, IC)])
    plsc.subcore_barrier()

    def ipos(j):
        return ((j // IC) % SLOTS) * IC + (j % IC)

    def gfire(j, b):
        pltpu.async_copy(x_hbm.at[srcb.at[ipos(j)]], rows[b], gsem[b])

    def gwait(j, b):
        pltpu.make_async_copy(x_hbm.at[srcb.at[ipos(j)]], rows[b],
                              gsem[b]).wait()

    def sfire(j, b):
        pltpu.async_copy(rows[b], acc_sh.at[dstb.at[ipos(j)]], ssem[b],
                         add=True)

    def swait(j, b):
        pltpu.make_async_copy(rows[b], acc_sh.at[dstb.at[ipos(j)]],
                              ssem[b]).wait()

    gfire(0, 0)

    def chunk(c, _):
        c16 = c * IC
        slot = ((c + 1) % SLOTS) * IC

        @pl.when(c + 1 < NCH)
        def _():
            pltpu.async_copy(srcI_hbm.at[pl.ds(base + c16 + IC, IC)],
                             srcb.at[pl.ds(slot, IC)], isem)
            pltpu.async_copy(dstI_hbm.at[pl.ds(base + c16 + IC, IC)],
                             dstb.at[pl.ds(slot, IC)], isem)

        def pair(j2, _):
            for k in range(2):
                j = c16 + j2 * 2 + k
                gwait(j, k)

                @pl.when(j >= 1)
                def _():
                    swait(j, 1 - k)
                if k == 0:
                    gfire(j + 1, 1)
                else:
                    @pl.when(j2 < IC // 2 - 1)
                    def _():
                        gfire(j + 1, 0)
                sfire(j, k)
            return 0
        lax.fori_loop(0, IC // 2, pair, 0)

        @pl.when(c + 1 < NCH)
        def _():
            pltpu.make_async_copy(srcI_hbm.at[pl.ds(base + c16 + IC, IC)],
                                  srcb.at[pl.ds(slot, IC)], isem).wait()
            pltpu.make_async_copy(dstI_hbm.at[pl.ds(base + c16 + IC, IC)],
                                  dstb.at[pl.ds(slot, IC)], isem).wait()
            gfire(c16 + IC, 0)
        return 0
    lax.fori_loop(0, NCH, chunk, 0)

    swait(RPW - 1, 1)
    plsc.subcore_barrier()
    pltpu.sync_copy(acc_sh.at[pl.ds(sid * SUB_ROWS, SUB_ROWS)],
                    acc_out.at[cid].at[pl.ds(sid * SUB_ROWS, SUB_ROWS)])


_sc_segsum = pl.kernel(
    _sc_segsum_body,
    out_type=(jax.ShapeDtypeStruct((NC, NP, D), jnp.float32),),
    mesh=_MESH,
    scratch_types=[
        pltpu.VMEM((SLOTS * IC, 128), jnp.int32),
        pltpu.VMEM((SLOTS * IC, 128), jnp.int32),
        pltpu.VMEM((128, D), jnp.float32),
        pltpu.VMEM((128, D), jnp.float32),
        pltpu.VMEM_SHARED((NP, D), jnp.float32),
        pltpu.SemaphoreType.DMA,
        pltpu.SemaphoreType.DMA,
        pltpu.SemaphoreType.DMA,
        pltpu.SemaphoreType.DMA,
        pltpu.SemaphoreType.DMA,
    ],
    compiler_params=_SC_PARAMS,
)


def _sc_deg_body(dstI_hbm, deg_out, dstb, degv):
    cid = lax.axis_index("c")
    sid = lax.axis_index("s")
    wid = sid * NC + cid

    zero16 = jnp.zeros((16,), jnp.float32)
    ones16 = jnp.ones((16,), jnp.float32)

    def zdeg(k, _):
        degv[pl.ds(k * 16, 16)] = zero16
        return 0
    lax.fori_loop(0, NP // 16, zdeg, 0)

    pltpu.sync_copy(dstI_hbm.at[pl.ds(wid * RPW, RPW)], dstb)

    def step(j, _):
        def dstep(i, _):
            idx = dstb[j, pl.ds(i * 16, 16)]
            plsc.addupdate_scatter(degv, [idx], ones16)
            return 0
        lax.fori_loop(0, 128 // 16, dstep, 0)
        return 0
    lax.fori_loop(0, RPW, step, 0)

    pltpu.sync_copy(degv, deg_out.at[pl.ds(wid * NP, NP)])


_sc_deg = pl.kernel(
    _sc_deg_body,
    out_type=(jax.ShapeDtypeStruct((NW * NP,), jnp.float32),),
    mesh=_MESH,
    scratch_types=[
        pltpu.VMEM((RPW, 128), jnp.int32),
        pltpu.VMEM((NP,), jnp.float32),
    ],
    compiler_params=_SC_PARAMS,
)


def _tc_layer(acc, deg, h_in, W_l, b_l, W_r, relu):
    RB = 1024

    def tc_body(acc_ref, deg_ref, h_ref, wl_ref, b_ref, wr_ref, o_ref):
        s = acc_ref[0] + acc_ref[1]
        dsum = jnp.sum(deg_ref[...], axis=0)
        r = 1.0 / jnp.clip(dsum, 1.0, None)
        agg = s * r[:, None]
        y = (jnp.dot(agg, wl_ref[...], preferred_element_type=jnp.float32)
             + b_ref[...]
             + jnp.dot(h_ref[...], wr_ref[...],
                       preferred_element_type=jnp.float32))
        if relu:
            y = jnp.maximum(y, 0.0)
        o_ref[...] = y

    return pl.pallas_call(
        tc_body,
        grid=(NP // RB,),
        in_specs=[
            pl.BlockSpec((NC, RB, D), lambda i: (0, i, 0)),
            pl.BlockSpec((NW, RB), lambda i: (0, i)),
            pl.BlockSpec((RB, D), lambda i: (i, 0)),
            pl.BlockSpec((D, D), lambda i: (0, 0)),
            pl.BlockSpec((1, D), lambda i: (0, 0)),
            pl.BlockSpec((D, D), lambda i: (0, 0)),
        ],
        out_specs=pl.BlockSpec((RB, D), lambda i: (i, 0)),
        out_shape=jax.ShapeDtypeStruct((NP, D), jnp.float32),
    )(acc, deg, h_in, W_l, b_l.reshape(1, D), W_r)


def kernel(x, edge_index, W_l1, b_l1, W_r1, W_l2, b_l2, W_r2):
    src = edge_index[0]
    dst = edge_index[1]
    pad = EP - E
    srcp = jnp.concatenate(
        [src, jnp.zeros((pad,), jnp.int32)]).reshape(NROWS, 128)
    pad_dst = N + jnp.arange(pad, dtype=jnp.int32) % (NP - N)
    dstp = jnp.concatenate([dst, pad_dst]).reshape(NROWS, 128)
    xp = jnp.pad(x, ((0, NP - N), (0, 0)))

    (deg,) = _sc_deg(dstp)
    deg = deg.reshape(NW, NP)
    (acc1,) = _sc_segsum(xp, srcp, dstp)
    h = _tc_layer(acc1, deg, xp, W_l1, b_l1, W_r1, relu=True)
    (acc2,) = _sc_segsum(h, srcp, dstp)
    out = _tc_layer(acc2, deg, h, W_l2, b_l2, W_r2, relu=False)
    return out[:N]

# --- scband reference (transcript-rebuilt; emitter-appended) ---
"""Pipeline reference for scband-graph-sage-21492016349688 (READ-ONLY COPY).

The authoritative reference and input builder live on the scoring server;
editing this copy changes nothing except your own understanding.
"""

import jax, jax.numpy as jnp
import numpy as np

N = 10000
E = 320000
D_IN = 128
D_HID = 128
D_OUT = 128


def setup_inputs(seed: int = 0) -> dict:
    key = jax.random.key(seed)
    ks = jax.random.split(key, 8)
    x = jax.random.normal(ks[0], (N, D_IN), dtype=jnp.float32)
    edge_index = jax.random.randint(ks[1], (2, E), 0, N, dtype=jnp.int32)
    s1 = 1.0 / np.sqrt(D_IN)
    s2 = 1.0 / np.sqrt(D_HID)
    W_l1 = jax.random.uniform(ks[2], (D_IN, D_HID), jnp.float32, -s1, s1)
    b_l1 = jax.random.uniform(ks[3], (D_HID,), jnp.float32, -s1, s1)
    W_r1 = jax.random.uniform(ks[4], (D_IN, D_HID), jnp.float32, -s1, s1)
    W_l2 = jax.random.uniform(ks[5], (D_HID, D_OUT), jnp.float32, -s2, s2)
    b_l2 = jax.random.uniform(ks[6], (D_OUT,), jnp.float32, -s2, s2)
    W_r2 = jax.random.uniform(ks[7], (D_HID, D_OUT), jnp.float32, -s2, s2)
    return {"x": x, "edge_index": edge_index, "W_l1": W_l1, "b_l1": b_l1, "W_r1": W_r1, "W_l2": W_l2, "b_l2": b_l2, "W_r2": W_r2}


def _sage_conv(h, src, dst, W_l, b_l, W_r):
    # gather source-node features along edges
    msgs = jnp.take(h, src, axis=0)
    # mean aggregation into destination nodes
    agg = jax.ops.segment_sum(msgs, dst, num_segments=N)
    deg = jax.ops.segment_sum(jnp.ones((src.shape[0], 1), h.dtype), dst, num_segments=N)
    agg = agg / jnp.clip(deg, 1.0, None)
    # lin_l(agg) + lin_r(h)  (PyG SAGEConv with root weight, bias on lin_l)
    return agg @ W_l + b_l + h @ W_r


def reference(x, edge_index, W_l1, b_l1, W_r1, W_l2, b_l2, W_r2):
    src = edge_index[0]
    dst = edge_index[1]
    h = _sage_conv(x, src, dst, W_l1, b_l1, W_r1)
    h = jax.nn.relu(h)
    # dropout is identity in eval mode
    out = _sage_conv(h, src, dst, W_l2, b_l2, W_r2)
    return out

if __name__ == "__main__":
    import jax
    _d = setup_inputs()
    print(jax.jit(kernel)(*tuple(_d.values())))

</pallas_src>

<mosaic_0001>
#map = affine_map<(d0, d1) -> (0, 0)>
#map1 = affine_map<(d0, d1) -> (0, 0, 0)>
module attributes {stable_mosaic.version = 14 : i64} {
  func.func @_sc_segsum_body(%arg0: i32, %arg1: i32, %arg2: memref<10240x128xf32, #tpu.memory_space<hbm>>, %arg3: memref<2560x128xi32, #tpu.memory_space<hbm>>, %arg4: memref<2560x128xi32, #tpu.memory_space<hbm>>, %arg5: memref<2x10240x128xf32, #tpu.memory_space<hbm>>, %arg6: memref<48x128xi32, #tpu.memory_space<vmem>>, %arg7: memref<48x128xi32, #tpu.memory_space<vmem>>, %arg8: memref<128x128xf32, #tpu.memory_space<vmem>>, %arg9: memref<128x128xf32, #tpu.memory_space<vmem>>, %arg10: memref<10240x128xf32, #tpu.memory_space<vmem_shared>>, %arg11: memref<!tpu.dma_semaphore, #tpu.memory_space<semaphore_mem>>, %arg12: memref<!tpu.dma_semaphore, #tpu.memory_space<semaphore_mem>>, %arg13: memref<!tpu.dma_semaphore, #tpu.memory_space<semaphore_mem>>, %arg14: memref<!tpu.dma_semaphore, #tpu.memory_space<semaphore_mem>>, %arg15: memref<!tpu.dma_semaphore, #tpu.memory_space<semaphore_mem>>) attributes {dimension_semantics = [#tpu.dimension_semantics<core_parallel>, #tpu.dimension_semantics<subcore_parallel>], iteration_bounds = array<i64: 2, 16>, scalar_prefetch = 0 : i64, scratch_operands = 10 : i64, tpu.core_type = #tpu.core_type<sc_vector_subcore>, window_params = [{transform_indices = #map}, {transform_indices = #map}, {transform_indices = #map}, {transform_indices = #map1}]} {
    %mul3A = arith.constant 2 : i32
    %mul3A_0 = arith.muli %arg1, %mul3A : i32
    %add3A = arith.addi %mul3A_0, %arg0 : i32
    %mul3A_1 = arith.constant 80 : i32
    %mul3A_2 = arith.muli %add3A, %mul3A_1 : i32
    %broadcast_in_dim3A = arith.constant 0.000000e+00 : f32
    %broadcast_in_dim3A_3 = vector.broadcast %broadcast_in_dim3A : f32 to vector<16xf32>
    %scan3A = arith.constant 0 : i32
    %scan3A_4 = arith.constant 0 : i32
    %scan3A_5 = arith.constant 128 : i32
    %scan3A_6 = arith.addi %scan3A_4, %scan3A_5 : i32
    %scan3A_7 = arith.constant 1 : i32
    %scan3A_8 = scf.for %scan3A_41 = %scan3A_4 to %scan3A_6 step %scan3A_7 iter_args(%scan3A_42 = %scan3A) -> (i32)  : i32 {
      %swap3A = arith.index_cast %scan3A_41 : i32 to index
      %swap3A_43 = arith.constant 0 : index
      %swap3A_44 = tpu.vector_load %arg8[%swap3A, %swap3A_43] {strides = array<i32>} : memref<128x128xf32, #tpu.memory_space<vmem>>, vector<16xf32>,
      tpu.vector_store %arg8[%swap3A, %swap3A_43], %broadcast_in_dim3A_3 {strides = array<i32>} : memref<128x128xf32, #tpu.memory_space<vmem>>, vector<16xf32>,
      %swap3A_45 = arith.index_cast %scan3A_41 : i32 to index
      %swap3A_46 = arith.constant 16 : index
      %swap3A_47 = tpu.vector_load %arg8[%swap3A_45, %swap3A_46] {strides = array<i32>} : memref<128x128xf32, #tpu.memory_space<vmem>>, vector<16xf32>,
      tpu.vector_store %arg8[%swap3A_45, %swap3A_46], %broadcast_in_dim3A_3 {strides = array<i32>} : memref<128x128xf32, #tpu.memory_space<vmem>>, vector<16xf32>,
      %swap3A_48 = arith.index_cast %scan3A_41 : i32 to index
      %swap3A_49 = arith.constant 32 : index
      %swap3A_50 = tpu.vector_load %arg8[%swap3A_48, %swap3A_49] {strides = array<i32>} : memref<128x128xf32, #tpu.memory_space<vmem>>, vector<16xf32>,
      tpu.vector_store %arg8[%swap3A_48, %swap3A_49], %broadcast_in_dim3A_3 {strides = array<i32>} : memref<128x128xf32, #tpu.memory_space<vmem>>, vector<16xf32>,
      %swap3A_51 = arith.index_cast %scan3A_41 : i32 to index
      %swap3A_52 = arith.constant 48 : index
      %swap3A_53 = tpu.vector_load %arg8[%swap3A_51, %swap3A_52] {strides = array<i32>} : memref<128x128xf32, #tpu.memory_space<vmem>>, vector<16xf32>,
      tpu.vector_store %arg8[%swap3A_51, %swap3A_52], %broadcast_in_dim3A_3 {strides = array<i32>} : memref<128x128xf32, #tpu.memory_space<vmem>>, vector<16xf32>,
      %swap3A_54 = arith.index_cast %scan3A_41 : i32 to index
      %swap3A_55 = arith.constant 64 : index
      %swap3A_56 = tpu.vector_load %arg8[%swap3A_54, %swap3A_55] {strides = array<i32>} : memref<128x128xf32, #tpu.memory_space<vmem>>, vector<16xf32>,
      tpu.vector_store %arg8[%swap3A_54, %swap3A_55], %broadcast_in_dim3A_3 {strides = array<i32>} : memref<128x128xf32, #tpu.memory_space<vmem>>, vector<16xf32>,
      %swap3A_57 = arith.index_cast %scan3A_41 : i32 to index
      %swap3A_58 = arith.constant 80 : index
      %swap3A_59 = tpu.vector_load %arg8[%swap3A_57, %swap3A_58] {strides = array<i32>} : memref<128x128xf32, #tpu.memory_space<vmem>>, vector<16xf32>,
      tpu.vector_store %arg8[%swap3A_57, %swap3A_58], %broadcast_in_dim3A_3 {strides = array<i32>} : memref<128x128xf32, #tpu.memory_space<vmem>>, vector<16xf32>,
      %swap3A_60 = arith.index_cast %scan3A_41 : i32 to index
      %swap3A_61 = arith.constant 96 : index
      %swap3A_62 = tpu.vector_load %arg8[%swap3A_60, %swap3A_61] {strides = array<i32>} : memref<128x128xf32, #tpu.memory_space<vmem>>, vector<16xf32>,
      tpu.vector_store %arg8[%swap3A_60, %swap3A_61], %broadcast_in_dim3A_3 {strides = array<i32>} : memref<128x128xf32, #tpu.memory_space<vmem>>, vector<16xf32>,
      %swap3A_63 = arith.index_cast %scan3A_41 : i32 to index
      %swap3A_64 = arith.constant 112 : index
      %swap3A_65 = tpu.vector_load %arg8[%swap3A_63, %swap3A_64] {strides = array<i32>} : memref<128x128xf32, #tpu.memory_space<vmem>>, vector<16xf32>,
      tpu.vector_store %arg8[%swap3A_63, %swap3A_64], %broadcast_in_dim3A_3 {strides = array<i32>} : memref<128x128xf32, #tpu.memory_space<vmem>>, vector<16xf32>,
      %scan3A_66 = arith.constant 0 : i32
      scf.yield %scan3A_66 : i32
    }
    %scan3A_9 = arith.constant 128 : i32
    %scan3A_10 = arith.constant 0 : i32
    %scan3A_11 = arith.constant 0 : i32
    %scan3A_12 = arith.constant 5 : i32
    %scan3A_13 = arith.addi %scan3A_11, %scan3A_12 : i32
    %scan3A_14 = arith.constant 1 : i32
    %scan3A_15 = scf.for %scan3A_41 = %scan3A_11 to %scan3A_13 step %scan3A_14 iter_args(%scan3A_42 = %scan3A_10) -> (i32)  : i32 {
      %mul3A_43 = arith.constant 640 : i32
      %mul3A_44 = arith.muli %arg1, %mul3A_43 : i32
      %mul3A_45 = arith.constant 128 : i32
      %mul3A_46 = arith.muli %scan3A_41, %mul3A_45 : i32
      %add3A_47 = arith.addi %mul3A_44, %mul3A_46 : i32
      "tpu.region"() ({
        %run_scoped3A = tpu.sem_alloc : memref<!tpu.dma_semaphore, #tpu.memory_space<semaphore_mem>>
        %dma_start3A_49 = arith.constant 0 : i32
        %dma_start3A_50 = tpu.memref_slice %arg10[%add3A_47, %dma_start3A_49] : memref<10240x128xf32, #tpu.memory_space<vmem_shared>> -> memref<128x128xf32, #tpu.memory_space<vmem_shared>>
        %dma_start3A_51 = arith.constant 0 : i32
        %dma_start3A_52 = tpu.memref_slice %arg10[%add3A_47, %dma_start3A_51] : memref<10240x128xf32, #tpu.memory_space<vmem_shared>> -> memref<128x128xf32, #tpu.memory_space<vmem_shared>>
        tpu.enqueue_dma source(%arg8 : memref<128x128xf32, #tpu.memory_space<vmem>>) target(%dma_start3A_52 : memref<128x128xf32, #tpu.memory_space<vmem_shared>>) target_semaphore(%run_scoped3A : memref<!tpu.dma_semaphore, #tpu.memory_space<semaphore_mem>>)
        %dma_wait3A_53 = arith.constant 0 : i32
        %dma_wait3A_54 = tpu.memref_slice %arg10[%add3A_47, %dma_wait3A_53] : memref<10240x128xf32, #tpu.memory_space<vmem_shared>> -> memref<128x128xf32, #tpu.memory_space<vmem_shared>>
        %dma_wait3A_55 = arith.constant 0 : i32
        %dma_wait3A_56 = tpu.memref_slice %arg10[%add3A_47, %dma_wait3A_55] : memref<10240x128xf32, #tpu.memory_space<vmem_shared>> -> memref<128x128xf32, #tpu.memory_space<vmem_shared>>
        tpu.wait_dma2 semaphore(%run_scoped3A : memref<!tpu.dma_semaphore, #tpu.memory_space<semaphore_mem>>) src(%arg8 : memref<128x128xf32, #tpu.memory_space<vmem>>) dst(%dma_wait3A_56 : memref<128x128xf32, #tpu.memory_space<vmem_shared>>)
        tpu.yield
      }) : () -> ()
      %scan3A_48 = arith.constant 0 : i32
      scf.yield %scan3A_48 : i32
    }
    %scan3A_16 = arith.constant 5 : i32
    "tpu.region"() ({
      %run_scoped3A = tpu.sem_alloc : memref<!tpu.dma_semaphore, #tpu.memory_space<semaphore_mem>>
      %dma_start3A_41 = arith.constant 0 : i32
      %dma_start3A_42 = arith.constant 0 : i32
      %dma_start3A_43 = tpu.memref_slice %arg6[%dma_start3A_41, %dma_start3A_42] : memref<48x128xi32, #tpu.memory_space<vmem>> -> memref<16x128xi32, #tpu.memory_space<vmem>>
      %dma_start3A_44 = arith.constant 0 : i32
      %dma_start3A_45 = tpu.memref_slice %arg3[%mul3A_2, %dma_start3A_44] : memref<2560x128xi32, #tpu.memory_space<hbm>> -> memref<16x128xi32, #tpu.memory_space<hbm>>
      %dma_start3A_46 = arith.constant 0 : i32
      %dma_start3A_47 = arith.constant 0 : i32
      %dma_start3A_48 = tpu.memref_slice %arg6[%dma_start3A_46, %dma_start3A_47] : memref<48x128xi32, #tpu.memory_space<vmem>> -> memref<16x128xi32, #tpu.memory_space<vmem>>
      %dma_start3A_49 = arith.constant 0 : i32
      %dma_start3A_50 = tpu.memref_slice %arg3[%mul3A_2, %dma_start3A_49] : memref<2560x128xi32, #tpu.memory_space<hbm>> -> memref<16x128xi32, #tpu.memory_space<hbm>>
      tpu.enqueue_dma source(%dma_start3A_50 : memref<16x128xi32, #tpu.memory_space<hbm>>) target(%dma_start3A_48 : memref<16x128xi32, #tpu.memory_space<vmem>>) target_semaphore(%run_scoped3A : memref<!tpu.dma_semaphore, #tpu.memory_space<semaphore_mem>>)
      %dma_wait3A_51 = arith.constant 0 : i32
      %dma_wait3A_52 = arith.constant 0 : i32
      %dma_wait3A_53 = tpu.memref_slice %arg6[%dma_wait3A_51, %dma_wait3A_52] : memref<48x128xi32, #tpu.memory_space<vmem>> -> memref<16x128xi32, #tpu.memory_space<vmem>>
      %dma_wait3A_54 = arith.constant 0 : i32
      %dma_wait3A_55 = tpu.memref_slice %arg3[%mul3A_2, %dma_wait3A_54] : memref<2560x128xi32, #tpu.memory_space<hbm>> -> memref<16x128xi32, #tpu.memory_space<hbm>>
      %dma_wait3A_56 = arith.constant 0 : i32
      %dma_wait3A_57 = arith.constant 0 : i32
      %dma_wait3A_58 = tpu.memref_slice %arg6[%dma_wait3A_56, %dma_wait3A_57] : memref<48x128xi32, #tpu.memory_space<vmem>> -> memref<16x128xi32, #tpu.memory_space<vmem>>
      %dma_wait3A_59 = arith.constant 0 : i32
      %dma_wait3A_60 = tpu.memref_slice %arg3[%mul3A_2, %dma_wait3A_59] : memref<2560x128xi32, #tpu.memory_space<hbm>> -> memref<16x128xi32, #tpu.memory_space<hbm>>
      tpu.wait_dma2 semaphore(%run_scoped3A : memref<!tpu.dma_semaphore, #tpu.memory_space<semaphore_mem>>) src(%dma_wait3A_60 : memref<16x128xi32, #tpu.memory_space<hbm>>) dst(%dma_wait3A_58 : memref<16x128xi32, #tpu.memory_space<vmem>>)
      tpu.yield
    }) : () -> ()
    "tpu.region"() ({
      %run_scoped3A = tpu.sem_alloc : memref<!tpu.dma_semaphore, #tpu.memory_space<semaphore_mem>>
      %dma_start3A_41 = arith.constant 0 : i32
      %dma_start3A_42 = arith.constant 0 : i32
      %dma_start3A_43 = tpu.memref_slice %arg7[%dma_start3A_41, %dma_start3A_42] : memref<48x128xi32, #tpu.memory_space<vmem>> -> memref<16x128xi32, #tpu.memory_space<vmem>>
      %dma_start3A_44 = arith.constant 0 : i32
      %dma_start3A_45 = tpu.memref_slice %arg4[%mul3A_2, %dma_start3A_44] : memref<2560x128xi32, #tpu.memory_space<hbm>> -> memref<16x128xi32, #tpu.memory_space<hbm>>
      %dma_start3A_46 = arith.constant 0 : i32
      %dma_start3A_47 = arith.constant 0 : i32
      %dma_start3A_48 = tpu.memref_slice %arg7[%dma_start3A_46, %dma_start3A_47] : memref<48x128xi32, #tpu.memory_space<vmem>> -> memref<16x128xi32, #tpu.memory_space<vmem>>
      %dma_start3A_49 = arith.constant 0 : i32
      %dma_start3A_50 = tpu.memref_slice %arg4[%mul3A_2, %dma_start3A_49] : memref<2560x128xi32, #tpu.memory_space<hbm>> -> memref<16x128xi32, #tpu.memory_space<hbm>>
      tpu.enqueue_dma source(%dma_start3A_50 : memref<16x128xi32, #tpu.memory_space<hbm>>) target(%dma_start3A_48 : memref<16x128xi32, #tpu.memory_space<vmem>>) target_semaphore(%run_scoped3A : memref<!tpu.dma_semaphore, #tpu.memory_space<semaphore_mem>>)
      %dma_wait3A_51 = arith.constant 0 : i32
      %dma_wait3A_52 = arith.constant 0 : i32
      %dma_wait3A_53 = tpu.memref_slice %arg7[%dma_wait3A_51, %dma_wait3A_52] : memref<48x128xi32, #tpu.memory_space<vmem>> -> memref<16x128xi32, #tpu.memory_space<vmem>>
      %dma_wait3A_54 = arith.constant 0 : i32
      %dma_wait3A_55 = tpu.memref_slice %arg4[%mul3A_2, %dma_wait3A_54] : memref<2560x128xi32, #tpu.memory_space<hbm>> -> memref<16x128xi32, #tpu.memory_space<hbm>>
      %dma_wait3A_56 = arith.constant 0 : i32
      %dma_wait3A_57 = arith.constant 0 : i32
      %dma_wait3A_58 = tpu.memref_slice %arg7[%dma_wait3A_56, %dma_wait3A_57] : memref<48x128xi32, #tpu.memory_space<vmem>> -> memref<16x128xi32, #tpu.memory_space<vmem>>
      %dma_wait3A_59 = arith.constant 0 : i32
      %dma_wait3A_60 = tpu.memref_slice %arg4[%mul3A_2, %dma_wait3A_59] : memref<2560x128xi32, #tpu.memory_space<hbm>> -> memref<16x128xi32, #tpu.memory_space<hbm>>
      tpu.wait_dma2 semaphore(%run_scoped3A : memref<!tpu.dma_semaphore, #tpu.memory_space<semaphore_mem>>) src(%dma_wait3A_60 : memref<16x128xi32, #tpu.memory_space<hbm>>) dst(%dma_wait3A_58 : memref<16x128xi32, #tpu.memory_space<vmem>>)
      tpu.yield
    }) : () -> ()
    %barrier3A = arith.constant 0 : index
    tpu.barrier barrier_id(%barrier3A)
    %dma_start3A = arith.constant 0 : i32
    %dma_start3A_17 = arith.constant 0 : i32
    %dma_start3A_18 = tpu.memref_slice %arg6[%dma_start3A, %dma_start3A_17] : memref<48x128xi32, #tpu.memory_space<vmem>> -> memref<1x128xi32, #tpu.memory_space<vmem>>
    %dma_start3A_19 = tpu.memref_squeeze %dma_start3A_18 : memref<1x128xi32, #tpu.memory_space<vmem>> -> memref<128xi32, #tpu.memory_space<vmem>>
    %dma_start3A_20 = arith.constant 0 : i32
    %dma_start3A_21 = arith.constant 0 : i32
    %dma_start3A_22 = tpu.memref_slice %arg2[%dma_start3A_20, %dma_start3A_21] : memref<10240x128xf32, #tpu.memory_space<hbm>> -> memref<10240x128xf32, #tpu.memory_space<hbm>>
    tpu.enqueue_indirect_dma source(%dma_start3A_22 : memref<10240x128xf32, #tpu.memory_space<hbm>>) target(%arg8 : memref<128x128xf32, #tpu.memory_space<vmem>>) offsets(%dma_start3A_19 : memref<128xi32, #tpu.memory_space<vmem>>) semaphore(%arg11 : memref<!tpu.dma_semaphore, #tpu.memory_space<semaphore_mem>>)
    %scan3A_23 = arith.constant 0 : i32
    %scan3A_24 = arith.constant 0 : i32
    %scan3A_25 = arith.constant 5 : i32
    %scan3A_26 = arith.addi %scan3A_24, %scan3A_25 : i32
    %scan3A_27 = arith.constant 1 : i32
    %scan3A_28 = scf.for %scan3A_41 = %scan3A_24 to %scan3A_26 step %scan3A_27 iter_args(%scan3A_42 = %scan3A_23) -> (i32)  : i32 {
      %mul3A_43 = arith.constant 16 : i32
      %mul3A_44 = arith.muli %scan3A_41, %mul3A_43 : i32
      %add3A_45 = arith.constant 1 : i32
      %add3A_46 = arith.addi %scan3A_41, %add3A_45 : i32
      %jit3A = arith.constant 3 : i32
      %eq3A = arith.constant 0 : i32
      %eq3A_47 = arith.cmpi eq, %jit3A, %eq3A : i32
      %jit3A_48 = arith.constant 1 : i32
      %select_n3A = arith.select %eq3A_47, %jit3A_48, %jit3A : i32
      %rem3A = arith.remsi %add3A_46, %select_n3A : i32
      %ne3A = arith.constant 0 : i32
      %ne3A_49 = arith.cmpi ne, %rem3A, %ne3A : i32
      %lt3A = arith.constant 0 : i32
      %lt3A_50 = arith.cmpi slt, %rem3A, %lt3A : i32
      %lt3A_51 = arith.constant 0 : i32
      %lt3A_52 = arith.cmpi slt, %select_n3A, %lt3A_51 : i32
      %ne3A_53 = arith.xori %lt3A_50, %lt3A_52 : i1
      %and3A = arith.andi %ne3A_53, %ne3A_49 : i1
      %add3A_54 = arith.addi %rem3A, %select_n3A : i32
      %select_n3A_55 = arith.select %and3A, %add3A_54, %rem3A : i32
      %mul3A_56 = arith.constant 16 : i32
      %mul3A_57 = arith.muli %select_n3A_55, %mul3A_56 : i32
      %add3A_58 = arith.constant 1 : i32
      %add3A_59 = arith.addi %scan3A_41, %add3A_58 : i32
      %lt3A_60 = arith.constant 5 : i32
      %lt3A_61 = arith.cmpi slt, %add3A_59, %lt3A_60 : i32
      %convert_element_type3A = arith.extui %lt3A_61 : i1 to i32
      %cond3A = arith.constant 0 : i32
      %cond3A_62 = arith.cmpi ne, %convert_element_type3A, %cond3A : i32
      scf.if %cond3A_62 {
        %add3A_78 = arith.addi %mul3A_2, %mul3A_44 : i32
        %add3A_79 = arith.constant 16 : i32
        %add3A_80 = arith.addi %add3A_78, %add3A_79 : i32
        %dma_start3A_81 = arith.constant 0 : i32
        %dma_start3A_82 = tpu.memref_slice %arg6[%mul3A_57, %dma_start3A_81] : memref<48x128xi32, #tpu.memory_space<vmem>> -> memref<16x128xi32, #tpu.memory_space<vmem>>
        %dma_start3A_83 = arith.constant 0 : i32
        %dma_start3A_84 = tpu.memref_slice %arg3[%add3A_80, %dma_start3A_83] : memref<2560x128xi32, #tpu.memory_space<hbm>> -> memref<16x128xi32, #tpu.memory_space<hbm>>
        %dma_start3A_85 = arith.constant 0 : i32
        %dma_start3A_86 = tpu.memref_slice %arg6[%mul3A_57, %dma_start3A_85] : memref<48x128xi32, #tpu.memory_space<vmem>> -> memref<16x128xi32, #tpu.memory_space<vmem>>
        %dma_start3A_87 = arith.constant 0 : i32
        %dma_start3A_88 = tpu.memref_slice %arg3[%add3A_80, %dma_start3A_87] : memref<2560x128xi32, #tpu.memory_space<hbm>> -> memref<16x128xi32, #tpu.memory_space<hbm>>
        tpu.enqueue_dma source(%dma_start3A_88 : memref<16x128xi32, #tpu.memory_space<hbm>>) target(%dma_start3A_86 : memref<16x128xi32, #tpu.memory_space<vmem>>) target_semaphore(%arg15 : memref<!tpu.dma_semaphore, #tpu.memory_space<semaphore_mem>>)
        %add3A_89 = arith.addi %mul3A_2, %mul3A_44 : i32
        %add3A_90 = arith.constant 16 : i32
        %add3A_91 = arith.addi %add3A_89, %add3A_90 : i32
        %dma_start3A_92 = arith.constant 0 : i32
        %dma_start3A_93 = tpu.memref_slice %arg7[%mul3A_57, %dma_start3A_92] : memref<48x128xi32, #tpu.memory_space<vmem>> -> memref<16x128xi32, #tpu.memory_space<vmem>>
        %dma_start3A_94 = arith.constant 0 : i32
        %dma_start3A_95 = tpu.memref_slice %arg4[%add3A_91, %dma_start3A_94] : memref<2560x128xi32, #tpu.memory_space<hbm>> -> memref<16x128xi32, #tpu.memory_space<hbm>>
        %dma_start3A_96 = arith.constant 0 : i32
        %dma_start3A_97 = tpu.memref_slice %arg7[%mul3A_57, %dma_start3A_96] : memref<48x128xi32, #tpu.memory_space<vmem>> -> memref<16x128xi32, #tpu.memory_space<vmem>>
        %dma_start3A_98 = arith.constant 0 : i32
        %dma_start3A_99 = tpu.memref_slice %arg4[%add3A_91, %dma_start3A_98] : memref<2560x128xi32, #tpu.memory_space<hbm>> -> memref<16x128xi32, #tpu.memory_space<hbm>>
        tpu.enqueue_dma source(%dma_start3A_99 : memref<16x128xi32, #tpu.memory_space<hbm>>) target(%dma_start3A_97 : memref<16x128xi32, #tpu.memory_space<vmem>>) target_semaphore(%arg15 : memref<!tpu.dma_semaphore, #tpu.memory_space<semaphore_mem>>)
      } else {
      }
      %scan3A_63 = arith.constant 0 : i32
      %scan3A_64 = arith.constant 0 : i32
      %scan3A_65 = arith.constant 8 : i32
      %scan3A_66 = arith.addi %scan3A_64, %scan3A_65 : i32
      %scan3A_67 = arith.constant 1 : i32
      %scan3A_68 = scf.for %scan3A_78 = %scan3A_64 to %scan3A_66 step %scan3A_67 iter_args(%scan3A_79 = %scan3A_63) -> (i32)  : i32 {
        %mul3A_80 = arith.constant 2 : i32
        %mul3A_81 = arith.muli %scan3A_78, %mul3A_80 : i32
        %add3A_82 = arith.addi %mul3A_44, %mul3A_81 : i32
        %add3A_83 = arith.constant 0 : i32
        %add3A_84 = arith.addi %add3A_82, %add3A_83 : i32
        %jit3A_85 = arith.constant 16 : i32
        %div3A = arith.divsi %add3A_84, %jit3A_85 : i32
        %sign3A = arith.constant 0 : i32
        %sign3A_86 = arith.cmpi sgt, %add3A_84, %sign3A : i32
        %sign3A_87 = arith.extui %sign3A_86 : i1 to i32
        %sign3A_88 = arith.constant 0 : i32
        %sign3A_89 = arith.cmpi slt, %add3A_84, %sign3A_88 : i32
        %sign3A_90 = arith.extui %sign3A_89 : i1 to i32
        %sign3A_91 = arith.subi %sign3A_87, %sign3A_90 : i32
        %sign3A_92 = arith.constant 0 : i32
        %sign3A_93 = arith.cmpi sgt, %jit3A_85, %sign3A_92 : i32
        %sign3A_94 = arith.extui %sign3A_93 : i1 to i32
        %sign3A_95 = arith.constant 0 : i32
        %sign3A_96 = arith.cmpi slt, %jit3A_85, %sign3A_95 : i32
        %sign3A_97 = arith.extui %sign3A_96 : i1 to i32
        %sign3A_98 = arith.subi %sign3A_94, %sign3A_97 : i32
        %ne3A_99 = arith.cmpi ne, %sign3A_91, %sign3A_98 : i32
        %rem3A_100 = arith.remsi %add3A_84, %jit3A_85 : i32
        %ne3A_101 = arith.constant 0 : i32
        %ne3A_102 = arith.cmpi ne, %rem3A_100, %ne3A_101 : i32
        %and3A_103 = arith.andi %ne3A_99, %ne3A_102 : i1
        %sub3A = arith.constant 1 : i32
        %sub3A_104 = arith.subi %div3A, %sub3A : i32
        %select_n3A_105 = arith.select %and3A_103, %sub3A_104, %div3A : i32
        %jit3A_106 = arith.constant 3 : i32
        %eq3A_107 = arith.constant 0 : i32
        %eq3A_108 = arith.cmpi eq, %jit3A_106, %eq3A_107 : i32
        %jit3A_109 = arith.constant 1 : i32
        %select_n3A_110 = arith.select %eq3A_108, %jit3A_109, %jit3A_106 : i32
        %rem3A_111 = arith.remsi %select_n3A_105, %select_n3A_110 : i32
        %ne3A_112 = arith.constant 0 : i32
        %ne3A_113 = arith.cmpi ne, %rem3A_111, %ne3A_112 : i32
        %lt3A_114 = arith.constant 0 : i32
        %lt3A_115 = arith.cmpi slt, %rem3A_111, %lt3A_114 : i32
        %lt3A_116 = arith.constant 0 : i32
        %lt3A_117 = arith.cmpi slt, %select_n3A_110, %lt3A_116 : i32
        %ne3A_118 = arith.xori %lt3A_115, %lt3A_117 : i1
        %and3A_119 = arith.andi %ne3A_118, %ne3A_113 : i1
        %add3A_120 = arith.addi %rem3A_111, %select_n3A_110 : i32
        %select_n3A_121 = arith.select %and3A_119, %add3A_120, %rem3A_111 : i32
        %mul3A_122 = arith.constant 16 : i32
        %mul3A_123 = arith.muli %select_n3A_121, %mul3A_122 : i32
        %jit3A_124 = arith.constant 16 : i32
        %eq3A_125 = arith.constant 0 : i32
        %eq3A_126 = arith.cmpi eq, %jit3A_124, %eq3A_125 : i32
        %jit3A_127 = arith.constant 1 : i32
        %select_n3A_128 = arith.select %eq3A_126, %jit3A_127, %jit3A_124 : i32
        %rem3A_129 = arith.remsi %add3A_84, %select_n3A_128 : i32
        %ne3A_130 = arith.constant 0 : i32
        %ne3A_131 = arith.cmpi ne, %rem3A_129, %ne3A_130 : i32
        %lt3A_132 = arith.constant 0 : i32
        %lt3A_133 = arith.cmpi slt, %rem3A_129, %lt3A_132 : i32
        %lt3A_134 = arith.constant 0 : i32
        %lt3A_135 = arith.cmpi slt, %select_n3A_128, %lt3A_134 : i32
        %ne3A_136 = arith.xori %lt3A_133, %lt3A_135 : i1
        %and3A_137 = arith.andi %ne3A_136, %ne3A_131 : i1
        %add3A_138 = arith.addi %rem3A_129, %select_n3A_128 : i32
        %select_n3A_139 = arith.select %and3A_137, %add3A_138, %rem3A_129 : i32
        %add3A_140 = arith.addi %mul3A_123, %select_n3A_139 : i32
        %dma_wait3A_141 = arith.constant 0 : i32
        %dma_wait3A_142 = tpu.memref_slice %arg6[%add3A_140, %dma_wait3A_141] : memref<48x128xi32, #tpu.memory_space<vmem>> -> memref<1x128xi32, #tpu.memory_space<vmem>>
        %dma_wait3A_143 = tpu.memref_squeeze %dma_wait3A_142 : memref<1x128xi32, #tpu.memory_space<vmem>> -> memref<128xi32, #tpu.memory_space<vmem>>
        %dma_wait3A_144 = arith.constant 0 : i32
        %dma_wait3A_145 = arith.constant 0 : i32
        %dma_wait3A_146 = tpu.memref_slice %arg2[%dma_wait3A_144, %dma_wait3A_145] : memref<10240x128xf32, #tpu.memory_space<hbm>> -> memref<10240x128xf32, #tpu.memory_space<hbm>>
        tpu.wait_indirect_dma semaphore(%arg11 : memref<!tpu.dma_semaphore, #tpu.memory_space<semaphore_mem>>) src(%dma_wait3A_146 : memref<10240x128xf32, #tpu.memory_space<hbm>>) dst(%arg8 : memref<128x128xf32, #tpu.memory_space<vmem>>)
        %ge3A = arith.constant 1 : i32
        %ge3A_147 = arith.cmpi sge, %add3A_84, %ge3A : i32
        %convert_element_type3A_148 = arith.extui %ge3A_147 : i1 to i32
        %cond3A_149 = arith.constant 0 : i32
        %cond3A_150 = arith.cmpi ne, %convert_element_type3A_148, %cond3A_149 : i32
        scf.if %cond3A_150 {
          %jit3A_429 = arith.constant 16 : i32
          %div3A_430 = arith.divsi %add3A_84, %jit3A_429 : i32
          %sign3A_431 = arith.constant 0 : i32
          %sign3A_432 = arith.cmpi sgt, %add3A_84, %sign3A_431 : i32
          %sign3A_433 = arith.extui %sign3A_432 : i1 to i32
          %sign3A_434 = arith.constant 0 : i32
          %sign3A_435 = arith.cmpi slt, %add3A_84, %sign3A_434 : i32
          %sign3A_436 = arith.extui %sign3A_435 : i1 to i32
          %sign3A_437 = arith.subi %sign3A_433, %sign3A_436 : i32
          %sign3A_438 = arith.constant 0 : i32
          %sign3A_439 = arith.cmpi sgt, %jit3A_429, %sign3A_438 : i32
          %sign3A_440 = arith.extui %sign3A_439 : i1 to i32
          %sign3A_441 = arith.constant 0 : i32
          %sign3A_442 = arith.cmpi slt, %jit3A_429, %sign3A_441 : i32
          %sign3A_443 = arith.extui %sign3A_442 : i1 to i32
          %sign3A_444 = arith.subi %sign3A_440, %sign3A_443 : i32
          %ne3A_445 = arith.cmpi ne, %sign3A_437, %sign3A_444 : i32
          %rem3A_446 = arith.remsi %add3A_84, %jit3A_429 : i32
          %ne3A_447 = arith.constant 0 : i32
          %ne3A_448 = arith.cmpi ne, %rem3A_446, %ne3A_447 : i32
          %and3A_449 = arith.andi %ne3A_445, %ne3A_448 : i1
          %sub3A_450 = arith.constant 1 : i32
          %sub3A_451 = arith.subi %div3A_430, %sub3A_450 : i32
          %select_n3A_452 = arith.select %and3A_449, %sub3A_451, %div3A_430 : i32
          %jit3A_453 = arith.constant 3 : i32
          %eq3A_454 = arith.constant 0 : i32
          %eq3A_455 = arith.cmpi eq, %jit3A_453, %eq3A_454 : i32
          %jit3A_456 = arith.constant 1 : i32
          %select_n3A_457 = arith.select %eq3A_455, %jit3A_456, %jit3A_453 : i32
          %rem3A_458 = arith.remsi %select_n3A_452, %select_n3A_457 : i32
          %ne3A_459 = arith.constant 0 : i32
          %ne3A_460 = arith.cmpi ne, %rem3A_458, %ne3A_459 : i32
          %lt3A_461 = arith.constant 0 : i32
          %lt3A_462 = arith.cmpi slt, %rem3A_458, %lt3A_461 : i32
          %lt3A_463 = arith.constant 0 : i32
          %lt3A_464 = arith.cmpi slt, %select_n3A_457, %lt3A_463 : i32
          %ne3A_465 = arith.xori %lt3A_462, %lt3A_464 : i1
          %and3A_466 = arith.andi %ne3A_465, %ne3A_460 : i1
          %add3A_467 = arith.addi %rem3A_458, %select_n3A_457 : i32
          %select_n3A_468 = arith.select %and3A_466, %add3A_467, %rem3A_458 : i32
          %mul3A_469 = arith.constant 16 : i32
          %mul3A_470 = arith.muli %select_n3A_468, %mul3A_469 : i32
          %jit3A_471 = arith.constant 16 : i32
          %eq3A_472 = arith.constant 0 : i32
          %eq3A_473 = arith.cmpi eq, %jit3A_471, %eq3A_472 : i32
          %jit3A_474 = arith.constant 1 : i32
          %select_n3A_475 = arith.select %eq3A_473, %jit3A_474, %jit3A_471 : i32
          %rem3A_476 = arith.remsi %add3A_84, %select_n3A_475 : i32
          %ne3A_477 = arith.constant 0 : i32
          %ne3A_478 = arith.cmpi ne, %rem3A_476, %ne3A_477 : i32
          %lt3A_479 = arith.constant 0 : i32
          %lt3A_480 = arith.cmpi slt, %rem3A_476, %lt3A_479 : i32
          %lt3A_481 = arith.constant 0 : i32
          %lt3A_482 = arith.cmpi slt, %select_n3A_475, %lt3A_481 : i32
          %ne3A_483 = arith.xori %lt3A_480, %lt3A_482 : i1
          %and3A_484 = arith.andi %ne3A_483, %ne3A_478 : i1
          %add3A_485 = arith.addi %rem3A_476, %select_n3A_475 : i32
          %select_n3A_486 = arith.select %and3A_484, %add3A_485, %rem3A_476 : i32
          %add3A_487 = arith.addi %mul3A_470, %select_n3A_486 : i32
          %dma_wait3A_488 = arith.constant 0 : i32
          %dma_wait3A_489 = tpu.memref_slice %arg7[%add3A_487, %dma_wait3A_488] : memref<48x128xi32, #tpu.memory_space<vmem>> -> memref<1x128xi32, #tpu.memory_space<vmem>>
          %dma_wait3A_490 = tpu.memref_squeeze %dma_wait3A_489 : memref<1x128xi32, #tpu.memory_space<vmem>> -> memref<128xi32, #tpu.memory_space<vmem>>
          %dma_wait3A_491 = arith.constant 0 : i32
          %dma_wait3A_492 = arith.constant 0 : i32
          %dma_wait3A_493 = tpu.memref_slice %arg10[%dma_wait3A_491, %dma_wait3A_492] : memref<10240x128xf32, #tpu.memory_space<vmem_shared>> -> memref<10240x128xf32, #tpu.memory_space<vmem_shared>>
          tpu.wait_indirect_dma semaphore(%arg14 : memref<!tpu.dma_semaphore, #tpu.memory_space<semaphore_mem>>) src(%arg9 : memref<128x128xf32, #tpu.memory_space<vmem>>) dst(%dma_wait3A_493 : memref<10240x128xf32, #tpu.memory_space<vmem_shared>>)
        } else {
        }
        %add3A_151 = arith.constant 1 : i32
        %add3A_152 = arith.addi %add3A_84, %add3A_151 : i32
        %jit3A_153 = arith.constant 16 : i32
        %div3A_154 = arith.divsi %add3A_152, %jit3A_153 : i32
        %sign3A_155 = arith.constant 0 : i32
        %sign3A_156 = arith.cmpi sgt, %add3A_152, %sign3A_155 : i32
        %sign3A_157 = arith.extui %sign3A_156 : i1 to i32
        %sign3A_158 = arith.constant 0 : i32
        %sign3A_159 = arith.cmpi slt, %add3A_152, %sign3A_158 : i32
        %sign3A_160 = arith.extui %sign3A_159 : i1 to i32
        %sign3A_161 = arith.subi %sign3A_157, %sign3A_160 : i32
        %sign3A_162 = arith.constant 0 : i32
        %sign3A_163 = arith.cmpi sgt, %jit3A_153, %sign3A_162 : i32
        %sign3A_164 = arith.extui %sign3A_163 : i1 to i32
        %sign3A_165 = arith.constant 0 : i32
        %sign3A_166 = arith.cmpi slt, %jit3A_153, %sign3A_165 : i32
        %sign3A_167 = arith.extui %sign3A_166 : i1 to i32
        %sign3A_168 = arith.subi %sign3A_164, %sign3A_167 : i32
        %ne3A_169 = arith.cmpi ne, %sign3A_161, %sign3A_168 : i32
        %rem3A_170 = arith.remsi %add3A_152, %jit3A_153 : i32
        %ne3A_171 = arith.constant 0 : i32
        %ne3A_172 = arith.cmpi ne, %rem3A_170, %ne3A_171 : i32
        %and3A_173 = arith.andi %ne3A_169, %ne3A_172 : i1
        %sub3A_174 = arith.constant 1 : i32
        %sub3A_175 = arith.subi %div3A_154, %sub3A_174 : i32
        %select_n3A_176 = arith.select %and3A_173, %sub3A_175, %div3A_154 : i32
        %jit3A_177 = arith.constant 3 : i32
        %eq3A_178 = arith.constant 0 : i32
        %eq3A_179 = arith.cmpi eq, %jit3A_177, %eq3A_178 : i32
        %jit3A_180 = arith.constant 1 : i32
        %select_n3A_181 = arith.select %eq3A_179, %jit3A_180, %jit3A_177 : i32
        %rem3A_182 = arith.remsi %select_n3A_176, %select_n3A_181 : i32
        %ne3A_183 = arith.constant 0 : i32
        %ne3A_184 = arith.cmpi ne, %rem3A_182, %ne3A_183 : i32
        %lt3A_185 = arith.constant 0 : i32
        %lt3A_186 = arith.cmpi slt, %rem3A_182, %lt3A_185 : i32
        %lt3A_187 = arith.constant 0 : i32
        %lt3A_188 = arith.cmpi slt, %select_n3A_181, %lt3A_187 : i32
        %ne3A_189 = arith.xori %lt3A_186, %lt3A_188 : i1
        %and3A_190 = arith.andi %ne3A_189, %ne3A_184 : i1
        %add3A_191 = arith.addi %rem3A_182, %select_n3A_181 : i32
        %select_n3A_192 = arith.select %and3A_190, %add3A_191, %rem3A_182 : i32
        %mul3A_193 = arith.constant 16 : i32
        %mul3A_194 = arith.muli %select_n3A_192, %mul3A_193 : i32
        %jit3A_195 = arith.constant 16 : i32
        %eq3A_196 = arith.constant 0 : i32
        %eq3A_197 = arith.cmpi eq, %jit3A_195, %eq3A_196 : i32
        %jit3A_198 = arith.constant 1 : i32
        %select_n3A_199 = arith.select %eq3A_197, %jit3A_198, %jit3A_195 : i32
        %rem3A_200 = arith.remsi %add3A_152, %select_n3A_199 : i32
        %ne3A_201 = arith.constant 0 : i32
        %ne3A_202 = arith.cmpi ne, %rem3A_200, %ne3A_201 : i32
        %lt3A_203 = arith.constant 0 : i32
        %lt3A_204 = arith.cmpi slt, %rem3A_200, %lt3A_203 : i32
        %lt3A_205 = arith.constant 0 : i32
        %lt3A_206 = arith.cmpi slt, %select_n3A_199, %lt3A_205 : i32
        %ne3A_207 = arith.xori %lt3A_204, %lt3A_206 : i1
        %and3A_208 = arith.andi %ne3A_207, %ne3A_202 : i1
        %add3A_209 = arith.addi %rem3A_200, %select_n3A_199 : i32
        %select_n3A_210 = arith.select %and3A_208, %add3A_209, %rem3A_200 : i32
        %add3A_211 = arith.addi %mul3A_194, %select_n3A_210 : i32
        %dma_start3A_212 = arith.constant 0 : i32
        %dma_start3A_213 = tpu.memref_slice %arg6[%add3A_211, %dma_start3A_212] : memref<48x128xi32, #tpu.memory_space<vmem>> -> memref<1x128xi32, #tpu.memory_space<vmem>>
        %dma_start3A_214 = tpu.memref_squeeze %dma_start3A_213 : memref<1x128xi32, #tpu.memory_space<vmem>> -> memref<128xi32, #tpu.memory_space<vmem>>
        %dma_start3A_215 = arith.constant 0 : i32
        %dma_start3A_216 = arith.constant 0 : i32
        %dma_start3A_217 = tpu.memref_slice %arg2[%dma_start3A_215, %dma_start3A_216] : memref<10240x128xf32, #tpu.memory_space<hbm>> -> memref<10240x128xf32, #tpu.memory_space<hbm>>
        tpu.enqueue_indirect_dma source(%dma_start3A_217 : memref<10240x128xf32, #tpu.memory_space<hbm>>) target(%arg9 : memref<128x128xf32, #tpu.memory_space<vmem>>) offsets(%dma_start3A_214 : memref<128xi32, #tpu.memory_space<vmem>>) semaphore(%arg12 : memref<!tpu.dma_semaphore, #tpu.memory_space<semaphore_mem>>)
        %jit3A_218 = arith.constant 16 : i32
        %div3A_219 = arith.divsi %add3A_84, %jit3A_218 : i32
        %sign3A_220 = arith.constant 0 : i32
        %sign3A_221 = arith.cmpi sgt, %add3A_84, %sign3A_220 : i32
        %sign3A_222 = arith.extui %sign3A_221 : i1 to i32
        %sign3A_223 = arith.constant 0 : i32
        %sign3A_224 = arith.cmpi slt, %add3A_84, %sign3A_223 : i32
        %sign3A_225 = arith.extui %sign3A_224 : i1 to i32
        %sign3A_226 = arith.subi %sign3A_222, %sign3A_225 : i32
        %sign3A_227 = arith.constant 0 : i32
        %sign3A_228 = arith.cmpi sgt, %jit3A_218, %sign3A_227 : i32
        %sign3A_229 = arith.extui %sign3A_228 : i1 to i32
        %sign3A_230 = arith.constant 0 : i32
        %sign3A_231 = arith.cmpi slt, %jit3A_218, %sign3A_230 : i32
        %sign3A_232 = arith.extui %sign3A_231 : i1 to i32
        %sign3A_233 = arith.subi %sign3A_229, %sign3A_232 : i32
        %ne3A_234 = arith.cmpi ne, %sign3A_226, %sign3A_233 : i32
        %rem3A_235 = arith.remsi %add3A_84, %jit3A_218 : i32
        %ne3A_236 = arith.constant 0 : i32
        %ne3A_237 = arith.cmpi ne, %rem3A_235, %ne3A_236 : i32
        %and3A_238 = arith.andi %ne3A_234, %ne3A_237 : i1
        %sub3A_239 = arith.constant 1 : i32
        %sub3A_240 = arith.subi %div3A_219, %sub3A_239 : i32
        %select_n3A_241 = arith.select %and3A_238, %sub3A_240, %div3A_219 : i32
        %jit3A_242 = arith.constant 3 : i32
        %eq3A_243 = arith.constant 0 : i32
        %eq3A_244 = arith.cmpi eq, %jit3A_242, %eq3A_243 : i32
        %jit3A_245 = arith.constant 1 : i32
        %select_n3A_246 = arith.select %eq3A_244, %jit3A_245, %jit3A_242 : i32
        %rem3A_247 = arith.remsi %select_n3A_241, %select_n3A_246 : i32
        %ne3A_248 = arith.constant 0 : i32
        %ne3A_249 = arith.cmpi ne, %rem3A_247, %ne3A_248 : i32
        %lt3A_250 = arith.constant 0 : i32
        %lt3A_251 = arith.cmpi slt, %rem3A_247, %lt3A_250 : i32
        %lt3A_252 = arith.constant 0 : i32
        %lt3A_253 = arith.cmpi slt, %select_n3A_246, %lt3A_252 : i32
        %ne3A_254 = arith.xori %lt3A_251, %lt3A_253 : i1
        %and3A_255 = arith.andi %ne3A_254, %ne3A_249 : i1
        %add3A_256 = arith.addi %rem3A_247, %select_n3A_246 : i32
        %select_n3A_257 = arith.select %and3A_255, %add3A_256, %rem3A_247 : i32
        %mul3A_258 = arith.constant 16 : i32
        %mul3A_259 = arith.muli %select_n3A_257, %mul3A_258 : i32
        %jit3A_260 = arith.constant 16 : i32
        %eq3A_261 = arith.constant 0 : i32
        %eq3A_262 = arith.cmpi eq, %jit3A_260, %eq3A_261 : i32
        %jit3A_263 = arith.constant 1 : i32
        %select_n3A_264 = arith.select %eq3A_262, %jit3A_263, %jit3A_260 : i32
        %rem3A_265 = arith.remsi %add3A_84, %select_n3A_264 : i32
        %ne3A_266 = arith.constant 0 : i32
        %ne3A_267 = arith.cmpi ne, %rem3A_265, %ne3A_266 : i32
        %lt3A_268 = arith.constant 0 : i32
        %lt3A_269 = arith.cmpi slt, %rem3A_265, %lt3A_268 : i32
        %lt3A_270 = arith.constant 0 : i32
        %lt3A_271 = arith.cmpi slt, %select_n3A_264, %lt3A_270 : i32
        %ne3A_272 = arith.xori %lt3A_269, %lt3A_271 : i1
        %and3A_273 = arith.andi %ne3A_272, %ne3A_267 : i1
        %add3A_274 = arith.addi %rem3A_265, %select_n3A_264 : i32
        %select_n3A_275 = arith.select %and3A_273, %add3A_274, %rem3A_265 : i32
        %add3A_276 = arith.addi %mul3A_259, %select_n3A_275 : i32
        %dma_start3A_277 = arith.constant 0 : i32
        %dma_start3A_278 = tpu.memref_slice %arg7[%add3A_276, %dma_start3A_277] : memref<48x128xi32, #tpu.memory_space<vmem>> -> memref<1x128xi32, #tpu.memory_space<vmem>>
        %dma_start3A_279 = tpu.memref_squeeze %dma_start3A_278 : memref<1x128xi32, #tpu.memory_space<vmem>> -> memref<128xi32, #tpu.memory_space<vmem>>
        %dma_start3A_280 = arith.constant 0 : i32
        %dma_start3A_281 = arith.constant 0 : i32
        %dma_start3A_282 = tpu.memref_slice %arg10[%dma_start3A_280, %dma_start3A_281] : memref<10240x128xf32, #tpu.memory_space<vmem_shared>> -> memref<10240x128xf32, #tpu.memory_space<vmem_shared>>
        tpu.enqueue_indirect_dma source(%arg8 : memref<128x128xf32, #tpu.memory_space<vmem>>) target(%dma_start3A_282 : memref<10240x128xf32, #tpu.memory_space<vmem_shared>>) offsets(%dma_start3A_279 : memref<128xi32, #tpu.memory_space<vmem>>) semaphore(%arg13 : memref<!tpu.dma_semaphore, #tpu.memory_space<semaphore_mem>>) {add = true}
        %mul3A_283 = arith.constant 2 : i32
        %mul3A_284 = arith.muli %scan3A_78, %mul3A_283 : i32
        %add3A_285 = arith.addi %mul3A_44, %mul3A_284 : i32
        %add3A_286 = arith.constant 1 : i32
        %add3A_287 = arith.addi %add3A_285, %add3A_286 : i32
        %jit3A_288 = arith.constant 16 : i32
        %div3A_289 = arith.divsi %add3A_287, %jit3A_288 : i32
        %sign3A_290 = arith.constant 0 : i32
        %sign3A_291 = arith.cmpi sgt, %add3A_287, %sign3A_290 : i32
        %sign3A_292 = arith.extui %sign3A_291 : i1 to i32
        %sign3A_293 = arith.constant 0 : i32
        %sign3A_294 = arith.cmpi slt, %add3A_287, %sign3A_293 : i32
        %sign3A_295 = arith.extui %sign3A_294 : i1 to i32
        %sign3A_296 = arith.subi %sign3A_292, %sign3A_295 : i32
        %sign3A_297 = arith.constant 0 : i32
        %sign3A_298 = arith.cmpi sgt, %jit3A_288, %sign3A_297 : i32
        %sign3A_299 = arith.extui %sign3A_298 : i1 to i32
        %sign3A_300 = arith.constant 0 : i32
        %sign3A_301 = arith.cmpi slt, %jit3A_288, %sign3A_300 : i32
        %sign3A_302 = arith.extui %sign3A_301 : i1 to i32
        %sign3A_303 = arith.subi %sign3A_299, %sign3A_302 : i32
        %ne3A_304 = arith.cmpi ne, %sign3A_296, %sign3A_303 : i32
        %rem3A_305 = arith.remsi %add3A_287, %jit3A_288 : i32
        %ne3A_306 = arith.constant 0 : i32
        %ne3A_307 = arith.cmpi ne, %rem3A_305, %ne3A_306 : i32
        %and3A_308 = arith.andi %ne3A_304, %ne3A_307 : i1
        %sub3A_309 = arith.constant 1 : i32
        %sub3A_310 = arith.subi %div3A_289, %sub3A_309 : i32
        %select_n3A_311 = arith.select %and3A_308, %sub3A_310, %div3A_289 : i32
        %jit3A_312 = arith.constant 3 : i32
        %eq3A_313 = arith.constant 0 : i32
        %eq3A_314 = arith.cmpi eq, %jit3A_312, %eq3A_313 : i32
        %jit3A_315 = arith.constant 1 : i32
        %select_n3A_316 = arith.select %eq3A_314, %jit3A_315, %jit3A_312 : i32
        %rem3A_317 = arith.remsi %select_n3A_311, %select_n3A_316 : i32
        %ne3A_318 = arith.constant 0 : i32
        %ne3A_319 = arith.cmpi ne, %rem3A_317, %ne3A_318 : i32
        %lt3A_320 = arith.constant 0 : i32
        %lt3A_321 = arith.cmpi slt, %rem3A_317, %lt3A_320 : i32
        %lt3A_322 = arith.constant 0 : i32
        %lt3A_323 = arith.cmpi slt, %select_n3A_316, %lt3A_322 : i32
        %ne3A_324 = arith.xori %lt3A_321, %lt3A_323 : i1
        %and3A_325 = arith.andi %ne3A_324, %ne3A_319 : i1
        %add3A_326 = arith.addi %rem3A_317, %select_n3A_316 : i32
        %select_n3A_327 = arith.select %and3A_325, %add3A_326, %rem3A_317 : i32
        %mul3A_328 = arith.constant 16 : i32
        %mul3A_329 = arith.muli %select_n3A_327, %mul3A_328 : i32
        %jit3A_330 = arith.constant 16 : i32
        %eq3A_331 = arith.constant 0 : i32
        %eq3A_332 = arith.cmpi eq, %jit3A_330, %eq3A_331 : i32
        %jit3A_333 = arith.constant 1 : i32
        %select_n3A_334 = arith.select %eq3A_332, %jit3A_333, %jit3A_330 : i32
        %rem3A_335 = arith.remsi %add3A_287, %select_n3A_334 : i32
        %ne3A_336 = arith.constant 0 : i32
        %ne3A_337 = arith.cmpi ne, %rem3A_335, %ne3A_336 : i32
        %lt3A_338 = arith.constant 0 : i32
        %lt3A_339 = arith.cmpi slt, %rem3A_335, %lt3A_338 : i32
        %lt3A_340 = arith.constant 0 : i32
        %lt3A_341 = arith.cmpi slt, %select_n3A_334, %lt3A_340 : i32
        %ne3A_342 = arith.xori %lt3A_339, %lt3A_341 : i1
        %and3A_343 = arith.andi %ne3A_342, %ne3A_337 : i1
        %add3A_344 = arith.addi %rem3A_335, %select_n3A_334 : i32
        %select_n3A_345 = arith.select %and3A_343, %add3A_344, %rem3A_335 : i32
        %add3A_346 = arith.addi %mul3A_329, %select_n3A_345 : i32
        %dma_wait3A_347 = arith.constant 0 : i32
        %dma_wait3A_348 = tpu.memref_slice %arg6[%add3A_346, %dma_wait3A_347] : memref<48x128xi32, #tpu.memory_space<vmem>> -> memref<1x128xi32, #tpu.memory_space<vmem>>
        %dma_wait3A_349 = tpu.memref_squeeze %dma_wait3A_348 : memref<1x128xi32, #tpu.memory_space<vmem>> -> memref<128xi32, #tpu.memory_space<vmem>>
        %dma_wait3A_350 = arith.constant 0 : i32
        %dma_wait3A_351 = arith.constant 0 : i32
        %dma_wait3A_352 = tpu.memref_slice %arg2[%dma_wait3A_350, %dma_wait3A_351] : memref<10240x128xf32, #tpu.memory_space<hbm>> -> memref<10240x128xf32, #tpu.memory_space<hbm>>
        tpu.wait_indirect_dma semaphore(%arg12 : memref<!tpu.dma_semaphore, #tpu.memory_space<semaphore_mem>>) src(%dma_wait3A_352 : memref<10240x128xf32, #tpu.memory_space<hbm>>) dst(%arg9 : memref<128x128xf32, #tpu.memory_space<vmem>>)
        %ge3A_353 = arith.constant 1 : i32
        %ge3A_354 = arith.cmpi sge, %add3A_287, %ge3A_353 : i32
        %convert_element_type3A_355 = arith.extui %ge3A_354 : i1 to i32
        %cond3A_356 = arith.constant 0 : i32
        %cond3A_357 = arith.cmpi ne, %convert_element_type3A_355, %cond3A_356 : i32
        scf.if %cond3A_357 {
          %jit3A_429 = arith.constant 16 : i32
          %div3A_430 = arith.divsi %add3A_287, %jit3A_429 : i32
          %sign3A_431 = arith.constant 0 : i32
          %sign3A_432 = arith.cmpi sgt, %add3A_287, %sign3A_431 : i32
          %sign3A_433 = arith.extui %sign3A_432 : i1 to i32
          %sign3A_434 = arith.constant 0 : i32
          %sign3A_435 = arith.cmpi slt, %add3A_287, %sign3A_434 : i32
          %sign3A_436 = arith.extui %sign3A_435 : i1 to i32
          %sign3A_437 = arith.subi %sign3A_433, %sign3A_436 : i32
          %sign3A_438 = arith.constant 0 : i32
          %sign3A_439 = arith.cmpi sgt, %jit3A_429, %sign3A_438 : i32
          %sign3A_440 = arith.extui %sign3A_439 : i1 to i32
          %sign3A_441 = arith.constant 0 : i32
          %sign3A_442 = arith.cmpi slt, %jit3A_429, %sign3A_441 : i32
          %sign3A_443 = arith.extui %sign3A_442 : i1 to i32
          %sign3A_444 = arith.subi %sign3A_440, %sign3A_443 : i32
          %ne3A_445 = arith.cmpi ne, %sign3A_437, %sign3A_444 : i32
          %rem3A_446 = arith.remsi %add3A_287, %jit3A_429 : i32
          %ne3A_447 = arith.constant 0 : i32
          %ne3A_448 = arith.cmpi ne, %rem3A_446, %ne3A_447 : i32
          %and3A_449 = arith.andi %ne3A_445, %ne3A_448 : i1
          %sub3A_450 = arith.constant 1 : i32
          %sub3A_451 = arith.subi %div3A_430, %sub3A_450 : i32
          %select_n3A_452 = arith.select %and3A_449, %sub3A_451, %div3A_430 : i32
          %jit3A_453 = arith.constant 3 : i32
          %eq3A_454 = arith.constant 0 : i32
          %eq3A_455 = arith.cmpi eq, %jit3A_453, %eq3A_454 : i32
          %jit3A_456 = arith.constant 1 : i32
          %select_n3A_457 = arith.select %eq3A_455, %jit3A_456, %jit3A_453 : i32
          %rem3A_458 = arith.remsi %select_n3A_452, %select_n3A_457 : i32
          %ne3A_459 = arith.constant 0 : i32
          %ne3A_460 = arith.cmpi ne, %rem3A_458, %ne3A_459 : i32
          %lt3A_461 = arith.constant 0 : i32
          %lt3A_462 = arith.cmpi slt, %rem3A_458, %lt3A_461 : i32
          %lt3A_463 = arith.constant 0 : i32
          %lt3A_464 = arith.cmpi slt, %select_n3A_457, %lt3A_463 : i32
          %ne3A_465 = arith.xori %lt3A_462, %lt3A_464 : i1
          %and3A_466 = arith.andi %ne3A_465, %ne3A_460 : i1
          %add3A_467 = arith.addi %rem3A_458, %select_n3A_457 : i32
          %select_n3A_468 = arith.select %and3A_466, %add3A_467, %rem3A_458 : i32
          %mul3A_469 = arith.constant 16 : i32
          %mul3A_470 = arith.muli %select_n3A_468, %mul3A_469 : i32
          %jit3A_471 = arith.constant 16 : i32
          %eq3A_472 = arith.constant 0 : i32
          %eq3A_473 = arith.cmpi eq, %jit3A_471, %eq3A_472 : i32
          %jit3A_474 = arith.constant 1 : i32
          %select_n3A_475 = arith.select %eq3A_473, %jit3A_474, %jit3A_471 : i32
          %rem3A_476 = arith.remsi %add3A_287, %select_n3A_475 : i32
          %ne3A_477 = arith.constant 0 : i32
          %ne3A_478 = arith.cmpi ne, %rem3A_476, %ne3A_477 : i32
          %lt3A_479 = arith.constant 0 : i32
          %lt3A_480 = arith.cmpi slt, %rem3A_476, %lt3A_479 : i32
          %lt3A_481 = arith.constant 0 : i32
          %lt3A_482 = arith.cmpi slt, %select_n3A_475, %lt3A_481 : i32
          %ne3A_483 = arith.xori %lt3A_480, %lt3A_482 : i1
          %and3A_484 = arith.andi %ne3A_483, %ne3A_478 : i1
          %add3A_485 = arith.addi %rem3A_476, %select_n3A_475 : i32
          %select_n3A_486 = arith.select %and3A_484, %add3A_485, %rem3A_476 : i32
          %add3A_487 = arith.addi %mul3A_470, %select_n3A_486 : i32
          %dma_wait3A_488 = arith.constant 0 : i32
          %dma_wait3A_489 = tpu.memref_slice %arg7[%add3A_487, %dma_wait3A_488] : memref<48x128xi32, #tpu.memory_space<vmem>> -> memref<1x128xi32, #tpu.memory_space<vmem>>
          %dma_wait3A_490 = tpu.memref_squeeze %dma_wait3A_489 : memref<1x128xi32, #tpu.memory_space<vmem>> -> memref<128xi32, #tpu.memory_space<vmem>>
          %dma_wait3A_491 = arith.constant 0 : i32
          %dma_wait3A_492 = arith.constant 0 : i32
          %dma_wait3A_493 = tpu.memref_slice %arg10[%dma_wait3A_491, %dma_wait3A_492] : memref<10240x128xf32, #tpu.memory_space<vmem_shared>> -> memref<10240x128xf32, #tpu.memory_space<vmem_shared>>
          tpu.wait_indirect_dma semaphore(%arg13 : memref<!tpu.dma_semaphore, #tpu.memory_space<semaphore_mem>>) src(%arg8 : memref<128x128xf32, #tpu.memory_space<vmem>>) dst(%dma_wait3A_493 : memref<10240x128xf32, #tpu.memory_space<vmem_shared>>)
        } else {
        }
        %lt3A_358 = arith.constant 7 : i32
        %lt3A_359 = arith.cmpi slt, %scan3A_78, %lt3A_358 : i32
        %convert_element_type3A_360 = arith.extui %lt3A_359 : i1 to i32
        %cond3A_361 = arith.constant 0 : i32
        %cond3A_362 = arith.cmpi ne, %convert_element_type3A_360, %cond3A_361 : i32
        scf.if %cond3A_362 {
          %add3A_429 = arith.constant 1 : i32
          %add3A_430 = arith.addi %add3A_287, %add3A_429 : i32
          %jit3A_431 = arith.constant 16 : i32
          %div3A_432 = arith.divsi %add3A_430, %jit3A_431 : i32
          %sign3A_433 = arith.constant 0 : i32
          %sign3A_434 = arith.cmpi sgt, %add3A_430, %sign3A_433 : i32
          %sign3A_435 = arith.extui %sign3A_434 : i1 to i32
          %sign3A_436 = arith.constant 0 : i32
          %sign3A_437 = arith.cmpi slt, %add3A_430, %sign3A_436 : i32
          %sign3A_438 = arith.extui %sign3A_437 : i1 to i32
          %sign3A_439 = arith.subi %sign3A_435, %sign3A_438 : i32
          %sign3A_440 = arith.constant 0 : i32
          %sign3A_441 = arith.cmpi sgt, %jit3A_431, %sign3A_440 : i32
          %sign3A_442 = arith.extui %sign3A_441 : i1 to i32
          %sign3A_443 = arith.constant 0 : i32
          %sign3A_444 = arith.cmpi slt, %jit3A_431, %sign3A_443 : i32
          %sign3A_445 = arith.extui %sign3A_444 : i1 to i32
          %sign3A_446 = arith.subi %sign3A_442, %sign3A_445 : i32
          %ne3A_447 = arith.cmpi ne, %sign3A_439, %sign3A_446 : i32
          %rem3A_448 = arith.remsi %add3A_430, %jit3A_431 : i32
          %ne3A_449 = arith.constant 0 : i32
          %ne3A_450 = arith.cmpi ne, %rem3A_448, %ne3A_449 : i32
          %and3A_451 = arith.andi %ne3A_447, %ne3A_450 : i1
          %sub3A_452 = arith.constant 1 : i32
          %sub3A_453 = arith.subi %div3A_432, %sub3A_452 : i32
          %select_n3A_454 = arith.select %and3A_451, %sub3A_453, %div3A_432 : i32
          %jit3A_455 = arith.constant 3 : i32
          %eq3A_456 = arith.constant 0 : i32
          %eq3A_457 = arith.cmpi eq, %jit3A_455, %eq3A_456 : i32
          %jit3A_458 = arith.constant 1 : i32
          %select_n3A_459 = arith.select %eq3A_457, %jit3A_458, %jit3A_455 : i32
          %rem3A_460 = arith.remsi %select_n3A_454, %select_n3A_459 : i32
          %ne3A_461 = arith.constant 0 : i32
          %ne3A_462 = arith.cmpi ne, %rem3A_460, %ne3A_461 : i32
          %lt3A_463 = arith.constant 0 : i32
          %lt3A_464 = arith.cmpi slt, %rem3A_460, %lt3A_463 : i32
          %lt3A_465 = arith.constant 0 : i32
          %lt3A_466 = arith.cmpi slt, %select_n3A_459, %lt3A_465 : i32
          %ne3A_467 = arith.xori %lt3A_464, %lt3A_466 : i1
          %and3A_468 = arith.andi %ne3A_467, %ne3A_462 : i1
          %add3A_469 = arith.addi %rem3A_460, %select_n3A_459 : i32
          %select_n3A_470 = arith.select %and3A_468, %add3A_469, %rem3A_460 : i32
          %mul3A_471 = arith.constant 16 : i32
          %mul3A_472 = arith.muli %select_n3A_470, %mul3A_471 : i32
          %jit3A_473 = arith.constant 16 : i32
          %eq3A_474 = arith.constant 0 : i32
          %eq3A_475 = arith.cmpi eq, %jit3A_473, %eq3A_474 : i32
          %jit3A_476 = arith.constant 1 : i32
          %select_n3A_477 = arith.select %eq3A_475, %jit3A_476, %jit3A_473 : i32
          %rem3A_478 = arith.remsi %add3A_430, %select_n3A_477 : i32
          %ne3A_479 = arith.constant 0 : i32
          %ne3A_480 = arith.cmpi ne, %rem3A_478, %ne3A_479 : i32
          %lt3A_481 = arith.constant 0 : i32
          %lt3A_482 = arith.cmpi slt, %rem3A_478, %lt3A_481 : i32
          %lt3A_483 = arith.constant 0 : i32
          %lt3A_484 = arith.cmpi slt, %select_n3A_477, %lt3A_483 : i32
          %ne3A_485 = arith.xori %lt3A_482, %lt3A_484 : i1
          %and3A_486 = arith.andi %ne3A_485, %ne3A_480 : i1
          %add3A_487 = arith.addi %rem3A_478, %select_n3A_477 : i32
          %select_n3A_488 = arith.select %and3A_486, %add3A_487, %rem3A_478 : i32
          %add3A_489 = arith.addi %mul3A_472, %select_n3A_488 : i32
          %dma_start3A_490 = arith.constant 0 : i32
          %dma_start3A_491 = tpu.memref_slice %arg6[%add3A_489, %dma_start3A_490] : memref<48x128xi32, #tpu.memory_space<vmem>> -> memref<1x128xi32, #tpu.memory_space<vmem>>
          %dma_start3A_492 = tpu.memref_squeeze %dma_start3A_491 : memref<1x128xi32, #tpu.memory_space<vmem>> -> memref<128xi32, #tpu.memory_space<vmem>>
          %dma_start3A_493 = arith.constant 0 : i32
          %dma_start3A_494 = arith.constant 0 : i32
          %dma_start3A_495 = tpu.memref_slice %arg2[%dma_start3A_493, %dma_start3A_494] : memref<10240x128xf32, #tpu.memory_space<hbm>> -> memref<10240x128xf32, #tpu.memory_space<hbm>>
          tpu.enqueue_indirect_dma source(%dma_start3A_495 : memref<10240x128xf32, #tpu.memory_space<hbm>>) target(%arg8 : memref<128x128xf32, #tpu.memory_space<vmem>>) offsets(%dma_start3A_492 : memref<128xi32, #tpu.memory_space<vmem>>) semaphore(%arg11 : memref<!tpu.dma_semaphore, #tpu.memory_space<semaphore_mem>>)
        } else {
        }
        %jit3A_363 = arith.constant 16 : i32
        %div3A_364 = arith.divsi %add3A_287, %jit3A_363 : i32
        %sign3A_365 = arith.constant 0 : i32
        %sign3A_366 = arith.cmpi sgt, %add3A_287, %sign3A_365 : i32
        %sign3A_367 = arith.extui %sign3A_366 : i1 to i32
        %sign3A_368 = arith.constant 0 : i32
        %sign3A_369 = arith.cmpi slt, %add3A_287, %sign3A_368 : i32
        %sign3A_370 = arith.extui %sign3A_369 : i1 to i32
        %sign3A_371 = arith.subi %sign3A_367, %sign3A_370 : i32
        %sign3A_372 = arith.constant 0 : i32
        %sign3A_373 = arith.cmpi sgt, %jit3A_363, %sign3A_372 : i32
        %sign3A_374 = arith.extui %sign3A_373 : i1 to i32
        %sign3A_375 = arith.constant 0 : i32
        %sign3A_376 = arith.cmpi slt, %jit3A_363, %sign3A_375 : i32
        %sign3A_377 = arith.extui %sign3A_376 : i1 to i32
        %sign3A_378 = arith.subi %sign3A_374, %sign3A_377 : i32
        %ne3A_379 = arith.cmpi ne, %sign3A_371, %sign3A_378 : i32
        %rem3A_380 = arith.remsi %add3A_287, %jit3A_363 : i32
        %ne3A_381 = arith.constant 0 : i32
        %ne3A_382 = arith.cmpi ne, %rem3A_380, %ne3A_381 : i32
        %and3A_383 = arith.andi %ne3A_379, %ne3A_382 : i1
        %sub3A_384 = arith.constant 1 : i32
        %sub3A_385 = arith.subi %div3A_364, %sub3A_384 : i32
        %select_n3A_386 = arith.select %and3A_383, %sub3A_385, %div3A_364 : i32
        %jit3A_387 = arith.constant 3 : i32
        %eq3A_388 = arith.constant 0 : i32
        %eq3A_389 = arith.cmpi eq, %jit3A_387, %eq3A_388 : i32
        %jit3A_390 = arith.constant 1 : i32
        %select_n3A_391 = arith.select %eq3A_389, %jit3A_390, %jit3A_387 : i32
        %rem3A_392 = arith.remsi %select_n3A_386, %select_n3A_391 : i32
        %ne3A_393 = arith.constant 0 : i32
        %ne3A_394 = arith.cmpi ne, %rem3A_392, %ne3A_393 : i32
        %lt3A_395 = arith.constant 0 : i32
        %lt3A_396 = arith.cmpi slt, %rem3A_392, %lt3A_395 : i32
        %lt3A_397 = arith.constant 0 : i32
        %lt3A_398 = arith.cmpi slt, %select_n3A_391, %lt3A_397 : i32
        %ne3A_399 = arith.xori %lt3A_396, %lt3A_398 : i1
        %and3A_400 = arith.andi %ne3A_399, %ne3A_394 : i1
        %add3A_401 = arith.addi %rem3A_392, %select_n3A_391 : i32
        %select_n3A_402 = arith.select %and3A_400, %add3A_401, %rem3A_392 : i32
        %mul3A_403 = arith.constant 16 : i32
        %mul3A_404 = arith.muli %select_n3A_402, %mul3A_403 : i32
        %jit3A_405 = arith.constant 16 : i32
        %eq3A_406 = arith.constant 0 : i32
        %eq3A_407 = arith.cmpi eq, %jit3A_405, %eq3A_406 : i32
        %jit3A_408 = arith.constant 1 : i32
        %select_n3A_409 = arith.select %eq3A_407, %jit3A_408, %jit3A_405 : i32
        %rem3A_410 = arith.remsi %add3A_287, %select_n3A_409 : i32
        %ne3A_411 = arith.constant 0 : i32
        %ne3A_412 = arith.cmpi ne, %rem3A_410, %ne3A_411 : i32
        %lt3A_413 = arith.constant 0 : i32
        %lt3A_414 = arith.cmpi slt, %rem3A_410, %lt3A_413 : i32
        %lt3A_415 = arith.constant 0 : i32
        %lt3A_416 = arith.cmpi slt, %select_n3A_409, %lt3A_415 : i32
        %ne3A_417 = arith.xori %lt3A_414, %lt3A_416 : i1
        %and3A_418 = arith.andi %ne3A_417, %ne3A_412 : i1
        %add3A_419 = arith.addi %rem3A_410, %select_n3A_409 : i32
        %select_n3A_420 = arith.select %and3A_418, %add3A_419, %rem3A_410 : i32
        %add3A_421 = arith.addi %mul3A_404, %select_n3A_420 : i32
        %dma_start3A_422 = arith.constant 0 : i32
        %dma_start3A_423 = tpu.memref_slice %arg7[%add3A_421, %dma_start3A_422] : memref<48x128xi32, #tpu.memory_space<vmem>> -> memref<1x128xi32, #tpu.memory_space<vmem>>
        %dma_start3A_424 = tpu.memref_squeeze %dma_start3A_423 : memref<1x128xi32, #tpu.memory_space<vmem>> -> memref<128xi32, #tpu.memory_space<vmem>>
        %dma_start3A_425 = arith.constant 0 : i32
        %dma_start3A_426 = arith.constant 0 : i32
        %dma_start3A_427 = tpu.memref_slice %arg10[%dma_start3A_425, %dma_start3A_426] : memref<10240x128xf32, #tpu.memory_space<vmem_shared>> -> memref<10240x128xf32, #tpu.memory_space<vmem_shared>>
        tpu.enqueue_indirect_dma source(%arg9 : memref<128x128xf32, #tpu.memory_space<vmem>>) target(%dma_start3A_427 : memref<10240x128xf32, #tpu.memory_space<vmem_shared>>) offsets(%dma_start3A_424 : memref<128xi32, #tpu.memory_space<vmem>>) semaphore(%arg14 : memref<!tpu.dma_semaphore, #tpu.memory_space<semaphore_mem>>) {add = true}
        %scan3A_428 = arith.constant 0 : i32
        scf.yield %scan3A_428 : i32
      }
      %scan3A_69 = arith.constant 8 : i32
      %add3A_70 = arith.constant 1 : i32
      %add3A_71 = arith.addi %scan3A_41, %add3A_70 : i32
      %lt3A_72 = arith.constant 5 : i32
      %lt3A_73 = arith.cmpi slt, %add3A_71, %lt3A_72 : i32
      %convert_element_type3A_74 = arith.extui %lt3A_73 : i1 to i32
      %cond3A_75 = arith.constant 0 : i32
      %cond3A_76 = arith.cmpi ne, %convert_element_type3A_74, %cond3A_75 : i32
      scf.if %cond3A_76 {
        %add3A_78 = arith.addi %mul3A_2, %mul3A_44 : i32
        %add3A_79 = arith.constant 16 : i32
        %add3A_80 = arith.addi %add3A_78, %add3A_79 : i32
        %dma_wait3A_81 = arith.constant 0 : i32
        %dma_wait3A_82 = tpu.memref_slice %arg6[%mul3A_57, %dma_wait3A_81] : memref<48x128xi32, #tpu.memory_space<vmem>> -> memref<16x128xi32, #tpu.memory_space<vmem>>
        %dma_wait3A_83 = arith.constant 0 : i32
        %dma_wait3A_84 = tpu.memref_slice %arg3[%add3A_80, %dma_wait3A_83] : memref<2560x128xi32, #tpu.memory_space<hbm>> -> memref<16x128xi32, #tpu.memory_space<hbm>>
        %dma_wait3A_85 = arith.constant 0 : i32
        %dma_wait3A_86 = tpu.memref_slice %arg6[%mul3A_57, %dma_wait3A_85] : memref<48x128xi32, #tpu.memory_space<vmem>> -> memref<16x128xi32, #tpu.memory_space<vmem>>
        %dma_wait3A_87 = arith.constant 0 : i32
        %dma_wait3A_88 = tpu.memref_slice %arg3[%add3A_80, %dma_wait3A_87] : memref<2560x128xi32, #tpu.memory_space<hbm>> -> memref<16x128xi32, #tpu.memory_space<hbm>>
        tpu.wait_dma2 semaphore(%arg15 : memref<!tpu.dma_semaphore, #tpu.memory_space<semaphore_mem>>) src(%dma_wait3A_88 : memref<16x128xi32, #tpu.memory_space<hbm>>) dst(%dma_wait3A_86 : memref<16x128xi32, #tpu.memory_space<vmem>>)
        %add3A_89 = arith.addi %mul3A_2, %mul3A_44 : i32
        %add3A_90 = arith.constant 16 : i32
        %add3A_91 = arith.addi %add3A_89, %add3A_90 : i32
        %dma_wait3A_92 = arith.constant 0 : i32
        %dma_wait3A_93 = tpu.memref_slice %arg7[%mul3A_57, %dma_wait3A_92] : memref<48x128xi32, #tpu.memory_space<vmem>> -> memref<16x128xi32, #tpu.memory_space<vmem>>
        %dma_wait3A_94 = arith.constant 0 : i32
        %dma_wait3A_95 = tpu.memref_slice %arg4[%add3A_91, %dma_wait3A_94] : memref<2560x128xi32, #tpu.memory_space<hbm>> -> memref<16x128xi32, #tpu.memory_space<hbm>>
        %dma_wait3A_96 = arith.constant 0 : i32
        %dma_wait3A_97 = tpu.memref_slice %arg7[%mul3A_57, %dma_wait3A_96] : memref<48x128xi32, #tpu.memory_space<vmem>> -> memref<16x128xi32, #tpu.memory_space<vmem>>
        %dma_wait3A_98 = arith.constant 0 : i32
        %dma_wait3A_99 = tpu.memref_slice %arg4[%add3A_91, %dma_wait3A_98] : memref<2560x128xi32, #tpu.memory_space<hbm>> -> memref<16x128xi32, #tpu.memory_space<hbm>>
        tpu.wait_dma2 semaphore(%arg15 : memref<!tpu.dma_semaphore, #tpu.memory_space<semaphore_mem>>) src(%dma_wait3A_99 : memref<16x128xi32, #tpu.memory_space<hbm>>) dst(%dma_wait3A_97 : memref<16x128xi32, #tpu.memory_space<vmem>>)
        %add3A_100 = arith.constant 16 : i32
        %add3A_101 = arith.addi %mul3A_44, %add3A_100 : i32
        %jit3A_102 = arith.constant 16 : i32
        %div3A = arith.divsi %add3A_101, %jit3A_102 : i32
        %sign3A = arith.constant 0 : i32
        %sign3A_103 = arith.cmpi sgt, %add3A_101, %sign3A : i32
        %sign3A_104 = arith.extui %sign3A_103 : i1 to i32
        %sign3A_105 = arith.constant 0 : i32
        %sign3A_106 = arith.cmpi slt, %add3A_101, %sign3A_105 : i32
        %sign3A_107 = arith.extui %sign3A_106 : i1 to i32
        %sign3A_108 = arith.subi %sign3A_104, %sign3A_107 : i32
        %sign3A_109 = arith.constant 0 : i32
        %sign3A_110 = arith.cmpi sgt, %jit3A_102, %sign3A_109 : i32
        %sign3A_111 = arith.extui %sign3A_110 : i1 to i32
        %sign3A_112 = arith.constant 0 : i32
        %sign3A_113 = arith.cmpi slt, %jit3A_102, %sign3A_112 : i32
        %sign3A_114 = arith.extui %sign3A_113 : i1 to i32
        %sign3A_115 = arith.subi %sign3A_111, %sign3A_114 : i32
        %ne3A_116 = arith.cmpi ne, %sign3A_108, %sign3A_115 : i32
        %rem3A_117 = arith.remsi %add3A_101, %jit3A_102 : i32
        %ne3A_118 = arith.constant 0 : i32
        %ne3A_119 = arith.cmpi ne, %rem3A_117, %ne3A_118 : i32
        %and3A_120 = arith.andi %ne3A_116, %ne3A_119 : i1
        %sub3A = arith.constant 1 : i32
        %sub3A_121 = arith.subi %div3A, %sub3A : i32
        %select_n3A_122 = arith.select %and3A_120, %sub3A_121, %div3A : i32
        %jit3A_123 = arith.constant 3 : i32
        %eq3A_124 = arith.constant 0 : i32
        %eq3A_125 = arith.cmpi eq, %jit3A_123, %eq3A_124 : i32
        %jit3A_126 = arith.constant 1 : i32
        %select_n3A_127 = arith.select %eq3A_125, %jit3A_126, %jit3A_123 : i32
        %rem3A_128 = arith.remsi %select_n3A_122, %select_n3A_127 : i32
        %ne3A_129 = arith.constant 0 : i32
        %ne3A_130 = arith.cmpi ne, %rem3A_128, %ne3A_129 : i32
        %lt3A_131 = arith.constant 0 : i32
        %lt3A_132 = arith.cmpi slt, %rem3A_128, %lt3A_131 : i32
        %lt3A_133 = arith.constant 0 : i32
        %lt3A_134 = arith.cmpi slt, %select_n3A_127, %lt3A_133 : i32
        %ne3A_135 = arith.xori %lt3A_132, %lt3A_134 : i1
        %and3A_136 = arith.andi %ne3A_135, %ne3A_130 : i1
        %add3A_137 = arith.addi %rem3A_128, %select_n3A_127 : i32
        %select_n3A_138 = arith.select %and3A_136, %add3A_137, %rem3A_128 : i32
        %mul3A_139 = arith.constant 16 : i32
        %mul3A_140 = arith.muli %select_n3A_138, %mul3A_139 : i32
        %jit3A_141 = arith.constant 16 : i32
        %eq3A_142 = arith.constant 0 : i32
        %eq3A_143 = arith.cmpi eq, %jit3A_141, %eq3A_142 : i32
        %jit3A_144 = arith.constant 1 : i32
        %select_n3A_145 = arith.select %eq3A_143, %jit3A_144, %jit3A_141 : i32
        %rem3A_146 = arith.remsi %add3A_101, %select_n3A_145 : i32
        %ne3A_147 = arith.constant 0 : i32
        %ne3A_148 = arith.cmpi ne, %rem3A_146, %ne3A_147 : i32
        %lt3A_149 = arith.constant 0 : i32
        %lt3A_150 = arith.cmpi slt, %rem3A_146, %lt3A_149 : i32
        %lt3A_151 = arith.constant 0 : i32
        %lt3A_152 = arith.cmpi slt, %select_n3A_145, %lt3A_151 : i32
        %ne3A_153 = arith.xori %lt3A_150, %lt3A_152 : i1
        %and3A_154 = arith.andi %ne3A_153, %ne3A_148 : i1
        %add3A_155 = arith.addi %rem3A_146, %select_n3A_145 : i32
        %select_n3A_156 = arith.select %and3A_154, %add3A_155, %rem3A_146 : i32
        %add3A_157 = arith.addi %mul3A_140, %select_n3A_156 : i32
        %dma_start3A_158 = arith.constant 0 : i32
        %dma_start3A_159 = tpu.memref_slice %arg6[%add3A_157, %dma_start3A_158] : memref<48x128xi32, #tpu.memory_space<vmem>> -> memref<1x128xi32, #tpu.memory_space<vmem>>
        %dma_start3A_160 = tpu.memref_squeeze %dma_start3A_159 : memref<1x128xi32, #tpu.memory_space<vmem>> -> memref<128xi32, #tpu.memory_space<vmem>>
        %dma_start3A_161 = arith.constant 0 : i32
        %dma_start3A_162 = arith.constant 0 : i32
        %dma_start3A_163 = tpu.memref_slice %arg2[%dma_start3A_161, %dma_start3A_162] : memref<10240x128xf32, #tpu.memory_space<hbm>> -> memref<10240x128xf32, #tpu.memory_space<hbm>>
        tpu.enqueue_indirect_dma source(%dma_start3A_163 : memref<10240x128xf32, #tpu.memory_space<hbm>>) target(%arg8 : memref<128x128xf32, #tpu.memory_space<vmem>>) offsets(%dma_start3A_160 : memref<128xi32, #tpu.memory_space<vmem>>) semaphore(%arg11 : memref<!tpu.dma_semaphore, #tpu.memory_space<semaphore_mem>>)
      } else {
      }
      %scan3A_77 = arith.constant 0 : i32
      scf.yield %scan3A_77 : i32
    }
    %scan3A_29 = arith.constant 5 : i32
    %dma_wait3A = arith.constant 31 : i32
    %dma_wait3A_30 = arith.constant 0 : i32
    %dma_wait3A_31 = tpu.memref_slice %arg7[%dma_wait3A, %dma_wait3A_30] : memref<48x128xi32, #tpu.memory_space<vmem>> -> memref<1x128xi32, #tpu.memory_space<vmem>>
    %dma_wait3A_32 = tpu.memref_squeeze %dma_wait3A_31 : memref<1x128xi32, #tpu.memory_space<vmem>> -> memref<128xi32, #tpu.memory_space<vmem>>
    %dma_wait3A_33 = arith.constant 0 : i32
    %dma_wait3A_34 = arith.constant 0 : i32
    %dma_wait3A_35 = tpu.memref_slice %arg10[%dma_wait3A_33, %dma_wait3A_34] : memref<10240x128xf32, #tpu.memory_space<vmem_shared>> -> memref<10240x128xf32, #tpu.memory_space<vmem_shared>>
    tpu.wait_indirect_dma semaphore(%arg14 : memref<!tpu.dma_semaphore, #tpu.memory_space<semaphore_mem>>) src(%arg9 : memref<128x128xf32, #tpu.memory_space<vmem>>) dst(%dma_wait3A_35 : memref<10240x128xf32, #tpu.memory_space<vmem_shared>>)
    %barrier3A_36 = arith.constant 0 : index
    tpu.barrier barrier_id(%barrier3A_36)
    %mul3A_37 = arith.constant 640 : i32
    %mul3A_38 = arith.muli %arg1, %mul3A_37 : i32
    %mul3A_39 = arith.constant 640 : i32
    %mul3A_40 = arith.muli %arg1, %mul3A_39 : i32
    "tpu.region"() ({
      %run_scoped3A = tpu.sem_alloc : memref<!tpu.dma_semaphore, #tpu.memory_space<semaphore_mem>>
      %dma_start3A_41 = arith.constant 0 : i32
      %dma_start3A_42 = arith.constant 0 : i32
      %dma_start3A_43 = tpu.memref_slice %arg5[%arg0, %dma_start3A_41, %dma_start3A_42] : memref<2x10240x128xf32, #tpu.memory_space<hbm>> -> memref<1x10240x128xf32, #tpu.memory_space<hbm>>
      %dma_start3A_44 = tpu.memref_squeeze %dma_start3A_43 : memref<1x10240x128xf32, #tpu.memory_space<hbm>> -> memref<10240x128xf32, #tpu.memory_space<hbm>>
      %dma_start3A_45 = arith.constant 0 : i32
      %dma_start3A_46 = tpu.memref_slice %dma_start3A_44[%mul3A_40, %dma_start3A_45] : memref<10240x128xf32, #tpu.memory_space<hbm>> -> memref<640x128xf32, #tpu.memory_space<hbm>>
      %dma_start3A_47 = arith.constant 0 : i32
      %dma_start3A_48 = tpu.memref_slice %arg10[%mul3A_38, %dma_start3A_47] : memref<10240x128xf32, #tpu.memory_space<vmem_shared>> -> memref<640x128xf32, #tpu.memory_space<vmem_shared>>
      tpu.enqueue_dma source(%dma_start3A_48 : memref<640x128xf32, #tpu.memory_space<vmem_shared>>) target(%dma_start3A_46 : memref<640x128xf32, #tpu.memory_space<hbm>>) target_semaphore(%run_scoped3A : memref<!tpu.dma_semaphore, #tpu.memory_space<semaphore_mem>>)
      %dma_wait3A_49 = arith.constant 0 : i32
      %dma_wait3A_50 = arith.constant 0 : i32
      %dma_wait3A_51 = tpu.memref_slice %arg5[%arg0, %dma_wait3A_49, %dma_wait3A_50] : memref<2x10240x128xf32, #tpu.memory_space<hbm>> -> memref<1x10240x128xf32, #tpu.memory_space<hbm>>
      %dma_wait3A_52 = tpu.memref_squeeze %dma_wait3A_51 : memref<1x10240x128xf32, #tpu.memory_space<hbm>> -> memref<10240x128xf32, #tpu.memory_space<hbm>>
      %dma_wait3A_53 = arith.constant 0 : i32
      %dma_wait3A_54 = tpu.memref_slice %dma_wait3A_52[%mul3A_40, %dma_wait3A_53] : memref<10240x128xf32, #tpu.memory_space<hbm>> -> memref<640x128xf32, #tpu.memory_space<hbm>>
      %dma_wait3A_55 = arith.constant 0 : i32
      %dma_wait3A_56 = tpu.memref_slice %arg10[%mul3A_38, %dma_wait3A_55] : memref<10240x128xf32, #tpu.memory_space<vmem_shared>> -> memref<640x128xf32, #tpu.memory_space<vmem_shared>>
      tpu.wait_dma2 semaphore(%run_scoped3A : memref<!tpu.dma_semaphore, #tpu.memory_space<semaphore_mem>>) src(%dma_wait3A_56 : memref<640x128xf32, #tpu.memory_space<vmem_shared>>) dst(%dma_wait3A_54 : memref<640x128xf32, #tpu.memory_space<hbm>>)
      tpu.yield
    }) : () -> ()
    return
  }
}

#map = affine_map<(d0, d1) -> (0, 0)>
#map1 = affine_map<(d0, d1) -> (0)>
module attributes {stable_mosaic.version = 14 : i64} {
  func.func @_sc_deg_body(%arg0: i32, %arg1: i32, %arg2: memref<2560x128xi32, #tpu.memory_space<hbm>>, %arg3: memref<327680xf32, #tpu.memory_space<hbm>>, %arg4: memref<80x128xi32, #tpu.memory_space<vmem>>, %arg5: memref<10240xf32, #tpu.memory_space<vmem>>) attributes {dimension_semantics = [#tpu.dimension_semantics<core_parallel>, #tpu.dimension_semantics<subcore_parallel>], iteration_bounds = array<i64: 2, 16>, scalar_prefetch = 0 : i64, scratch_operands = 2 : i64, tpu.core_type = #tpu.core_type<sc_vector_subcore>, window_params = [{transform_indices = #map}, {transform_indices = #map1}]} {
    %mul3A = arith.constant 2 : i32
    %mul3A_0 = arith.muli %arg1, %mul3A : i32
    %add3A = arith.addi %mul3A_0, %arg0 : i32
    %broadcast_in_dim3A = arith.constant 0.000000e+00 : f32
    %broadcast_in_dim3A_1 = vector.broadcast %broadcast_in_dim3A : f32 to vector<16xf32>
    %broadcast_in_dim3A_2 = arith.constant 1.000000e+00 : f32
    %broadcast_in_dim3A_3 = vector.broadcast %broadcast_in_dim3A_2 : f32 to vector<16xf32>
    %scan3A = arith.constant 0 : i32
    %scan3A_4 = arith.constant 0 : i32
    %scan3A_5 = arith.constant 640 : i32
    %scan3A_6 = arith.addi %scan3A_4, %scan3A_5 : i32
    %scan3A_7 = arith.constant 1 : i32
    %scan3A_8 = scf.for %scan3A_21 = %scan3A_4 to %scan3A_6 step %scan3A_7 iter_args(%scan3A_22 = %scan3A) -> (i32)  : i32 {
      %mul3A_23 = arith.constant 16 : i32
      %mul3A_24 = arith.muli %scan3A_21, %mul3A_23 : i32
      %swap3A = arith.index_cast %mul3A_24 : i32 to index
      %swap3A_25 = tpu.vector_load %arg5[%swap3A] {strides = array<i32>} : memref<10240xf32, #tpu.memory_space<vmem>>, vector<16xf32>,
      tpu.vector_store %arg5[%swap3A], %broadcast_in_dim3A_1 {strides = array<i32>} : memref<10240xf32, #tpu.memory_space<vmem>>, vector<16xf32>,
      %scan3A_26 = arith.constant 0 : i32
      scf.yield %scan3A_26 : i32
    }
    %scan3A_9 = arith.constant 640 : i32
    %mul3A_10 = arith.constant 80 : i32
    %mul3A_11 = arith.muli %add3A, %mul3A_10 : i32
    "tpu.region"() ({
      %run_scoped3A = tpu.sem_alloc : memref<!tpu.dma_semaphore, #tpu.memory_space<semaphore_mem>>
      %dma_start3A = arith.constant 0 : i32
      %dma_start3A_21 = tpu.memref_slice %arg2[%mul3A_11, %dma_start3A] : memref<2560x128xi32, #tpu.memory_space<hbm>> -> memref<80x128xi32, #tpu.memory_space<hbm>>
      %dma_start3A_22 = arith.constant 0 : i32
      %dma_start3A_23 = tpu.memref_slice %arg2[%mul3A_11, %dma_start3A_22] : memref<2560x128xi32, #tpu.memory_space<hbm>> -> memref<80x128xi32, #tpu.memory_space<hbm>>
      tpu.enqueue_dma source(%dma_start3A_23 : memref<80x128xi32, #tpu.memory_space<hbm>>) target(%arg4 : memref<80x128xi32, #tpu.memory_space<vmem>>) target_semaphore(%run_scoped3A : memref<!tpu.dma_semaphore, #tpu.memory_space<semaphore_mem>>)
      %dma_wait3A = arith.constant 0 : i32
      %dma_wait3A_24 = tpu.memref_slice %arg2[%mul3A_11, %dma_wait3A] : memref<2560x128xi32, #tpu.memory_space<hbm>> -> memref<80x128xi32, #tpu.memory_space<hbm>>
      %dma_wait3A_25 = arith.constant 0 : i32
      %dma_wait3A_26 = tpu.memref_slice %arg2[%mul3A_11, %dma_wait3A_25] : memref<2560x128xi32, #tpu.memory_space<hbm>> -> memref<80x128xi32, #tpu.memory_space<hbm>>
      tpu.wait_dma2 semaphore(%run_scoped3A : memref<!tpu.dma_semaphore, #tpu.memory_space<semaphore_mem>>) src(%dma_wait3A_26 : memref<80x128xi32, #tpu.memory_space<hbm>>) dst(%arg4 : memref<80x128xi32, #tpu.memory_space<vmem>>)
      tpu.yield
    }) : () -> ()
    %scan3A_12 = arith.constant 0 : i32
    %scan3A_13 = arith.constant 0 : i32
    %scan3A_14 = arith.constant 80 : i32
    %scan3A_15 = arith.addi %scan3A_13, %scan3A_14 : i32
    %scan3A_16 = arith.constant 1 : i32
    %scan3A_17 = scf.for %scan3A_21 = %scan3A_13 to %scan3A_15 step %scan3A_16 iter_args(%scan3A_22 = %scan3A_12) -> (i32)  : i32 {
      %scan3A_23 = arith.constant 0 : i32
      %scan3A_24 = arith.constant 0 : i32
      %scan3A_25 = arith.constant 8 : i32
      %scan3A_26 = arith.addi %scan3A_24, %scan3A_25 : i32
      %scan3A_27 = arith.constant 1 : i32
      %scan3A_28 = scf.for %scan3A_31 = %scan3A_24 to %scan3A_26 step %scan3A_27 iter_args(%scan3A_32 = %scan3A_23) -> (i32)  : i32 {
        %mul3A_33 = arith.constant 16 : i32
        %mul3A_34 = arith.muli %scan3A_31, %mul3A_33 : i32
        %get3A = arith.index_cast %scan3A_21 : i32 to index
        %get3A_35 = arith.index_cast %mul3A_34 : i32 to index
        %get3A_36 = tpu.vector_load %arg4[%get3A, %get3A_35] {strides = array<i32>} : memref<80x128xi32, #tpu.memory_space<vmem>>, vector<16xi32>,
        tpu.vector_store_idx %arg5[%get3A_36], %broadcast_in_dim3A_3 {add = true} : memref<10240xf32, #tpu.memory_space<vmem>>[vector<16xi32>], vector<16xf32>,
        %scan3A_37 = arith.constant 0 : i32
        scf.yield %scan3A_37 : i32
      }
      %scan3A_29 = arith.constant 8 : i32
      %scan3A_30 = arith.constant 0 : i32
      scf.yield %scan3A_30 : i32
    }
    %scan3A_18 = arith.constant 80 : i32
    %mul3A_19 = arith.constant 10240 : i32
    %mul3A_20 = arith.muli %add3A, %mul3A_19 : i32
    "tpu.region"() ({
      %run_scoped3A = tpu.sem_alloc : memref<!tpu.dma_semaphore, #tpu.memory_space<semaphore_mem>>
      %dma_start3A = tpu.memref_slice %arg3[%mul3A_20] : memref<327680xf32, #tpu.memory_space<hbm>> -> memref<10240xf32, #tpu.memory_space<hbm>>
      %dma_start3A_21 = tpu.memref_slice %arg3[%mul3A_20] : memref<327680xf32, #tpu.memory_space<hbm>> -> memref<10240xf32, #tpu.memory_space<hbm>>
      tpu.enqueue_dma source(%arg5 : memref<10240xf32, #tpu.memory_space<vmem>>) target(%dma_start3A_21 : memref<10240xf32, #tpu.memory_space<hbm>>) target_semaphore(%run_scoped3A : memref<!tpu.dma_semaphore, #tpu.memory_space<semaphore_mem>>)
      %dma_wait3A = tpu.memref_slice %arg3[%mul3A_20] : memref<327680xf32, #tpu.memory_space<hbm>> -> memref<10240xf32, #tpu.memory_space<hbm>>
      %dma_wait3A_22 = tpu.memref_slice %arg3[%mul3A_20] : memref<327680xf32, #tpu.memory_space<hbm>> -> memref<10240xf32, #tpu.memory_space<hbm>>
      tpu.wait_dma2 semaphore(%run_scoped3A : memref<!tpu.dma_semaphore, #tpu.memory_space<semaphore_mem>>) src(%arg5 : memref<10240xf32, #tpu.memory_space<vmem>>) dst(%dma_wait3A_22 : memref<10240xf32, #tpu.memory_space<hbm>>)
      tpu.yield
    }) : () -> ()
    return
  }
}

#map = affine_map<(d0, d1) -> (0, 0)>
#map1 = affine_map<(d0, d1) -> (0, 0, 0)>
module attributes {stable_mosaic.version = 14 : i64} {
  func.func @_sc_segsum_body(%arg0: i32, %arg1: i32, %arg2: memref<10240x128xf32, #tpu.memory_space<hbm>>, %arg3: memref<2560x128xi32, #tpu.memory_space<hbm>>, %arg4: memref<2560x128xi32, #tpu.memory_space<hbm>>, %arg5: memref<2x10240x128xf32, #tpu.memory_space<hbm>>, %arg6: memref<48x128xi32, #tpu.memory_space<vmem>>, %arg7: memref<48x128xi32, #tpu.memory_space<vmem>>, %arg8: memref<128x128xf32, #tpu.memory_space<vmem>>, %arg9: memref<128x128xf32, #tpu.memory_space<vmem>>, %arg10: memref<10240x128xf32, #tpu.memory_space<vmem_shared>>, %arg11: memref<!tpu.dma_semaphore, #tpu.memory_space<semaphore_mem>>, %arg12: memref<!tpu.dma_semaphore, #tpu.memory_space<semaphore_mem>>, %arg13: memref<!tpu.dma_semaphore, #tpu.memory_space<semaphore_mem>>, %arg14: memref<!tpu.dma_semaphore, #tpu.memory_space<semaphore_mem>>, %arg15: memref<!tpu.dma_semaphore, #tpu.memory_space<semaphore_mem>>) attributes {dimension_semantics = [#tpu.dimension_semantics<core_parallel>, #tpu.dimension_semantics<subcore_parallel>], iteration_bounds = array<i64: 2, 16>, scalar_prefetch = 0 : i64, scratch_operands = 10 : i64, tpu.core_type = #tpu.core_type<sc_vector_subcore>, window_params = [{transform_indices = #map}, {transform_indices = #map}, {transform_indices = #map}, {transform_indices = #map1}]} {
    %mul3A = arith.constant 2 : i32
    %mul3A_0 = arith.muli %arg1, %mul3A : i32
    %add3A = arith.addi %mul3A_0, %arg0 : i32
    %mul3A_1 = arith.constant 80 : i32
    %mul3A_2 = arith.muli %add3A, %mul3A_1 : i32
    %broadcast_in_dim3A = arith.constant 0.000000e+00 : f32
    %broadcast_in_dim3A_3 = vector.broadcast %broadcast_in_dim3A : f32 to vector<16xf32>
    %scan3A = arith.constant 0 : i32
    %scan3A_4 = arith.constant 0 : i32
    %scan3A_5 = arith.constant 128 : i32
    %scan3A_6 = arith.addi %scan3A_4, %scan3A_5 : i32
    %scan3A_7 = arith.constant 1 : i32
    %scan3A_8 = scf.for %scan3A_41 = %scan3A_4 to %scan3A_6 step %scan3A_7 iter_args(%scan3A_42 = %scan3A) -> (i32)  : i32 {
      %swap3A = arith.index_cast %scan3A_41 : i32 to index
      %swap3A_43 = arith.constant 0 : index
      %swap3A_44 = tpu.vector_load %arg8[%swap3A, %swap3A_43] {strides = array<i32>} : memref<128x128xf32, #tpu.memory_space<vmem>>, vector<16xf32>,
      tpu.vector_store %arg8[%swap3A, %swap3A_43], %broadcast_in_dim3A_3 {strides = array<i32>} : memref<128x128xf32, #tpu.memory_space<vmem>>, vector<16xf32>,
      %swap3A_45 = arith.index_cast %scan3A_41 : i32 to index
      %swap3A_46 = arith.constant 16 : index
      %swap3A_47 = tpu.vector_load %arg8[%swap3A_45, %swap3A_46] {strides = array<i32>} : memref<128x128xf32, #tpu.memory_space<vmem>>, vector<16xf32>,
      tpu.vector_store %arg8[%swap3A_45, %swap3A_46], %broadcast_in_dim3A_3 {strides = array<i32>} : memref<128x128xf32, #tpu.memory_space<vmem>>, vector<16xf32>,
      %swap3A_48 = arith.index_cast %scan3A_41 : i32 to index
      %swap3A_49 = arith.constant 32 : index
      %swap3A_50 = tpu.vector_load %arg8[%swap3A_48, %swap3A_49] {strides = array<i32>} : memref<128x128xf32, #tpu.memory_space<vmem>>, vector<16xf32>,
      tpu.vector_store %arg8[%swap3A_48, %swap3A_49], %broadcast_in_dim3A_3 {strides = array<i32>} : memref<128x128xf32, #tpu.memory_space<vmem>>, vector<16xf32>,
      %swap3A_51 = arith.index_cast %scan3A_41 : i32 to index
      %swap3A_52 = arith.constant 48 : index
      %swap3A_53 = tpu.vector_load %arg8[%swap3A_51, %swap3A_52] {strides = array<i32>} : memref<128x128xf32, #tpu.memory_space<vmem>>, vector<16xf32>,
      tpu.vector_store %arg8[%swap3A_51, %swap3A_52], %broadcast_in_dim3A_3 {strides = array<i32>} : memref<128x128xf32, #tpu.memory_space<vmem>>, vector<16xf32>,
      %swap3A_54 = arith.index_cast %scan3A_41 : i32 to index
      %swap3A_55 = arith.constant 64 : index
      %swap3A_56 = tpu.vector_load %arg8[%swap3A_54, %swap3A_55] {strides = array<i32>} : memref<128x128xf32, #tpu.memory_space<vmem>>, vector<16xf32>,
      tpu.vector_store %arg8[%swap3A_54, %swap3A_55], %broadcast_in_dim3A_3 {strides = array<i32>} : memref<128x128xf32, #tpu.memory_space<vmem>>, vector<16xf32>,
      %swap3A_57 = arith.index_cast %scan3A_41 : i32 to index
      %swap3A_58 = arith.constant 80 : index
      %swap3A_59 = tpu.vector_load %arg8[%swap3A_57, %swap3A_58] {strides = array<i32>} : memref<128x128xf32, #tpu.memory_space<vmem>>, vector<16xf32>,
      tpu.vector_store %arg8[%swap3A_57, %swap3A_58], %broadcast_in_dim3A_3 {strides = array<i32>} : memref<128x128xf32, #tpu.memory_space<vmem>>, vector<16xf32>,
      %swap3A_60 = arith.index_cast %scan3A_41 : i32 to index
      %swap3A_61 = arith.constant 96 : index
      %swap3A_62 = tpu.vector_load %arg8[%swap3A_60, %swap3A_61] {strides = array<i32>} : memref<128x128xf32, #tpu.memory_space<vmem>>, vector<16xf32>,
      tpu.vector_store %arg8[%swap3A_60, %swap3A_61], %broadcast_in_dim3A_3 {strides = array<i32>} : memref<128x128xf32, #tpu.memory_space<vmem>>, vector<16xf32>,
      %swap3A_63 = arith.index_cast %scan3A_41 : i32 to index
      %swap3A_64 = arith.constant 112 : index
      %swap3A_65 = tpu.vector_load %arg8[%swap3A_63, %swap3A_64] {strides = array<i32>} : memref<128x128xf32, #tpu.memory_space<vmem>>, vector<16xf32>,
      tpu.vector_store %arg8[%swap3A_63, %swap3A_64], %broadcast_in_dim3A_3 {strides = array<i32>} : memref<128x128xf32, #tpu.memory_space<vmem>>, vector<16xf32>,
      %scan3A_66 = arith.constant 0 : i32
      scf.yield %scan3A_66 : i32
    }
    %scan3A_9 = arith.constant 128 : i32
    %scan3A_10 = arith.constant 0 : i32
    %scan3A_11 = arith.constant 0 : i32
    %scan3A_12 = arith.constant 5 : i32
    %scan3A_13 = arith.addi %scan3A_11, %scan3A_12 : i32
    %scan3A_14 = arith.constant 1 : i32
    %scan3A_15 = scf.for %scan3A_41 = %scan3A_11 to %scan3A_13 step %scan3A_14 iter_args(%scan3A_42 = %scan3A_10) -> (i32)  : i32 {
      %mul3A_43 = arith.constant 640 : i32
      %mul3A_44 = arith.muli %arg1, %mul3A_43 : i32
      %mul3A_45 = arith.constant 128 : i32
      %mul3A_46 = arith.muli %scan3A_41, %mul3A_45 : i32
      %add3A_47 = arith.addi %mul3A_44, %mul3A_46 : i32
      "tpu.region"() ({
        %run_scoped3A = tpu.sem_alloc : memref<!tpu.dma_semaphore, #tpu.memory_space<semaphore_mem>>
        %dma_start3A_49 = arith.constant 0 : i32
        %dma_start3A_50 = tpu.memref_slice %arg10[%add3A_47, %dma_start3A_49] : memref<10240x128xf32, #tpu.memory_space<vmem_shared>> -> memref<128x128xf32, #tpu.memory_space<vmem_shared>>
        %dma_start3A_51 = arith.constant 0 : i32
        %dma_start3A_52 = tpu.memref_slice %arg10[%add3A_47, %dma_start3A_51] : memref<10240x128xf32, #tpu.memory_space<vmem_shared>> -> memref<128x128xf32, #tpu.memory_space<vmem_shared>>
        tpu.enqueue_dma source(%arg8 : memref<128x128xf32, #tpu.memory_space<vmem>>) target(%dma_start3A_52 : memref<128x128xf32, #tpu.memory_space<vmem_shared>>) target_semaphore(%run_scoped3A : memref<!tpu.dma_semaphore, #tpu.memory_space<semaphore_mem>>)
        %dma_wait3A_53 = arith.constant 0 : i32
        %dma_wait3A_54 = tpu.memref_slice %arg10[%add3A_47, %dma_wait3A_53] : memref<10240x128xf32, #tpu.memory_space<vmem_shared>> -> memref<128x128xf32, #tpu.memory_space<vmem_shared>>
        %dma_wait3A_55 = arith.constant 0 : i32
        %dma_wait3A_56 = tpu.memref_slice %arg10[%add3A_47, %dma_wait3A_55] : memref<10240x128xf32, #tpu.memory_space<vmem_shared>> -> memref<128x128xf32, #tpu.memory_space<vmem_shared>>
        tpu.wait_dma2 semaphore(%run_scoped3A : memref<!tpu.dma_semaphore, #tpu.memory_space<semaphore_mem>>) src(%arg8 : memref<128x128xf32, #tpu.memory_space<vmem>>) dst(%dma_wait3A_56 : memref<128x128xf32, #tpu.memory_space<vmem_shared>>)
        tpu.yield
      }) : () -> ()
      %scan3A_48 = arith.constant 0 : i32
      scf.yield %scan3A_48 : i32
    }
    %scan3A_16 = arith.constant 5 : i32
    "tpu.region"() ({
      %run_scoped3A = tpu.sem_alloc : memref<!tpu.dma_semaphore, #tpu.memory_space<semaphore_mem>>
      %dma_start3A_41 = arith.constant 0 : i32
      %dma_start3A_42 = arith.constant 0 : i32
      %dma_start3A_43 = tpu.memref_slice %arg6[%dma_start3A_41, %dma_start3A_42] : memref<48x128xi32, #tpu.memory_space<vmem>> -> memref<16x128xi32, #tpu.memory_space<vmem>>
      %dma_start3A_44 = arith.constant 0 : i32
      %dma_start3A_45 = tpu.memref_slice %arg3[%mul3A_2, %dma_start3A_44] : memref<2560x128xi32, #tpu.memory_space<hbm>> -> memref<16x128xi32, #tpu.memory_space<hbm>>
      %dma_start3A_46 = arith.constant 0 : i32
      %dma_start3A_47 = arith.constant 0 : i32
      %dma_start3A_48 = tpu.memref_slice %arg6[%dma_start3A_46, %dma_start3A_47] : memref<48x128xi32, #tpu.memory_space<vmem>> -> memref<16x128xi32, #tpu.memory_space<vmem>>
      %dma_start3A_49 = arith.constant 0 : i32
      %dma_start3A_50 = tpu.memref_slice %arg3[%mul3A_2, %dma_start3A_49] : memref<2560x128xi32, #tpu.memory_space<hbm>> -> memref<16x128xi32, #tpu.memory_space<hbm>>
      tpu.enqueue_dma source(%dma_start3A_50 : memref<16x128xi32, #tpu.memory_space<hbm>>) target(%dma_start3A_48 : memref<16x128xi32, #tpu.memory_space<vmem>>) target_semaphore(%run_scoped3A : memref<!tpu.dma_semaphore, #tpu.memory_space<semaphore_mem>>)
      %dma_wait3A_51 = arith.constant 0 : i32
      %dma_wait3A_52 = arith.constant 0 : i32
      %dma_wait3A_53 = tpu.memref_slice %arg6[%dma_wait3A_51, %dma_wait3A_52] : memref<48x128xi32, #tpu.memory_space<vmem>> -> memref<16x128xi32, #tpu.memory_space<vmem>>
      %dma_wait3A_54 = arith.constant 0 : i32
      %dma_wait3A_55 = tpu.memref_slice %arg3[%mul3A_2, %dma_wait3A_54] : memref<2560x128xi32, #tpu.memory_space<hbm>> -> memref<16x128xi32, #tpu.memory_space<hbm>>
      %dma_wait3A_56 = arith.constant 0 : i32
      %dma_wait3A_57 = arith.constant 0 : i32
      %dma_wait3A_58 = tpu.memref_slice %arg6[%dma_wait3A_56, %dma_wait3A_57] : memref<48x128xi32, #tpu.memory_space<vmem>> -> memref<16x128xi32, #tpu.memory_space<vmem>>
      %dma_wait3A_59 = arith.constant 0 : i32
      %dma_wait3A_60 = tpu.memref_slice %arg3[%mul3A_2, %dma_wait3A_59] : memref<2560x128xi32, #tpu.memory_space<hbm>> -> memref<16x128xi32, #tpu.memory_space<hbm>>
      tpu.wait_dma2 semaphore(%run_scoped3A : memref<!tpu.dma_semaphore, #tpu.memory_space<semaphore_mem>>) src(%dma_wait3A_60 : memref<16x128xi32, #tpu.memory_space<hbm>>) dst(%dma_wait3A_58 : memref<16x128xi32, #tpu.memory_space<vmem>>)
      tpu.yield
    }) : () -> ()
    "tpu.region"() ({
      %run_scoped3A = tpu.sem_alloc : memref<!tpu.dma_semaphore, #tpu.memory_space<semaphore_mem>>
      %dma_start3A_41 = arith.constant 0 : i32
      %dma_start3A_42 = arith.constant 0 : i32
      %dma_start3A_43 = tpu.memref_slice %arg7[%dma_start3A_41, %dma_start3A_42] : memref<48x128xi32, #tpu.memory_space<vmem>> -> memref<16x128xi32, #tpu.memory_space<vmem>>
      %dma_start3A_44 = arith.constant 0 : i32
      %dma_start3A_45 = tpu.memref_slice %arg4[%mul3A_2, %dma_start3A_44] : memref<2560x128xi32, #tpu.memory_space<hbm>> -> memref<16x128xi32, #tpu.memory_space<hbm>>
      %dma_start3A_46 = arith.constant 0 : i32
      %dma_start3A_47 = arith.constant 0 : i32
      %dma_start3A_48 = tpu.memref_slice %arg7[%dma_start3A_46, %dma_start3A_47] : memref<48x128xi32, #tpu.memory_space<vmem>> -> memref<16x128xi32, #tpu.memory_space<vmem>>
      %dma_start3A_49 = arith.constant 0 : i32
      %dma_start3A_50 = tpu.memref_slice %arg4[%mul3A_2, %dma_start3A_49] : memref<2560x128xi32, #tpu.memory_space<hbm>> -> memref<16x128xi32, #tpu.memory_space<hbm>>
      tpu.enqueue_dma source(%dma_start3A_50 : memref<16x128xi32, #tpu.memory_space<hbm>>) target(%dma_start3A_48 : memref<16x128xi32, #tpu.memory_space<vmem>>) target_semaphore(%run_scoped3A : memref<!tpu.dma_semaphore, #tpu.memory_space<semaphore_mem>>)
      %dma_wait3A_51 = arith.constant 0 : i32
      %dma_wait3A_52 = arith.constant 0 : i32
      %dma_wait3A_53 = tpu.memref_slice %arg7[%dma_wait3A_51, %dma_wait3A_52] : memref<48x128xi32, #tpu.memory_space<vmem>> -> memref<16x128xi32, #tpu.memory_space<vmem>>
      %dma_wait3A_54 = arith.constant 0 : i32
      %dma_wait3A_55 = tpu.memref_slice %arg4[%mul3A_2, %dma_wait3A_54] : memref<2560x128xi32, #tpu.memory_space<hbm>> -> memref<16x128xi32, #tpu.memory_space<hbm>>
      %dma_wait3A_56 = arith.constant 0 : i32
      %dma_wait3A_57 = arith.constant 0 : i32
      %dma_wait3A_58 = tpu.memref_slice %arg7[%dma_wait3A_56, %dma_wait3A_57] : memref<48x128xi32, #tpu.memory_space<vmem>> -> memref<16x128xi32, #tpu.memory_space<vmem>>
      %dma_wait3A_59 = arith.constant 0 : i32
      %dma_wait3A_60 = tpu.memref_slice %arg4[%mul3A_2, %dma_wait3A_59] : memref<2560x128xi32, #tpu.memory_space<hbm>> -> memref<16x128xi32, #tpu.memory_space<hbm>>
      tpu.wait_dma2 semaphore(%run_scoped3A : memref<!tpu.dma_semaphore, #tpu.memory_space<semaphore_mem>>) src(%dma_wait3A_60 : memref<16x128xi32, #tpu.memory_space<hbm>>) dst(%dma_wait3A_58 : memref<16x128xi32, #tpu.memory_space<vmem>>)
      tpu.yield
    }) : () -> ()
    %barrier3A = arith.constant 0 : index
    tpu.barrier barrier_id(%barrier3A)
    %dma_start3A = arith.constant 0 : i32
    %dma_start3A_17 = arith.constant 0 : i32
    %dma_start3A_18 = tpu.memref_slice %arg6[%dma_start3A, %dma_start3A_17] : memref<48x128xi32, #tpu.memory_space<vmem>> -> memref<1x128xi32, #tpu.memory_space<vmem>>
    %dma_start3A_19 = tpu.memref_squeeze %dma_start3A_18 : memref<1x128xi32, #tpu.memory_space<vmem>> -> memref<128xi32, #tpu.memory_space<vmem>>
    %dma_start3A_20 = arith.constant 0 : i32
    %dma_start3A_21 = arith.constant 0 : i32
    %dma_start3A_22 = tpu.memref_slice %arg2[%dma_start3A_20, %dma_start3A_21] : memref<10240x128xf32, #tpu.memory_space<hbm>> -> memref<10240x128xf32, #tpu.memory_space<hbm>>
    tpu.enqueue_indirect_dma source(%dma_start3A_22 : memref<10240x128xf32, #tpu.memory_space<hbm>>) target(%arg8 : memref<128x128xf32, #tpu.memory_space<vmem>>) offsets(%dma_start3A_19 : memref<128xi32, #tpu.memory_space<vmem>>) semaphore(%arg11 : memref<!tpu.dma_semaphore, #tpu.memory_space<semaphore_mem>>)
    %scan3A_23 = arith.constant 0 : i32
    %scan3A_24 = arith.constant 0 : i32
    %scan3A_25 = arith.constant 5 : i32
    %scan3A_26 = arith.addi %scan3A_24, %scan3A_25 : i32
    %scan3A_27 = arith.constant 1 : i32
    %scan3A_28 = scf.for %scan3A_41 = %scan3A_24 to %scan3A_26 step %scan3A_27 iter_args(%scan3A_42 = %scan3A_23) -> (i32)  : i32 {
      %mul3A_43 = arith.constant 16 : i32
      %mul3A_44 = arith.muli %scan3A_41, %mul3A_43 : i32
      %add3A_45 = arith.constant 1 : i32
      %add3A_46 = arith.addi %scan3A_41, %add3A_45 : i32
      %jit3A = arith.constant 3 : i32
      %eq3A = arith.constant 0 : i32
      %eq3A_47 = arith.cmpi eq, %jit3A, %eq3A : i32
      %jit3A_48 = arith.constant 1 : i32
      %select_n3A = arith.select %eq3A_47, %jit3A_48, %jit3A : i32
      %rem3A = arith.remsi %add3A_46, %select_n3A : i32
      %ne3A = arith.constant 0 : i32
      %ne3A_49 = arith.cmpi ne, %rem3A, %ne3A : i32
      %lt3A = arith.constant 0 : i32
      %lt3A_50 = arith.cmpi slt, %rem3A, %lt3A : i32
      %lt3A_51 = arith.constant 0 : i32
      %lt3A_52 = arith.cmpi slt, %select_n3A, %lt3A_51 : i32
      %ne3A_53 = arith.xori %lt3A_50, %lt3A_52 : i1
      %and3A = arith.andi %ne3A_53, %ne3A_49 : i1
      %add3A_54 = arith.addi %rem3A, %select_n3A : i32
      %select_n3A_55 = arith.select %and3A, %add3A_54, %rem3A : i32
      %mul3A_56 = arith.constant 16 : i32
      %mul3A_57 = arith.muli %select_n3A_55, %mul3A_56 : i32
      %add3A_58 = arith.constant 1 : i32
      %add3A_59 = arith.addi %scan3A_41, %add3A_58 : i32
      %lt3A_60 = arith.constant 5 : i32
      %lt3A_61 = arith.cmpi slt, %add3A_59, %lt3A_60 : i32
      %convert_element_type3A = arith.extui %lt3A_61 : i1 to i32
      %cond3A = arith.constant 0 : i32
      %cond3A_62 = arith.cmpi ne, %convert_element_type3A, %cond3A : i32
      scf.if %cond3A_62 {
        %add3A_78 = arith.addi %mul3A_2, %mul3A_44 : i32
        %add3A_79 = arith.constant 16 : i32
        %add3A_80 = arith.addi %add3A_78, %add3A_79 : i32
        %dma_start3A_81 = arith.constant 0 : i32
        %dma_start3A_82 = tpu.memref_slice %arg6[%mul3A_57, %dma_start3A_81] : memref<48x128xi32, #tpu.memory_space<vmem>> -> memref<16x128xi32, #tpu.memory_space<vmem>>
        %dma_start3A_83 = arith.constant 0 : i32
        %dma_start3A_84 = tpu.memref_slice %arg3[%add3A_80, %dma_start3A_83] : memref<2560x128xi32, #tpu.memory_space<hbm>> -> memref<16x128xi32, #tpu.memory_space<hbm>>
        %dma_start3A_85 = arith.constant 0 : i32
        %dma_start3A_86 = tpu.memref_slice %arg6[%mul3A_57, %dma_start3A_85] : memref<48x128xi32, #tpu.memory_space<vmem>> -> memref<16x128xi32, #tpu.memory_space<vmem>>
        %dma_start3A_87 = arith.constant 0 : i32
        %dma_start3A_88 = tpu.memref_slice %arg3[%add3A_80, %dma_start3A_87] : memref<2560x128xi32, #tpu.memory_space<hbm>> -> memref<16x128xi32, #tpu.memory_space<hbm>>
        tpu.enqueue_dma source(%dma_start3A_88 : memref<16x128xi32, #tpu.memory_space<hbm>>) target(%dma_start3A_86 : memref<16x128xi32, #tpu.memory_space<vmem>>) target_semaphore(%arg15 : memref<!tpu.dma_semaphore, #tpu.memory_space<semaphore_mem>>)
        %add3A_89 = arith.addi %mul3A_2, %mul3A_44 : i32
        %add3A_90 = arith.constant 16 : i32
        %add3A_91 = arith.addi %add3A_89, %add3A_90 : i32
        %dma_start3A_92 = arith.constant 0 : i32
        %dma_start3A_93 = tpu.memref_slice %arg7[%mul3A_57, %dma_start3A_92] : memref<48x128xi32, #tpu.memory_space<vmem>> -> memref<16x128xi32, #tpu.memory_space<vmem>>
        %dma_start3A_94 = arith.constant 0 : i32
        %dma_start3A_95 = tpu.memref_slice %arg4[%add3A_91, %dma_start3A_94] : memref<2560x128xi32, #tpu.memory_space<hbm>> -> memref<16x128xi32, #tpu.memory_space<hbm>>
        %dma_start3A_96 = arith.constant 0 : i32
        %dma_start3A_97 = tpu.memref_slice %arg7[%mul3A_57, %dma_start3A_96] : memref<48x128xi32, #tpu.memory_space<vmem>> -> memref<16x128xi32, #tpu.memory_space<vmem>>
        %dma_start3A_98 = arith.constant 0 : i32
        %dma_start3A_99 = tpu.memref_slice %arg4[%add3A_91, %dma_start3A_98] : memref<2560x128xi32, #tpu.memory_space<hbm>> -> memref<16x128xi32, #tpu.memory_space<hbm>>
        tpu.enqueue_dma source(%dma_start3A_99 : memref<16x128xi32, #tpu.memory_space<hbm>>) target(%dma_start3A_97 : memref<16x128xi32, #tpu.memory_space<vmem>>) target_semaphore(%arg15 : memref<!tpu.dma_semaphore, #tpu.memory_space<semaphore_mem>>)
      } else {
      }
      %scan3A_63 = arith.constant 0 : i32
      %scan3A_64 = arith.constant 0 : i32
      %scan3A_65 = arith.constant 8 : i32
      %scan3A_66 = arith.addi %scan3A_64, %scan3A_65 : i32
      %scan3A_67 = arith.constant 1 : i32
      %scan3A_68 = scf.for %scan3A_78 = %scan3A_64 to %scan3A_66 step %scan3A_67 iter_args(%scan3A_79 = %scan3A_63) -> (i32)  : i32 {
        %mul3A_80 = arith.constant 2 : i32
        %mul3A_81 = arith.muli %scan3A_78, %mul3A_80 : i32
        %add3A_82 = arith.addi %mul3A_44, %mul3A_81 : i32
        %add3A_83 = arith.constant 0 : i32
        %add3A_84 = arith.addi %add3A_82, %add3A_83 : i32
        %jit3A_85 = arith.constant 16 : i32
        %div3A = arith.divsi %add3A_84, %jit3A_85 : i32
        %sign3A = arith.constant 0 : i32
        %sign3A_86 = arith.cmpi sgt, %add3A_84, %sign3A : i32
        %sign3A_87 = arith.extui %sign3A_86 : i1 to i32
        %sign3A_88 = arith.constant 0 : i32
        %sign3A_89 = arith.cmpi slt, %add3A_84, %sign3A_88 : i32
        %sign3A_90 = arith.extui %sign3A_89 : i1 to i32
        %sign3A_91 = arith.subi %sign3A_87, %sign3A_90 : i32
        %sign3A_92 = arith.constant 0 : i32
        %sign3A_93 = arith.cmpi sgt, %jit3A_85, %sign3A_92 : i32
        %sign3A_94 = arith.extui %sign3A_93 : i1 to i32
        %sign3A_95 = arith.constant 0 : i32
        %sign3A_96 = arith.cmpi slt, %jit3A_85, %sign3A_95 : i32
        %sign3A_97 = arith.extui %sign3A_96 : i1 to i32
        %sign3A_98 = arith.subi %sign3A_94, %sign3A_97 : i32
        %ne3A_99 = arith.cmpi ne, %sign3A_91, %sign3A_98 : i32
        %rem3A_100 = arith.remsi %add3A_84, %jit3A_85 : i32
        %ne3A_101 = arith.constant 0 : i32
        %ne3A_102 = arith.cmpi ne, %rem3A_100, %ne3A_101 : i32
        %and3A_103 = arith.andi %ne3A_99, %ne3A_102 : i1
        %sub3A = arith.constant 1 : i32
        %sub3A_104 = arith.subi %div3A, %sub3A : i32
        %select_n3A_105 = arith.select %and3A_103, %sub3A_104, %div3A : i32
        %jit3A_106 = arith.constant 3 : i32
        %eq3A_107 = arith.constant 0 : i32
        %eq3A_108 = arith.cmpi eq, %jit3A_106, %eq3A_107 : i32
        %jit3A_109 = arith.constant 1 : i32
        %select_n3A_110 = arith.select %eq3A_108, %jit3A_109, %jit3A_106 : i32
        %rem3A_111 = arith.remsi %select_n3A_105, %select_n3A_110 : i32
        %ne3A_112 = arith.constant 0 : i32
        %ne3A_113 = arith.cmpi ne, %rem3A_111, %ne3A_112 : i32
        %lt3A_114 = arith.constant 0 : i32
        %lt3A_115 = arith.cmpi slt, %rem3A_111, %lt3A_114 : i32
        %lt3A_116 = arith.constant 0 : i32
        %lt3A_117 = arith.cmpi slt, %select_n3A_110, %lt3A_116 : i32
        %ne3A_118 = arith.xori %lt3A_115, %lt3A_117 : i1
        %and3A_119 = arith.andi %ne3A_118, %ne3A_113 : i1
        %add3A_120 = arith.addi %rem3A_111, %select_n3A_110 : i32
        %select_n3A_121 = arith.select %and3A_119, %add3A_120, %rem3A_111 : i32
        %mul3A_122 = arith.constant 16 : i32
        %mul3A_123 = arith.muli %select_n3A_121, %mul3A_122 : i32
        %jit3A_124 = arith.constant 16 : i32
        %eq3A_125 = arith.constant 0 : i32
        %eq3A_126 = arith.cmpi eq, %jit3A_124, %eq3A_125 : i32
        %jit3A_127 = arith.constant 1 : i32
        %select_n3A_128 = arith.select %eq3A_126, %jit3A_127, %jit3A_124 : i32
        %rem3A_129 = arith.remsi %add3A_84, %select_n3A_128 : i32
        %ne3A_130 = arith.constant 0 : i32
        %ne3A_131 = arith.cmpi ne, %rem3A_129, %ne3A_130 : i32
        %lt3A_132 = arith.constant 0 : i32
        %lt3A_133 = arith.cmpi slt, %rem3A_129, %lt3A_132 : i32
        %lt3A_134 = arith.constant 0 : i32
        %lt3A_135 = arith.cmpi slt, %select_n3A_128, %lt3A_134 : i32
        %ne3A_136 = arith.xori %lt3A_133, %lt3A_135 : i1
        %and3A_137 = arith.andi %ne3A_136, %ne3A_131 : i1
        %add3A_138 = arith.addi %rem3A_129, %select_n3A_128 : i32
        %select_n3A_139 = arith.select %and3A_137, %add3A_138, %rem3A_129 : i32
        %add3A_140 = arith.addi %mul3A_123, %select_n3A_139 : i32
        %dma_wait3A_141 = arith.constant 0 : i32
        %dma_wait3A_142 = tpu.memref_slice %arg6[%add3A_140, %dma_wait3A_141] : memref<48x128xi32, #tpu.memory_space<vmem>> -> memref<1x128xi32, #tpu.memory_space<vmem>>
        %dma_wait3A_143 = tpu.memref_squeeze %dma_wait3A_142 : memref<1x128xi32, #tpu.memory_space<vmem>> -> memref<128xi32, #tpu.memory_space<vmem>>
        %dma_wait3A_144 = arith.constant 0 : i32
        %dma_wait3A_145 = arith.constant 0 : i32
        %dma_wait3A_146 = tpu.memref_slice %arg2[%dma_wait3A_144, %dma_wait3A_145] : memref<10240x128xf32, #tpu.memory_space<hbm>> -> memref<10240x128xf32, #tpu.memory_space<hbm>>
        tpu.wait_indirect_dma semaphore(%arg11 : memref<!tpu.dma_semaphore, #tpu.memory_space<semaphore_mem>>) src(%dma_wait3A_146 : memref<10240x128xf32, #tpu.memory_space<hbm>>) dst(%arg8 : memref<128x128xf32, #tpu.memory_space<vmem>>)
        %ge3A = arith.constant 1 : i32
        %ge3A_147 = arith.cmpi sge, %add3A_84, %ge3A : i32
        %convert_element_type3A_148 = arith.extui %ge3A_147 : i1 to i32
        %cond3A_149 = arith.constant 0 : i32
        %cond3A_150 = arith.cmpi ne, %convert_element_type3A_148, %cond3A_149 : i32
        scf.if %cond3A_150 {
          %jit3A_429 = arith.constant 16 : i32
          %div3A_430 = arith.divsi %add3A_84, %jit3A_429 : i32
          %sign3A_431 = arith.constant 0 : i32
          %sign3A_432 = arith.cmpi sgt, %add3A_84, %sign3A_431 : i32
          %sign3A_433 = arith.extui %sign3A_432 : i1 to i32
          %sign3A_434 = arith.constant 0 : i32
          %sign3A_435 = arith.cmpi slt, %add3A_84, %sign3A_434 : i32
          %sign3A_436 = arith.extui %sign3A_435 : i1 to i32
          %sign3A_437 = arith.subi %sign3A_433, %sign3A_436 : i32
          %sign3A_438 = arith.constant 0 : i32
          %sign3A_439 = arith.cmpi sgt, %jit3A_429, %sign3A_438 : i32
          %sign3A_440 = arith.extui %sign3A_439 : i1 to i32
          %sign3A_441 = arith.constant 0 : i32
          %sign3A_442 = arith.cmpi slt, %jit3A_429, %sign3A_441 : i32
          %sign3A_443 = arith.extui %sign3A_442 : i1 to i32
          %sign3A_444 = arith.subi %sign3A_440, %sign3A_443 : i32
          %ne3A_445 = arith.cmpi ne, %sign3A_437, %sign3A_444 : i32
          %rem3A_446 = arith.remsi %add3A_84, %jit3A_429 : i32
          %ne3A_447 = arith.constant 0 : i32
          %ne3A_448 = arith.cmpi ne, %rem3A_446, %ne3A_447 : i32
          %and3A_449 = arith.andi %ne3A_445, %ne3A_448 : i1
          %sub3A_450 = arith.constant 1 : i32
          %sub3A_451 = arith.subi %div3A_430, %sub3A_450 : i32
          %select_n3A_452 = arith.select %and3A_449, %sub3A_451, %div3A_430 : i32
          %jit3A_453 = arith.constant 3 : i32
          %eq3A_454 = arith.constant 0 : i32
          %eq3A_455 = arith.cmpi eq, %jit3A_453, %eq3A_454 : i32
          %jit3A_456 = arith.constant 1 : i32
          %select_n3A_457 = arith.select %eq3A_455, %jit3A_456, %jit3A_453 : i32
          %rem3A_458 = arith.remsi %select_n3A_452, %select_n3A_457 : i32
          %ne3A_459 = arith.constant 0 : i32
          %ne3A_460 = arith.cmpi ne, %rem3A_458, %ne3A_459 : i32
          %lt3A_461 = arith.constant 0 : i32
          %lt3A_462 = arith.cmpi slt, %rem3A_458, %lt3A_461 : i32
          %lt3A_463 = arith.constant 0 : i32
          %lt3A_464 = arith.cmpi slt, %select_n3A_457, %lt3A_463 : i32
          %ne3A_465 = arith.xori %lt3A_462, %lt3A_464 : i1
          %and3A_466 = arith.andi %ne3A_465, %ne3A_460 : i1
          %add3A_467 = arith.addi %rem3A_458, %select_n3A_457 : i32
          %select_n3A_468 = arith.select %and3A_466, %add3A_467, %rem3A_458 : i32
          %mul3A_469 = arith.constant 16 : i32
          %mul3A_470 = arith.muli %select_n3A_468, %mul3A_469 : i32
          %jit3A_471 = arith.constant 16 : i32
          %eq3A_472 = arith.constant 0 : i32
          %eq3A_473 = arith.cmpi eq, %jit3A_471, %eq3A_472 : i32
          %jit3A_474 = arith.constant 1 : i32
          %select_n3A_475 = arith.select %eq3A_473, %jit3A_474, %jit3A_471 : i32
          %rem3A_476 = arith.remsi %add3A_84, %select_n3A_475 : i32
          %ne3A_477 = arith.constant 0 : i32
          %ne3A_478 = arith.cmpi ne, %rem3A_476, %ne3A_477 : i32
          %lt3A_479 = arith.constant 0 : i32
          %lt3A_480 = arith.cmpi slt, %rem3A_476, %lt3A_479 : i32
          %lt3A_481 = arith.constant 0 : i32
          %lt3A_482 = arith.cmpi slt, %select_n3A_475, %lt3A_481 : i32
          %ne3A_483 = arith.xori %lt3A_480, %lt3A_482 : i1
          %and3A_484 = arith.andi %ne3A_483, %ne3A_478 : i1
          %add3A_485 = arith.addi %rem3A_476, %select_n3A_475 : i32
          %select_n3A_486 = arith.select %and3A_484, %add3A_485, %rem3A_476 : i32
          %add3A_487 = arith.addi %mul3A_470, %select_n3A_486 : i32
          %dma_wait3A_488 = arith.constant 0 : i32
          %dma_wait3A_489 = tpu.memref_slice %arg7[%add3A_487, %dma_wait3A_488] : memref<48x128xi32, #tpu.memory_space<vmem>> -> memref<1x128xi32, #tpu.memory_space<vmem>>
          %dma_wait3A_490 = tpu.memref_squeeze %dma_wait3A_489 : memref<1x128xi32, #tpu.memory_space<vmem>> -> memref<128xi32, #tpu.memory_space<vmem>>
          %dma_wait3A_491 = arith.constant 0 : i32
          %dma_wait3A_492 = arith.constant 0 : i32
          %dma_wait3A_493 = tpu.memref_slice %arg10[%dma_wait3A_491, %dma_wait3A_492] : memref<10240x128xf32, #tpu.memory_space<vmem_shared>> -> memref<10240x128xf32, #tpu.memory_space<vmem_shared>>
          tpu.wait_indirect_dma semaphore(%arg14 : memref<!tpu.dma_semaphore, #tpu.memory_space<semaphore_mem>>) src(%arg9 : memref<128x128xf32, #tpu.memory_space<vmem>>) dst(%dma_wait3A_493 : memref<10240x128xf32, #tpu.memory_space<vmem_shared>>)
        } else {
        }
        %add3A_151 = arith.constant 1 : i32
        %add3A_152 = arith.addi %add3A_84, %add3A_151 : i32
        %jit3A_153 = arith.constant 16 : i32
        %div3A_154 = arith.divsi %add3A_152, %jit3A_153 : i32
        %sign3A_155 = arith.constant 0 : i32
        %sign3A_156 = arith.cmpi sgt, %add3A_152, %sign3A_155 : i32
        %sign3A_157 = arith.extui %sign3A_156 : i1 to i32
        %sign3A_158 = arith.constant 0 : i32
        %sign3A_159 = arith.cmpi slt, %add3A_152, %sign3A_158 : i32
        %sign3A_160 = arith.extui %sign3A_159 : i1 to i32
        %sign3A_161 = arith.subi %sign3A_157, %sign3A_160 : i32
        %sign3A_162 = arith.constant 0 : i32
        %sign3A_163 = arith.cmpi sgt, %jit3A_153, %sign3A_162 : i32
        %sign3A_164 = arith.extui %sign3A_163 : i1 to i32
        %sign3A_165 = arith.constant 0 : i32
        %sign3A_166 = arith.cmpi slt, %jit3A_153, %sign3A_165 : i32
        %sign3A_167 = arith.extui %sign3A_166 : i1 to i32
        %sign3A_168 = arith.subi %sign3A_164, %sign3A_167 : i32
        %ne3A_169 = arith.cmpi ne, %sign3A_161, %sign3A_168 : i32
        %rem3A_170 = arith.remsi %add3A_152, %jit3A_153 : i32
        %ne3A_171 = arith.constant 0 : i32
        %ne3A_172 = arith.cmpi ne, %rem3A_170, %ne3A_171 : i32
        %and3A_173 = arith.andi %ne3A_169, %ne3A_172 : i1
        %sub3A_174 = arith.constant 1 : i32
        %sub3A_175 = arith.subi %div3A_154, %sub3A_174 : i32
        %select_n3A_176 = arith.select %and3A_173, %sub3A_175, %div3A_154 : i32
        %jit3A_177 = arith.constant 3 : i32
        %eq3A_178 = arith.constant 0 : i32
        %eq3A_179 = arith.cmpi eq, %jit3A_177, %eq3A_178 : i32
        %jit3A_180 = arith.constant 1 : i32
        %select_n3A_181 = arith.select %eq3A_179, %jit3A_180, %jit3A_177 : i32
        %rem3A_182 = arith.remsi %select_n3A_176, %select_n3A_181 : i32
        %ne3A_183 = arith.constant 0 : i32
        %ne3A_184 = arith.cmpi ne, %rem3A_182, %ne3A_183 : i32
        %lt3A_185 = arith.constant 0 : i32
        %lt3A_186 = arith.cmpi slt, %rem3A_182, %lt3A_185 : i32
        %lt3A_187 = arith.constant 0 : i32
        %lt3A_188 = arith.cmpi slt, %select_n3A_181, %lt3A_187 : i32
        %ne3A_189 = arith.xori %lt3A_186, %lt3A_188 : i1
        %and3A_190 = arith.andi %ne3A_189, %ne3A_184 : i1
        %add3A_191 = arith.addi %rem3A_182, %select_n3A_181 : i32
        %select_n3A_192 = arith.select %and3A_190, %add3A_191, %rem3A_182 : i32
        %mul3A_193 = arith.constant 16 : i32
        %mul3A_194 = arith.muli %select_n3A_192, %mul3A_193 : i32
        %jit3A_195 = arith.constant 16 : i32
        %eq3A_196 = arith.constant 0 : i32
        %eq3A_197 = arith.cmpi eq, %jit3A_195, %eq3A_196 : i32
        %jit3A_198 = arith.constant 1 : i32
        %select_n3A_199 = arith.select %eq3A_197, %jit3A_198, %jit3A_195 : i32
        %rem3A_200 = arith.remsi %add3A_152, %select_n3A_199 : i32
        %ne3A_201 = arith.constant 0 : i32
        %ne3A_202 = arith.cmpi ne, %rem3A_200, %ne3A_201 : i32
        %lt3A_203 = arith.constant 0 : i32
        %lt3A_204 = arith.cmpi slt, %rem3A_200, %lt3A_203 : i32
        %lt3A_205 = arith.constant 0 : i32
        %lt3A_206 = arith.cmpi slt, %select_n3A_199, %lt3A_205 : i32
        %ne3A_207 = arith.xori %lt3A_204, %lt3A_206 : i1
        %and3A_208 = arith.andi %ne3A_207, %ne3A_202 : i1
        %add3A_209 = arith.addi %rem3A_200, %select_n3A_199 : i32
        %select_n3A_210 = arith.select %and3A_208, %add3A_209, %rem3A_200 : i32
        %add3A_211 = arith.addi %mul3A_194, %select_n3A_210 : i32
        %dma_start3A_212 = arith.constant 0 : i32
        %dma_start3A_213 = tpu.memref_slice %arg6[%add3A_211, %dma_start3A_212] : memref<48x128xi32, #tpu.memory_space<vmem>> -> memref<1x128xi32, #tpu.memory_space<vmem>>
        %dma_start3A_214 = tpu.memref_squeeze %dma_start3A_213 : memref<1x128xi32, #tpu.memory_space<vmem>> -> memref<128xi32, #tpu.memory_space<vmem>>
        %dma_start3A_215 = arith.constant 0 : i32
        %dma_start3A_216 = arith.constant 0 : i32
        %dma_start3A_217 = tpu.memref_slice %arg2[%dma_start3A_215, %dma_start3A_216] : memref<10240x128xf32, #tpu.memory_space<hbm>> -> memref<10240x128xf32, #tpu.memory_space<hbm>>
        tpu.enqueue_indirect_dma source(%dma_start3A_217 : memref<10240x128xf32, #tpu.memory_space<hbm>>) target(%arg9 : memref<128x128xf32, #tpu.memory_space<vmem>>) offsets(%dma_start3A_214 : memref<128xi32, #tpu.memory_space<vmem>>) semaphore(%arg12 : memref<!tpu.dma_semaphore, #tpu.memory_space<semaphore_mem>>)
        %jit3A_218 = arith.constant 16 : i32
        %div3A_219 = arith.divsi %add3A_84, %jit3A_218 : i32
        %sign3A_220 = arith.constant 0 : i32
        %sign3A_221 = arith.cmpi sgt, %add3A_84, %sign3A_220 : i32
        %sign3A_222 = arith.extui %sign3A_221 : i1 to i32
        %sign3A_223 = arith.constant 0 : i32
        %sign3A_224 = arith.cmpi slt, %add3A_84, %sign3A_223 : i32
        %sign3A_225 = arith.extui %sign3A_224 : i1 to i32
        %sign3A_226 = arith.subi %sign3A_222, %sign3A_225 : i32
        %sign3A_227 = arith.constant 0 : i32
        %sign3A_228 = arith.cmpi sgt, %jit3A_218, %sign3A_227 : i32
        %sign3A_229 = arith.extui %sign3A_228 : i1 to i32
        %sign3A_230 = arith.constant 0 : i32
        %sign3A_231 = arith.cmpi slt, %jit3A_218, %sign3A_230 : i32
        %sign3A_232 = arith.extui %sign3A_231 : i1 to i32
        %sign3A_233 = arith.subi %sign3A_229, %sign3A_232 : i32
        %ne3A_234 = arith.cmpi ne, %sign3A_226, %sign3A_233 : i32
        %rem3A_235 = arith.remsi %add3A_84, %jit3A_218 : i32
        %ne3A_236 = arith.constant 0 : i32
        %ne3A_237 = arith.cmpi ne, %rem3A_235, %ne3A_236 : i32
        %and3A_238 = arith.andi %ne3A_234, %ne3A_237 : i1
        %sub3A_239 = arith.constant 1 : i32
        %sub3A_240 = arith.subi %div3A_219, %sub3A_239 : i32
        %select_n3A_241 = arith.select %and3A_238, %sub3A_240, %div3A_219 : i32
        %jit3A_242 = arith.constant 3 : i32
        %eq3A_243 = arith.constant 0 : i32
        %eq3A_244 = arith.cmpi eq, %jit3A_242, %eq3A_243 : i32
        %jit3A_245 = arith.constant 1 : i32
        %select_n3A_246 = arith.select %eq3A_244, %jit3A_245, %jit3A_242 : i32
        %rem3A_247 = arith.remsi %select_n3A_241, %select_n3A_246 : i32
        %ne3A_248 = arith.constant 0 : i32
        %ne3A_249 = arith.cmpi ne, %rem3A_247, %ne3A_248 : i32
        %lt3A_250 = arith.constant 0 : i32
        %lt3A_251 = arith.cmpi slt, %rem3A_247, %lt3A_250 : i32
        %lt3A_252 = arith.constant 0 : i32
        %lt3A_253 = arith.cmpi slt, %select_n3A_246, %lt3A_252 : i32
        %ne3A_254 = arith.xori %lt3A_251, %lt3A_253 : i1
        %and3A_255 = arith.andi %ne3A_254, %ne3A_249 : i1
        %add3A_256 = arith.addi %rem3A_247, %select_n3A_246 : i32
        %select_n3A_257 = arith.select %and3A_255, %add3A_256, %rem3A_247 : i32
        %mul3A_258 = arith.constant 16 : i32
        %mul3A_259 = arith.muli %select_n3A_257, %mul3A_258 : i32
        %jit3A_260 = arith.constant 16 : i32
        %eq3A_261 = arith.constant 0 : i32
        %eq3A_262 = arith.cmpi eq, %jit3A_260, %eq3A_261 : i32
        %jit3A_263 = arith.constant 1 : i32
        %select_n3A_264 = arith.select %eq3A_262, %jit3A_263, %jit3A_260 : i32
        %rem3A_265 = arith.remsi %add3A_84, %select_n3A_264 : i32
        %ne3A_266 = arith.constant 0 : i32
        %ne3A_267 = arith.cmpi ne, %rem3A_265, %ne3A_266 : i32
        %lt3A_268 = arith.constant 0 : i32
        %lt3A_269 = arith.cmpi slt, %rem3A_265, %lt3A_268 : i32
        %lt3A_270 = arith.constant 0 : i32
        %lt3A_271 = arith.cmpi slt, %select_n3A_264, %lt3A_270 : i32
        %ne3A_272 = arith.xori %lt3A_269, %lt3A_271 : i1
        %and3A_273 = arith.andi %ne3A_272, %ne3A_267 : i1
        %add3A_274 = arith.addi %rem3A_265, %select_n3A_264 : i32
        %select_n3A_275 = arith.select %and3A_273, %add3A_274, %rem3A_265 : i32
        %add3A_276 = arith.addi %mul3A_259, %select_n3A_275 : i32
        %dma_start3A_277 = arith.constant 0 : i32
        %dma_start3A_278 = tpu.memref_slice %arg7[%add3A_276, %dma_start3A_277] : memref<48x128xi32, #tpu.memory_space<vmem>> -> memref<1x128xi32, #tpu.memory_space<vmem>>
        %dma_start3A_279 = tpu.memref_squeeze %dma_start3A_278 : memref<1x128xi32, #tpu.memory_space<vmem>> -> memref<128xi32, #tpu.memory_space<vmem>>
        %dma_start3A_280 = arith.constant 0 : i32
        %dma_start3A_281 = arith.constant 0 : i32
        %dma_start3A_282 = tpu.memref_slice %arg10[%dma_start3A_280, %dma_start3A_281] : memref<10240x128xf32, #tpu.memory_space<vmem_shared>> -> memref<10240x128xf32, #tpu.memory_space<vmem_shared>>
        tpu.enqueue_indirect_dma source(%arg8 : memref<128x128xf32, #tpu.memory_space<vmem>>) target(%dma_start3A_282 : memref<10240x128xf32, #tpu.memory_space<vmem_shared>>) offsets(%dma_start3A_279 : memref<128xi32, #tpu.memory_space<vmem>>) semaphore(%arg13 : memref<!tpu.dma_semaphore, #tpu.memory_space<semaphore_mem>>) {add = true}
        %mul3A_283 = arith.constant 2 : i32
        %mul3A_284 = arith.muli %scan3A_78, %mul3A_283 : i32
        %add3A_285 = arith.addi %mul3A_44, %mul3A_284 : i32
        %add3A_286 = arith.constant 1 : i32
        %add3A_287 = arith.addi %add3A_285, %add3A_286 : i32
        %jit3A_288 = arith.constant 16 : i32
        %div3A_289 = arith.divsi %add3A_287, %jit3A_288 : i32
        %sign3A_290 = arith.constant 0 : i32
        %sign3A_291 = arith.cmpi sgt, %add3A_287, %sign3A_290 : i32
        %sign3A_292 = arith.extui %sign3A_291 : i1 to i32
        %sign3A_293 = arith.constant 0 : i32
        %sign3A_294 = arith.cmpi slt, %add3A_287, %sign3A_293 : i32
        %sign3A_295 = arith.extui %sign3A_294 : i1 to i32
        %sign3A_296 = arith.subi %sign3A_292, %sign3A_295 : i32
        %sign3A_297 = arith.constant 0 : i32
        %sign3A_298 = arith.cmpi sgt, %jit3A_288, %sign3A_297 : i32
        %sign3A_299 = arith.extui %sign3A_298 : i1 to i32
        %sign3A_300 = arith.constant 0 : i32
        %sign3A_301 = arith.cmpi slt, %jit3A_288, %sign3A_300 : i32
        %sign3A_302 = arith.extui %sign3A_301 : i1 to i32
        %sign3A_303 = arith.subi %sign3A_299, %sign3A_302 : i32
        %ne3A_304 = arith.cmpi ne, %sign3A_296, %sign3A_303 : i32
        %rem3A_305 = arith.remsi %add3A_287, %jit3A_288 : i32
        %ne3A_306 = arith.constant 0 : i32
        %ne3A_307 = arith.cmpi ne, %rem3A_305, %ne3A_306 : i32
        %and3A_308 = arith.andi %ne3A_304, %ne3A_307 : i1
        %sub3A_309 = arith.constant 1 : i32
        %sub3A_310 = arith.subi %div3A_289, %sub3A_309 : i32
        %select_n3A_311 = arith.select %and3A_308, %sub3A_310, %div3A_289 : i32
        %jit3A_312 = arith.constant 3 : i32
        %eq3A_313 = arith.constant 0 : i32
        %eq3A_314 = arith.cmpi eq, %jit3A_312, %eq3A_313 : i32
        %jit3A_315 = arith.constant 1 : i32
        %select_n3A_316 = arith.select %eq3A_314, %jit3A_315, %jit3A_312 : i32
        %rem3A_317 = arith.remsi %select_n3A_311, %select_n3A_316 : i32
        %ne3A_318 = arith.constant 0 : i32
        %ne3A_319 = arith.cmpi ne, %rem3A_317, %ne3A_318 : i32
        %lt3A_320 = arith.constant 0 : i32
        %lt3A_321 = arith.cmpi slt, %rem3A_317, %lt3A_320 : i32
        %lt3A_322 = arith.constant 0 : i32
        %lt3A_323 = arith.cmpi slt, %select_n3A_316, %lt3A_322 : i32
        %ne3A_324 = arith.xori %lt3A_321, %lt3A_323 : i1
        %and3A_325 = arith.andi %ne3A_324, %ne3A_319 : i1
        %add3A_326 = arith.addi %rem3A_317, %select_n3A_316 : i32
        %select_n3A_327 = arith.select %and3A_325, %add3A_326, %rem3A_317 : i32
        %mul3A_328 = arith.constant 16 : i32
        %mul3A_329 = arith.muli %select_n3A_327, %mul3A_328 : i32
        %jit3A_330 = arith.constant 16 : i32
        %eq3A_331 = arith.constant 0 : i32
        %eq3A_332 = arith.cmpi eq, %jit3A_330, %eq3A_331 : i32
        %jit3A_333 = arith.constant 1 : i32
        %select_n3A_334 = arith.select %eq3A_332, %jit3A_333, %jit3A_330 : i32
        %rem3A_335 = arith.remsi %add3A_287, %select_n3A_334 : i32
        %ne3A_336 = arith.constant 0 : i32
        %ne3A_337 = arith.cmpi ne, %rem3A_335, %ne3A_336 : i32
        %lt3A_338 = arith.constant 0 : i32
        %lt3A_339 = arith.cmpi slt, %rem3A_335, %lt3A_338 : i32
        %lt3A_340 = arith.constant 0 : i32
        %lt3A_341 = arith.cmpi slt, %select_n3A_334, %lt3A_340 : i32
        %ne3A_342 = arith.xori %lt3A_339, %lt3A_341 : i1
        %and3A_343 = arith.andi %ne3A_342, %ne3A_337 : i1
        %add3A_344 = arith.addi %rem3A_335, %select_n3A_334 : i32
        %select_n3A_345 = arith.select %and3A_343, %add3A_344, %rem3A_335 : i32
        %add3A_346 = arith.addi %mul3A_329, %select_n3A_345 : i32
        %dma_wait3A_347 = arith.constant 0 : i32
        %dma_wait3A_348 = tpu.memref_slice %arg6[%add3A_346, %dma_wait3A_347] : memref<48x128xi32, #tpu.memory_space<vmem>> -> memref<1x128xi32, #tpu.memory_space<vmem>>
        %dma_wait3A_349 = tpu.memref_squeeze %dma_wait3A_348 : memref<1x128xi32, #tpu.memory_space<vmem>> -> memref<128xi32, #tpu.memory_space<vmem>>
        %dma_wait3A_350 = arith.constant 0 : i32
        %dma_wait3A_351 = arith.constant 0 : i32
        %dma_wait3A_352 = tpu.memref_slice %arg2[%dma_wait3A_350, %dma_wait3A_351] : memref<10240x128xf32, #tpu.memory_space<hbm>> -> memref<10240x128xf32, #tpu.memory_space<hbm>>
        tpu.wait_indirect_dma semaphore(%arg12 : memref<!tpu.dma_semaphore, #tpu.memory_space<semaphore_mem>>) src(%dma_wait3A_352 : memref<10240x128xf32, #tpu.memory_space<hbm>>) dst(%arg9 : memref<128x128xf32, #tpu.memory_space<vmem>>)
        %ge3A_353 = arith.constant 1 : i32
        %ge3A_354 = arith.cmpi sge, %add3A_287, %ge3A_353 : i32
        %convert_element_type3A_355 = arith.extui %ge3A_354 : i1 to i32
        %cond3A_356 = arith.constant 0 : i32
        %cond3A_357 = arith.cmpi ne, %convert_element_type3A_355, %cond3A_356 : i32
        scf.if %cond3A_357 {
          %jit3A_429 = arith.constant 16 : i32
          %div3A_430 = arith.divsi %add3A_287, %jit3A_429 : i32
          %sign3A_431 = arith.constant 0 : i32
          %sign3A_432 = arith.cmpi sgt, %add3A_287, %sign3A_431 : i32
          %sign3A_433 = arith.extui %sign3A_432 : i1 to i32
          %sign3A_434 = arith.constant 0 : i32
          %sign3A_435 = arith.cmpi slt, %add3A_287, %sign3A_434 : i32
          %sign3A_436 = arith.extui %sign3A_435 : i1 to i32
          %sign3A_437 = arith.subi %sign3A_433, %sign3A_436 : i32
          %sign3A_438 = arith.constant 0 : i32
          %sign3A_439 = arith.cmpi sgt, %jit3A_429, %sign3A_438 : i32
          %sign3A_440 = arith.extui %sign3A_439 : i1 to i32
          %sign3A_441 = arith.constant 0 : i32
          %sign3A_442 = arith.cmpi slt, %jit3A_429, %sign3A_441 : i32
          %sign3A_443 = arith.extui %sign3A_442 : i1 to i32
          %sign3A_444 = arith.subi %sign3A_440, %sign3A_443 : i32
          %ne3A_445 = arith.cmpi ne, %sign3A_437, %sign3A_444 : i32
          %rem3A_446 = arith.remsi %add3A_287, %jit3A_429 : i32
          %ne3A_447 = arith.constant 0 : i32
          %ne3A_448 = arith.cmpi ne, %rem3A_446, %ne3A_447 : i32
          %and3A_449 = arith.andi %ne3A_445, %ne3A_448 : i1
          %sub3A_450 = arith.constant 1 : i32
          %sub3A_451 = arith.subi %div3A_430, %sub3A_450 : i32
          %select_n3A_452 = arith.select %and3A_449, %sub3A_451, %div3A_430 : i32
          %jit3A_453 = arith.constant 3 : i32
          %eq3A_454 = arith.constant 0 : i32
          %eq3A_455 = arith.cmpi eq, %jit3A_453, %eq3A_454 : i32
          %jit3A_456 = arith.constant 1 : i32
          %select_n3A_457 = arith.select %eq3A_455, %jit3A_456, %jit3A_453 : i32
          %rem3A_458 = arith.remsi %select_n3A_452, %select_n3A_457 : i32
          %ne3A_459 = arith.constant 0 : i32
          %ne3A_460 = arith.cmpi ne, %rem3A_458, %ne3A_459 : i32
          %lt3A_461 = arith.constant 0 : i32
          %lt3A_462 = arith.cmpi slt, %rem3A_458, %lt3A_461 : i32
          %lt3A_463 = arith.constant 0 : i32
          %lt3A_464 = arith.cmpi slt, %select_n3A_457, %lt3A_463 : i32
          %ne3A_465 = arith.xori %lt3A_462, %lt3A_464 : i1
          %and3A_466 = arith.andi %ne3A_465, %ne3A_460 : i1
          %add3A_467 = arith.addi %rem3A_458, %select_n3A_457 : i32
          %select_n3A_468 = arith.select %and3A_466, %add3A_467, %rem3A_458 : i32
          %mul3A_469 = arith.constant 16 : i32
          %mul3A_470 = arith.muli %select_n3A_468, %mul3A_469 : i32
          %jit3A_471 = arith.constant 16 : i32
          %eq3A_472 = arith.constant 0 : i32
          %eq3A_473 = arith.cmpi eq, %jit3A_471, %eq3A_472 : i32
          %jit3A_474 = arith.constant 1 : i32
          %select_n3A_475 = arith.select %eq3A_473, %jit3A_474, %jit3A_471 : i32
          %rem3A_476 = arith.remsi %add3A_287, %select_n3A_475 : i32
          %ne3A_477 = arith.constant 0 : i32
          %ne3A_478 = arith.cmpi ne, %rem3A_476, %ne3A_477 : i32
          %lt3A_479 = arith.constant 0 : i32
          %lt3A_480 = arith.cmpi slt, %rem3A_476, %lt3A_479 : i32
          %lt3A_481 = arith.constant 0 : i32
          %lt3A_482 = arith.cmpi slt, %select_n3A_475, %lt3A_481 : i32
          %ne3A_483 = arith.xori %lt3A_480, %lt3A_482 : i1
          %and3A_484 = arith.andi %ne3A_483, %ne3A_478 : i1
          %add3A_485 = arith.addi %rem3A_476, %select_n3A_475 : i32
          %select_n3A_486 = arith.select %and3A_484, %add3A_485, %rem3A_476 : i32
          %add3A_487 = arith.addi %mul3A_470, %select_n3A_486 : i32
          %dma_wait3A_488 = arith.constant 0 : i32
          %dma_wait3A_489 = tpu.memref_slice %arg7[%add3A_487, %dma_wait3A_488] : memref<48x128xi32, #tpu.memory_space<vmem>> -> memref<1x128xi32, #tpu.memory_space<vmem>>
          %dma_wait3A_490 = tpu.memref_squeeze %dma_wait3A_489 : memref<1x128xi32, #tpu.memory_space<vmem>> -> memref<128xi32, #tpu.memory_space<vmem>>
          %dma_wait3A_491 = arith.constant 0 : i32
          %dma_wait3A_492 = arith.constant 0 : i32
          %dma_wait3A_493 = tpu.memref_slice %arg10[%dma_wait3A_491, %dma_wait3A_492] : memref<10240x128xf32, #tpu.memory_space<vmem_shared>> -> memref<10240x128xf32, #tpu.memory_space<vmem_shared>>
          tpu.wait_indirect_dma semaphore(%arg13 : memref<!tpu.dma_semaphore, #tpu.memory_space<semaphore_mem>>) src(%arg8 : memref<128x128xf32, #tpu.memory_space<vmem>>) dst(%dma_wait3A_493 : memref<10240x128xf32, #tpu.memory_space<vmem_shared>>)
        } else {
        }
        %lt3A_358 = arith.constant 7 : i32
        %lt3A_359 = arith.cmpi slt, %scan3A_78, %lt3A_358 : i32
        %convert_element_type3A_360 = arith.extui %lt3A_359 : i1 to i32
        %cond3A_361 = arith.constant 0 : i32
        %cond3A_362 = arith.cmpi ne, %convert_element_type3A_360, %cond3A_361 : i32
        scf.if %cond3A_362 {
          %add3A_429 = arith.constant 1 : i32
          %add3A_430 = arith.addi %add3A_287, %add3A_429 : i32
          %jit3A_431 = arith.constant 16 : i32
          %div3A_432 = arith.divsi %add3A_430, %jit3A_431 : i32
          %sign3A_433 = arith.constant 0 : i32
          %sign3A_434 = arith.cmpi sgt, %add3A_430, %sign3A_433 : i32
          %sign3A_435 = arith.extui %sign3A_434 : i1 to i32
          %sign3A_436 = arith.constant 0 : i32
          %sign3A_437 = arith.cmpi slt, %add3A_430, %sign3A_436 : i32
          %sign3A_438 = arith.extui %sign3A_437 : i1 to i32
          %sign3A_439 = arith.subi %sign3A_435, %sign3A_438 : i32
          %sign3A_440 = arith.constant 0 : i32
          %sign3A_441 = arith.cmpi sgt, %jit3A_431, %sign3A_440 : i32
          %sign3A_442 = arith.extui %sign3A_441 : i1 to i32
          %sign3A_443 = arith.constant 0 : i32
          %sign3A_444 = arith.cmpi slt, %jit3A_431, %sign3A_443 : i32
          %sign3A_445 = arith.extui %sign3A_444 : i1 to i32
          %sign3A_446 = arith.subi %sign3A_442, %sign3A_445 : i32
          %ne3A_447 = arith.cmpi ne, %sign3A_439, %sign3A_446 : i32
          %rem3A_448 = arith.remsi %add3A_430, %jit3A_431 : i32
          %ne3A_449 = arith.constant 0 : i32
          %ne3A_450 = arith.cmpi ne, %rem3A_448, %ne3A_449 : i32
          %and3A_451 = arith.andi %ne3A_447, %ne3A_450 : i1
          %sub3A_452 = arith.constant 1 : i32
          %sub3A_453 = arith.subi %div3A_432, %sub3A_452 : i32
          %select_n3A_454 = arith.select %and3A_451, %sub3A_453, %div3A_432 : i32
          %jit3A_455 = arith.constant 3 : i32
          %eq3A_456 = arith.constant 0 : i32
          %eq3A_457 = arith.cmpi eq, %jit3A_455, %eq3A_456 : i32
          %jit3A_458 = arith.constant 1 : i32
          %select_n3A_459 = arith.select %eq3A_457, %jit3A_458, %jit3A_455 : i32
          %rem3A_460 = arith.remsi %select_n3A_454, %select_n3A_459 : i32
          %ne3A_461 = arith.constant 0 : i32
          %ne3A_462 = arith.cmpi ne, %rem3A_460, %ne3A_461 : i32
          %lt3A_463 = arith.constant 0 : i32
          %lt3A_464 = arith.cmpi slt, %rem3A_460, %lt3A_463 : i32
          %lt3A_465 = arith.constant 0 : i32
          %lt3A_466 = arith.cmpi slt, %select_n3A_459, %lt3A_465 : i32
          %ne3A_467 = arith.xori %lt3A_464, %lt3A_466 : i1
          %and3A_468 = arith.andi %ne3A_467, %ne3A_462 : i1
          %add3A_469 = arith.addi %rem3A_460, %select_n3A_459 : i32
          %select_n3A_470 = arith.select %and3A_468, %add3A_469, %rem3A_460 : i32
          %mul3A_471 = arith.constant 16 : i32
          %mul3A_472 = arith.muli %select_n3A_470, %mul3A_471 : i32
          %jit3A_473 = arith.constant 16 : i32
          %eq3A_474 = arith.constant 0 : i32
          %eq3A_475 = arith.cmpi eq, %jit3A_473, %eq3A_474 : i32
          %jit3A_476 = arith.constant 1 : i32
          %select_n3A_477 = arith.select %eq3A_475, %jit3A_476, %jit3A_473 : i32
          %rem3A_478 = arith.remsi %add3A_430, %select_n3A_477 : i32
          %ne3A_479 = arith.constant 0 : i32
          %ne3A_480 = arith.cmpi ne, %rem3A_478, %ne3A_479 : i32
          %lt3A_481 = arith.constant 0 : i32
          %lt3A_482 = arith.cmpi slt, %rem3A_478, %lt3A_481 : i32
          %lt3A_483 = arith.constant 0 : i32
          %lt3A_484 = arith.cmpi slt, %select_n3A_477, %lt3A_483 : i32
          %ne3A_485 = arith.xori %lt3A_482, %lt3A_484 : i1
          %and3A_486 = arith.andi %ne3A_485, %ne3A_480 : i1
          %add3A_487 = arith.addi %rem3A_478, %select_n3A_477 : i32
          %select_n3A_488 = arith.select %and3A_486, %add3A_487, %rem3A_478 : i32
          %add3A_489 = arith.addi %mul3A_472, %select_n3A_488 : i32
          %dma_start3A_490 = arith.constant 0 : i32
          %dma_start3A_491 = tpu.memref_slice %arg6[%add3A_489, %dma_start3A_490] : memref<48x128xi32, #tpu.memory_space<vmem>> -> memref<1x128xi32, #tpu.memory_space<vmem>>
          %dma_start3A_492 = tpu.memref_squeeze %dma_start3A_491 : memref<1x128xi32, #tpu.memory_space<vmem>> -> memref<128xi32, #tpu.memory_space<vmem>>
          %dma_start3A_493 = arith.constant 0 : i32
          %dma_start3A_494 = arith.constant 0 : i32
          %dma_start3A_495 = tpu.memref_slice %arg2[%dma_start3A_493, %dma_start3A_494] : memref<10240x128xf32, #tpu.memory_space<hbm>> -> memref<10240x128xf32, #tpu.memory_space<hbm>>
          tpu.enqueue_indirect_dma source(%dma_start3A_495 : memref<10240x128xf32, #tpu.memory_space<hbm>>) target(%arg8 : memref<128x128xf32, #tpu.memory_space<vmem>>) offsets(%dma_start3A_492 : memref<128xi32, #tpu.memory_space<vmem>>) semaphore(%arg11 : memref<!tpu.dma_semaphore, #tpu.memory_space<semaphore_mem>>)
        } else {
        }
        %jit3A_363 = arith.constant 16 : i32
        %div3A_364 = arith.divsi %add3A_287, %jit3A_363 : i32
        %sign3A_365 = arith.constant 0 : i32
        %sign3A_366 = arith.cmpi sgt, %add3A_287, %sign3A_365 : i32
        %sign3A_367 = arith.extui %sign3A_366 : i1 to i32
        %sign3A_368 = arith.constant 0 : i32
        %sign3A_369 = arith.cmpi slt, %add3A_287, %sign3A_368 : i32
        %sign3A_370 = arith.extui %sign3A_369 : i1 to i32
        %sign3A_371 = arith.subi %sign3A_367, %sign3A_370 : i32
        %sign3A_372 = arith.constant 0 : i32
        %sign3A_373 = arith.cmpi sgt, %jit3A_363, %sign3A_372 : i32
        %sign3A_374 = arith.extui %sign3A_373 : i1 to i32
        %sign3A_375 = arith.constant 0 : i32
        %sign3A_376 = arith.cmpi slt, %jit3A_363, %sign3A_375 : i32
        %sign3A_377 = arith.extui %sign3A_376 : i1 to i32
        %sign3A_378 = arith.subi %sign3A_374, %sign3A_377 : i32
        %ne3A_379 = arith.cmpi ne, %sign3A_371, %sign3A_378 : i32
        %rem3A_380 = arith.remsi %add3A_287, %jit3A_363 : i32
        %ne3A_381 = arith.constant 0 : i32
        %ne3A_382 = arith.cmpi ne, %rem3A_380, %ne3A_381 : i32
        %and3A_383 = arith.andi %ne3A_379, %ne3A_382 : i1
        %sub3A_384 = arith.constant 1 : i32
        %sub3A_385 = arith.subi %div3A_364, %sub3A_384 : i32
        %select_n3A_386 = arith.select %and3A_383, %sub3A_385, %div3A_364 : i32
        %jit3A_387 = arith.constant 3 : i32
        %eq3A_388 = arith.constant 0 : i32
        %eq3A_389 = arith.cmpi eq, %jit3A_387, %eq3A_388 : i32
        %jit3A_390 = arith.constant 1 : i32
        %select_n3A_391 = arith.select %eq3A_389, %jit3A_390, %jit3A_387 : i32
        %rem3A_392 = arith.remsi %select_n3A_386, %select_n3A_391 : i32
        %ne3A_393 = arith.constant 0 : i32
        %ne3A_394 = arith.cmpi ne, %rem3A_392, %ne3A_393 : i32
        %lt3A_395 = arith.constant 0 : i32
        %lt3A_396 = arith.cmpi slt, %rem3A_392, %lt3A_395 : i32
        %lt3A_397 = arith.constant 0 : i32
        %lt3A_398 = arith.cmpi slt, %select_n3A_391, %lt3A_397 : i32
        %ne3A_399 = arith.xori %lt3A_396, %lt3A_398 : i1
        %and3A_400 = arith.andi %ne3A_399, %ne3A_394 : i1
        %add3A_401 = arith.addi %rem3A_392, %select_n3A_391 : i32
        %select_n3A_402 = arith.select %and3A_400, %add3A_401, %rem3A_392 : i32
        %mul3A_403 = arith.constant 16 : i32
        %mul3A_404 = arith.muli %select_n3A_402, %mul3A_403 : i32
        %jit3A_405 = arith.constant 16 : i32
        %eq3A_406 = arith.constant 0 : i32
        %eq3A_407 = arith.cmpi eq, %jit3A_405, %eq3A_406 : i32
        %jit3A_408 = arith.constant 1 : i32
        %select_n3A_409 = arith.select %eq3A_407, %jit3A_408, %jit3A_405 : i32
        %rem3A_410 = arith.remsi %add3A_287, %select_n3A_409 : i32
        %ne3A_411 = arith.constant 0 : i32
        %ne3A_412 = arith.cmpi ne, %rem3A_410, %ne3A_411 : i32
        %lt3A_413 = arith.constant 0 : i32
        %lt3A_414 = arith.cmpi slt, %rem3A_410, %lt3A_413 : i32
        %lt3A_415 = arith.constant 0 : i32
        %lt3A_416 = arith.cmpi slt, %select_n3A_409, %lt3A_415 : i32
        %ne3A_417 = arith.xori %lt3A_414, %lt3A_416 : i1
        %and3A_418 = arith.andi %ne3A_417, %ne3A_412 : i1
        %add3A_419 = arith.addi %rem3A_410, %select_n3A_409 : i32
        %select_n3A_420 = arith.select %and3A_418, %add3A_419, %rem3A_410 : i32
        %add3A_421 = arith.addi %mul3A_404, %select_n3A_420 : i32
        %dma_start3A_422 = arith.constant 0 : i32
        %dma_start3A_423 = tpu.memref_slice %arg7[%add3A_421, %dma_start3A_422] : memref<48x128xi32, #tpu.memory_space<vmem>> -> memref<1x128xi32, #tpu.memory_space<vmem>>
        %dma_start3A_424 = tpu.memref_squeeze %dma_start3A_423 : memref<1x128xi32, #tpu.memory_space<vmem>> -> memref<128xi32, #tpu.memory_space<vmem>>
        %dma_start3A_425 = arith.constant 0 : i32
        %dma_start3A_426 = arith.constant 0 : i32
        %dma_start3A_427 = tpu.memref_slice %arg10[%dma_start3A_425, %dma_start3A_426] : memref<10240x128xf32, #tpu.memory_space<vmem_shared>> -> memref<10240x128xf32, #tpu.memory_space<vmem_shared>>
        tpu.enqueue_indirect_dma source(%arg9 : memref<128x128xf32, #tpu.memory_space<vmem>>) target(%dma_start3A_427 : memref<10240x128xf32, #tpu.memory_space<vmem_shared>>) offsets(%dma_start3A_424 : memref<128xi32, #tpu.memory_space<vmem>>) semaphore(%arg14 : memref<!tpu.dma_semaphore, #tpu.memory_space<semaphore_mem>>) {add = true}
        %scan3A_428 = arith.constant 0 : i32
        scf.yield %scan3A_428 : i32
      }
      %scan3A_69 = arith.constant 8 : i32
      %add3A_70 = arith.constant 1 : i32
      %add3A_71 = arith.addi %scan3A_41, %add3A_70 : i32
      %lt3A_72 = arith.constant 5 : i32
      %lt3A_73 = arith.cmpi slt, %add3A_71, %lt3A_72 : i32
      %convert_element_type3A_74 = arith.extui %lt3A_73 : i1 to i32
      %cond3A_75 = arith.constant 0 : i32
      %cond3A_76 = arith.cmpi ne, %convert_element_type3A_74, %cond3A_75 : i32
      scf.if %cond3A_76 {
        %add3A_78 = arith.addi %mul3A_2, %mul3A_44 : i32
        %add3A_79 = arith.constant 16 : i32
        %add3A_80 = arith.addi %add3A_78, %add3A_79 : i32
        %dma_wait3A_81 = arith.constant 0 : i32
        %dma_wait3A_82 = tpu.memref_slice %arg6[%mul3A_57, %dma_wait3A_81] : memref<48x128xi32, #tpu.memory_space<vmem>> -> memref<16x128xi32, #tpu.memory_space<vmem>>
        %dma_wait3A_83 = arith.constant 0 : i32
        %dma_wait3A_84 = tpu.memref_slice %arg3[%add3A_80, %dma_wait3A_83] : memref<2560x128xi32, #tpu.memory_space<hbm>> -> memref<16x128xi32, #tpu.memory_space<hbm>>
        %dma_wait3A_85 = arith.constant 0 : i32
        %dma_wait3A_86 = tpu.memref_slice %arg6[%mul3A_57, %dma_wait3A_85] : memref<48x128xi32, #tpu.memory_space<vmem>> -> memref<16x128xi32, #tpu.memory_space<vmem>>
        %dma_wait3A_87 = arith.constant 0 : i32
        %dma_wait3A_88 = tpu.memref_slice %arg3[%add3A_80, %dma_wait3A_87] : memref<2560x128xi32, #tpu.memory_space<hbm>> -> memref<16x128xi32, #tpu.memory_space<hbm>>
        tpu.wait_dma2 semaphore(%arg15 : memref<!tpu.dma_semaphore, #tpu.memory_space<semaphore_mem>>) src(%dma_wait3A_88 : memref<16x128xi32, #tpu.memory_space<hbm>>) dst(%dma_wait3A_86 : memref<16x128xi32, #tpu.memory_space<vmem>>)
        %add3A_89 = arith.addi %mul3A_2, %mul3A_44 : i32
        %add3A_90 = arith.constant 16 : i32
        %add3A_91 = arith.addi %add3A_89, %add3A_90 : i32
        %dma_wait3A_92 = arith.constant 0 : i32
        %dma_wait3A_93 = tpu.memref_slice %arg7[%mul3A_57, %dma_wait3A_92] : memref<48x128xi32, #tpu.memory_space<vmem>> -> memref<16x128xi32, #tpu.memory_space<vmem>>
        %dma_wait3A_94 = arith.constant 0 : i32
        %dma_wait3A_95 = tpu.memref_slice %arg4[%add3A_91, %dma_wait3A_94] : memref<2560x128xi32, #tpu.memory_space<hbm>> -> memref<16x128xi32, #tpu.memory_space<hbm>>
        %dma_wait3A_96 = arith.constant 0 : i32
        %dma_wait3A_97 = tpu.memref_slice %arg7[%mul3A_57, %dma_wait3A_96] : memref<48x128xi32, #tpu.memory_space<vmem>> -> memref<16x128xi32, #tpu.memory_space<vmem>>
        %dma_wait3A_98 = arith.constant 0 : i32
        %dma_wait3A_99 = tpu.memref_slice %arg4[%add3A_91, %dma_wait3A_98] : memref<2560x128xi32, #tpu.memory_space<hbm>> -> memref<16x128xi32, #tpu.memory_space<hbm>>
        tpu.wait_dma2 semaphore(%arg15 : memref<!tpu.dma_semaphore, #tpu.memory_space<semaphore_mem>>) src(%dma_wait3A_99 : memref<16x128xi32, #tpu.memory_space<hbm>>) dst(%dma_wait3A_97 : memref<16x128xi32, #tpu.memory_space<vmem>>)
        %add3A_100 = arith.constant 16 : i32
        %add3A_101 = arith.addi %mul3A_44, %add3A_100 : i32
        %jit3A_102 = arith.constant 16 : i32
        %div3A = arith.divsi %add3A_101, %jit3A_102 : i32
        %sign3A = arith.constant 0 : i32
        %sign3A_103 = arith.cmpi sgt, %add3A_101, %sign3A : i32
        %sign3A_104 = arith.extui %sign3A_103 : i1 to i32
        %sign3A_105 = arith.constant 0 : i32
        %sign3A_106 = arith.cmpi slt, %add3A_101, %sign3A_105 : i32
        %sign3A_107 = arith.extui %sign3A_106 : i1 to i32
        %sign3A_108 = arith.subi %sign3A_104, %sign3A_107 : i32
        %sign3A_109 = arith.constant 0 : i32
        %sign3A_110 = arith.cmpi sgt, %jit3A_102, %sign3A_109 : i32
        %sign3A_111 = arith.extui %sign3A_110 : i1 to i32
        %sign3A_112 = arith.constant 0 : i32
        %sign3A_113 = arith.cmpi slt, %jit3A_102, %sign3A_112 : i32
        %sign3A_114 = arith.extui %sign3A_113 : i1 to i32
        %sign3A_115 = arith.subi %sign3A_111, %sign3A_114 : i32
        %ne3A_116 = arith.cmpi ne, %sign3A_108, %sign3A_115 : i32
        %rem3A_117 = arith.remsi %add3A_101, %jit3A_102 : i32
        %ne3A_118 = arith.constant 0 : i32
        %ne3A_119 = arith.cmpi ne, %rem3A_117, %ne3A_118 : i32
        %and3A_120 = arith.andi %ne3A_116, %ne3A_119 : i1
        %sub3A = arith.constant 1 : i32
        %sub3A_121 = arith.subi %div3A, %sub3A : i32
        %select_n3A_122 = arith.select %and3A_120, %sub3A_121, %div3A : i32
        %jit3A_123 = arith.constant 3 : i32
        %eq3A_124 = arith.constant 0 : i32
        %eq3A_125 = arith.cmpi eq, %jit3A_123, %eq3A_124 : i32
        %jit3A_126 = arith.constant 1 : i32
        %select_n3A_127 = arith.select %eq3A_125, %jit3A_126, %jit3A_123 : i32
        %rem3A_128 = arith.remsi %select_n3A_122, %select_n3A_127 : i32
        %ne3A_129 = arith.constant 0 : i32
        %ne3A_130 = arith.cmpi ne, %rem3A_128, %ne3A_129 : i32
        %lt3A_131 = arith.constant 0 : i32
        %lt3A_132 = arith.cmpi slt, %rem3A_128, %lt3A_131 : i32
        %lt3A_133 = arith.constant 0 : i32
        %lt3A_134 = arith.cmpi slt, %select_n3A_127, %lt3A_133 : i32
        %ne3A_135 = arith.xori %lt3A_132, %lt3A_134 : i1
        %and3A_136 = arith.andi %ne3A_135, %ne3A_130 : i1
        %add3A_137 = arith.addi %rem3A_128, %select_n3A_127 : i32
        %select_n3A_138 = arith.select %and3A_136, %add3A_137, %rem3A_128 : i32
        %mul3A_139 = arith.constant 16 : i32
        %mul3A_140 = arith.muli %select_n3A_138, %mul3A_139 : i32
        %jit3A_141 = arith.constant 16 : i32
        %eq3A_142 = arith.constant 0 : i32
        %eq3A_143 = arith.cmpi eq, %jit3A_141, %eq3A_142 : i32
        %jit3A_144 = arith.constant 1 : i32
        %select_n3A_145 = arith.select %eq3A_143, %jit3A_144, %jit3A_141 : i32
        %rem3A_146 = arith.remsi %add3A_101, %select_n3A_145 : i32
        %ne3A_147 = arith.constant 0 : i32
        %ne3A_148 = arith.cmpi ne, %rem3A_146, %ne3A_147 : i32
        %lt3A_149 = arith.constant 0 : i32
        %lt3A_150 = arith.cmpi slt, %rem3A_146, %lt3A_149 : i32
        %lt3A_151 = arith.constant 0 : i32
        %lt3A_152 = arith.cmpi slt, %select_n3A_145, %lt3A_151 : i32
        %ne3A_153 = arith.xori %lt3A_150, %lt3A_152 : i1
        %and3A_154 = arith.andi %ne3A_153, %ne3A_148 : i1
        %add3A_155 = arith.addi %rem3A_146, %select_n3A_145 : i32
        %select_n3A_156 = arith.select %and3A_154, %add3A_155, %rem3A_146 : i32
        %add3A_157 = arith.addi %mul3A_140, %select_n3A_156 : i32
        %dma_start3A_158 = arith.constant 0 : i32
        %dma_start3A_159 = tpu.memref_slice %arg6[%add3A_157, %dma_start3A_158] : memref<48x128xi32, #tpu.memory_space<vmem>> -> memref<1x128xi32, #tpu.memory_space<vmem>>
        %dma_start3A_160 = tpu.memref_squeeze %dma_start3A_159 : memref<1x128xi32, #tpu.memory_space<vmem>> -> memref<128xi32, #tpu.memory_space<vmem>>
        %dma_start3A_161 = arith.constant 0 : i32
        %dma_start3A_162 = arith.constant 0 : i32
        %dma_start3A_163 = tpu.memref_slice %arg2[%dma_start3A_161, %dma_start3A_162] : memref<10240x128xf32, #tpu.memory_space<hbm>> -> memref<10240x128xf32, #tpu.memory_space<hbm>>
        tpu.enqueue_indirect_dma source(%dma_start3A_163 : memref<10240x128xf32, #tpu.memory_space<hbm>>) target(%arg8 : memref<128x128xf32, #tpu.memory_space<vmem>>) offsets(%dma_start3A_160 : memref<128xi32, #tpu.memory_space<vmem>>) semaphore(%arg11 : memref<!tpu.dma_semaphore, #tpu.memory_space<semaphore_mem>>)
      } else {
      }
      %scan3A_77 = arith.constant 0 : i32
      scf.yield %scan3A_77 : i32
    }
    %scan3A_29 = arith.constant 5 : i32
    %dma_wait3A = arith.constant 31 : i32
    %dma_wait3A_30 = arith.constant 0 : i32
    %dma_wait3A_31 = tpu.memref_slice %arg7[%dma_wait3A, %dma_wait3A_30] : memref<48x128xi32, #tpu.memory_space<vmem>> -> memref<1x128xi32, #tpu.memory_space<vmem>>
    %dma_wait3A_32 = tpu.memref_squeeze %dma_wait3A_31 : memref<1x128xi32, #tpu.memory_space<vmem>> -> memref<128xi32, #tpu.memory_space<vmem>>
    %dma_wait3A_33 = arith.constant 0 : i32
    %dma_wait3A_34 = arith.constant 0 : i32
    %dma_wait3A_35 = tpu.memref_slice %arg10[%dma_wait3A_33, %dma_wait3A_34] : memref<10240x128xf32, #tpu.memory_space<vmem_shared>> -> memref<10240x128xf32, #tpu.memory_space<vmem_shared>>
    tpu.wait_indirect_dma semaphore(%arg14 : memref<!tpu.dma_semaphore, #tpu.memory_space<semaphore_mem>>) src(%arg9 : memref<128x128xf32, #tpu.memory_space<vmem>>) dst(%dma_wait3A_35 : memref<10240x128xf32, #tpu.memory_space<vmem_shared>>)
    %barrier3A_36 = arith.constant 0 : index
    tpu.barrier barrier_id(%barrier3A_36)
    %mul3A_37 = arith.constant 640 : i32
    %mul3A_38 = arith.muli %arg1, %mul3A_37 : i32
    %mul3A_39 = arith.constant 640 : i32
    %mul3A_40 = arith.muli %arg1, %mul3A_39 : i32
    "tpu.region"() ({
      %run_scoped3A = tpu.sem_alloc : memref<!tpu.dma_semaphore, #tpu.memory_space<semaphore_mem>>
      %dma_start3A_41 = arith.constant 0 : i32
      %dma_start3A_42 = arith.constant 0 : i32
      %dma_start3A_43 = tpu.memref_slice %arg5[%arg0, %dma_start3A_41, %dma_start3A_42] : memref<2x10240x128xf32, #tpu.memory_space<hbm>> -> memref<1x10240x128xf32, #tpu.memory_space<hbm>>
      %dma_start3A_44 = tpu.memref_squeeze %dma_start3A_43 : memref<1x10240x128xf32, #tpu.memory_space<hbm>> -> memref<10240x128xf32, #tpu.memory_space<hbm>>
      %dma_start3A_45 = arith.constant 0 : i32
      %dma_start3A_46 = tpu.memref_slice %dma_start3A_44[%mul3A_40, %dma_start3A_45] : memref<10240x128xf32, #tpu.memory_space<hbm>> -> memref<640x128xf32, #tpu.memory_space<hbm>>
      %dma_start3A_47 = arith.constant 0 : i32
      %dma_start3A_48 = tpu.memref_slice %arg10[%mul3A_38, %dma_start3A_47] : memref<10240x128xf32, #tpu.memory_space<vmem_shared>> -> memref<640x128xf32, #tpu.memory_space<vmem_shared>>
      tpu.enqueue_dma source(%dma_start3A_48 : memref<640x128xf32, #tpu.memory_space<vmem_shared>>) target(%dma_start3A_46 : memref<640x128xf32, #tpu.memory_space<hbm>>) target_semaphore(%run_scoped3A : memref<!tpu.dma_semaphore, #tpu.memory_space<semaphore_mem>>)
      %dma_wait3A_49 = arith.constant 0 : i32
      %dma_wait3A_50 = arith.constant 0 : i32
      %dma_wait3A_51 = tpu.memref_slice %arg5[%arg0, %dma_wait3A_49, %dma_wait3A_50] : memref<2x10240x128xf32, #tpu.memory_space<hbm>> -> memref<1x10240x128xf32, #tpu.memory_space<hbm>>
      %dma_wait3A_52 = tpu.memref_squeeze %dma_wait3A_51 : memref<1x10240x128xf32, #tpu.memory_space<hbm>> -> memref<10240x128xf32, #tpu.memory_space<hbm>>
      %dma_wait3A_53 = arith.constant 0 : i32
      %dma_wait3A_54 = tpu.memref_slice %dma_wait3A_52[%mul3A_40, %dma_wait3A_53] : memref<10240x128xf32, #tpu.memory_space<hbm>> -> memref<640x128xf32, #tpu.memory_space<hbm>>
      %dma_wait3A_55 = arith.constant 0 : i32
      %dma_wait3A_56 = tpu.memref_slice %arg10[%mul3A_38, %dma_wait3A_55] : memref<10240x128xf32, #tpu.memory_space<vmem_shared>> -> memref<640x128xf32, #tpu.memory_space<vmem_shared>>
      tpu.wait_dma2 semaphore(%run_scoped3A : memref<!tpu.dma_semaphore, #tpu.memory_space<semaphore_mem>>) src(%dma_wait3A_56 : memref<640x128xf32, #tpu.memory_space<vmem_shared>>) dst(%dma_wait3A_54 : memref<640x128xf32, #tpu.memory_space<hbm>>)
      tpu.yield
    }) : () -> ()
    return
  }
}

module attributes {stable_mosaic.version = 14 : i64} {
  func.func @tc_body(%arg0: i32, %arg1: memref<2x1024x128xf32, #tpu.memory_space<vmem>>, %arg2: memref<32x1024xf32, #tpu.memory_space<vmem>>, %arg3: memref<1024x128xf32, #tpu.memory_space<vmem>>, %arg4: memref<128x128xf32, #tpu.memory_space<vmem>>, %arg5: memref<1x128xf32, #tpu.memory_space<vmem>>, %arg6: memref<128x128xf32, #tpu.memory_space<vmem>>, %arg7: memref<1024x128xf32, #tpu.memory_space<vmem>>) attributes {dimension_semantics = [#tpu.dimension_semantics<arbitrary>], iteration_bounds = array<i64: 10>, scalar_prefetch = 0 : i64, scratch_operands = 0 : i64, tpu.core_type = #tpu.core_type<tc>, window_params = [{transform_indices = @transform_0, window_bounds = array<i64: 2, 1024, 128>}, {transform_indices = @transform_1, window_bounds = array<i64: 32, 1024>}, {transform_indices = @transform_2, window_bounds = array<i64: 1024, 128>}, {pipeline_mode = #tpu.pipeline_mode<synchronous>, transform_indices = @transform_3, window_bounds = array<i64: 128, 128>}, {pipeline_mode = #tpu.pipeline_mode<synchronous>, transform_indices = @transform_4, window_bounds = array<i64: 1, 128>}, {pipeline_mode = #tpu.pipeline_mode<synchronous>, transform_indices = @transform_5, window_bounds = array<i64: 128, 128>}, {transform_indices = @transform_6, window_bounds = array<i64: 1024, 128>}]} {
    %get3A = arith.constant 0 : index
    %get3A_0 = arith.constant 0 : index
    %get3A_1 = arith.constant 0 : index
    %get3A_2 = vector.load %arg1[%get3A, %get3A_0, %get3A_1] : memref<2x1024x128xf32, #tpu.memory_space<vmem>>, vector<1x1024x128xf32>
    %get3A_3 = vector.shape_cast %get3A_2 : vector<1x1024x128xf32> to vector<1024x128xf32>
    %get3A_4 = arith.constant 1 : index
    %get3A_5 = arith.constant 0 : index
    %get3A_6 = arith.constant 0 : index
    %get3A_7 = vector.load %arg1[%get3A_4, %get3A_5, %get3A_6] : memref<2x1024x128xf32, #tpu.memory_space<vmem>>, vector<1x1024x128xf32>
    %get3A_8 = vector.shape_cast %get3A_7 : vector<1x1024x128xf32> to vector<1024x128xf32>
    %add3A = arith.addf %get3A_3, %get3A_8 : vector<1024x128xf32>
    %get3A_9 = arith.constant 0 : index
    %get3A_10 = arith.constant 0 : index
    %get3A_11 = vector.load %arg2[%get3A_9, %get3A_10] : memref<32x1024xf32, #tpu.memory_space<vmem>>, vector<32x1024xf32>
    %reduce_sum3A = arith.constant dense<0.000000e+00> : vector<1024xf32>
    %reduce_sum3A_12 = vector.multi_reduction <add>, %get3A_11, %reduce_sum3A [0] : vector<32x1024xf32> to vector<1024xf32>
    %jit3A = arith.constant 1.000000e+00 : f32
    %max3A = vector.broadcast %jit3A : f32 to vector<1024xf32>
    %max3A_13 = arith.maximumf %max3A, %reduce_sum3A_12 : vector<1024xf32>
    %div3A = arith.constant 1.000000e+00 : f32
    %div3A_14 = vector.broadcast %div3A : f32 to vector<1024xf32>
    %div3A_15 = arith.divf %div3A_14, %max3A_13 : vector<1024xf32>
    %broadcast_in_dim3A = vector.shape_cast %div3A_15 : vector<1024xf32> to vector<1024x1xf32>
    %mul3A = vector.broadcast %broadcast_in_dim3A : vector<1024x1xf32> to vector<1024x128xf32>
    %mul3A_16 = arith.mulf %add3A, %mul3A : vector<1024x128xf32>
    %get3A_17 = arith.constant 0 : index
    %get3A_18 = arith.constant 0 : index
    %get3A_19 = vector.load %arg4[%get3A_17, %get3A_18] : memref<128x128xf32, #tpu.memory_space<vmem>>, vector<128x128xf32>
    %dot_general3A = arith.constant dense<0.000000e+00> : vector<1024x128xf32>
    %dot_general3A_20 = tpu.matmul %mul3A_16, %get3A_19, %dot_general3A {dimension_numbers = #tpu.dot_dimension_numbers<[1], [0], [0], [1], [0, 0, 1, 1], [], []>, transpose_lhs_hint = false} : vector<1024x128xf32>, vector<128x128xf32>, vector<1024x128xf32> -> vector<1024x128xf32>
    %get3A_21 = arith.constant 0 : index
    %get3A_22 = arith.constant 0 : index
    %get3A_23 = vector.load %arg5[%get3A_21, %get3A_22] : memref<1x128xf32, #tpu.memory_space<vmem>>, vector<1x128xf32>
    %add3A_24 = vector.broadcast %get3A_23 : vector<1x128xf32> to vector<1024x128xf32>
    %add3A_25 = arith.addf %dot_general3A_20, %add3A_24 : vector<1024x128xf32>
    %get3A_26 = arith.constant 0 : index
    %get3A_27 = arith.constant 0 : index
    %get3A_28 = vector.load %arg3[%get3A_26, %get3A_27] : memref<1024x128xf32, #tpu.memory_space<vmem>>, vector<1024x128xf32>
    %get3A_29 = arith.constant 0 : index
    %get3A_30 = arith.constant 0 : index
    %get3A_31 = vector.load %arg6[%get3A_29, %get3A_30] : memref<128x128xf32, #tpu.memory_space<vmem>>, vector<128x128xf32>
    %dot_general3A_32 = arith.constant dense<0.000000e+00> : vector<1024x128xf32>
    %dot_general3A_33 = tpu.matmul %get3A_28, %get3A_31, %dot_general3A_32 {dimension_numbers = #tpu.dot_dimension_numbers<[1], [0], [0], [1], [0, 0, 1, 1], [], []>, transpose_lhs_hint = false} : vector<1024x128xf32>, vector<128x128xf32>, vector<1024x128xf32> -> vector<1024x128xf32>
    %add3A_34 = arith.addf %add3A_25, %dot_general3A_33 : vector<1024x128xf32>
    %max3A_35 = arith.constant 0.000000e+00 : f32
    %max3A_36 = vector.broadcast %max3A_35 : f32 to vector<1024x128xf32>
    %max3A_37 = arith.maximumf %add3A_34, %max3A_36 : vector<1024x128xf32>
    %swap3A = arith.constant 0 : index
    %swap3A_38 = arith.constant 0 : index
    %swap3A_39 = vector.load %arg7[%swap3A, %swap3A_38] : memref<1024x128xf32, #tpu.memory_space<vmem>>, vector<1024x128xf32>
    tpu.vector_store %arg7[%swap3A, %swap3A_38], %max3A_37 {strides = array<i32>} : memref<1024x128xf32, #tpu.memory_space<vmem>>, vector<1024x128xf32>,
    return
  }
  func.func @transform_0(%arg0: i32) -> (i32, i32, i32) {
    %c0_i32 = arith.constant 0 : i32
    %c0_i32_0 = arith.constant 0 : i32
    %c0_i32_1 = arith.constant 0 : i32
    return %c0_i32, %arg0, %c0_i32_0 : i32, i32, i32
  }
  func.func @transform_1(%arg0: i32) -> (i32, i32) {
    %c0_i32 = arith.constant 0 : i32
    %c0_i32_0 = arith.constant 0 : i32
    return %c0_i32, %arg0 : i32, i32
  }
  func.func @transform_2(%arg0: i32) -> (i32, i32) {
    %c0_i32 = arith.constant 0 : i32
    %c0_i32_0 = arith.constant 0 : i32
    return %arg0, %c0_i32 : i32, i32
  }
  func.func @transform_3(%arg0: i32) -> (i32, i32) {
    %c0_i32 = arith.constant 0 : i32
    %c0_i32_0 = arith.constant 0 : i32
    %c0_i32_1 = arith.constant 0 : i32
    return %c0_i32, %c0_i32_0 : i32, i32
  }
  func.func @transform_4(%arg0: i32) -> (i32, i32) {
    %c0_i32 = arith.constant 0 : i32
    %c0_i32_0 = arith.constant 0 : i32
    %c0_i32_1 = arith.constant 0 : i32
    return %c0_i32, %c0_i32_0 : i32, i32
  }
  func.func @transform_5(%arg0: i32) -> (i32, i32) {
    %c0_i32 = arith.constant 0 : i32
    %c0_i32_0 = arith.constant 0 : i32
    %c0_i32_1 = arith.constant 0 : i32
    return %c0_i32, %c0_i32_0 : i32, i32
  }
  func.func @transform_6(%arg0: i32) -> (i32, i32) {
    %c0_i32 = arith.constant 0 : i32
    %c0_i32_0 = arith.constant 0 : i32
    return %arg0, %c0_i32 : i32, i32
  }
}

module attributes {stable_mosaic.version = 14 : i64} {
  func.func @tc_body(%arg0: i32, %arg1: memref<2x1024x128xf32, #tpu.memory_space<vmem>>, %arg2: memref<32x1024xf32, #tpu.memory_space<vmem>>, %arg3: memref<1024x128xf32, #tpu.memory_space<vmem>>, %arg4: memref<128x128xf32, #tpu.memory_space<vmem>>, %arg5: memref<1x128xf32, #tpu.memory_space<vmem>>, %arg6: memref<128x128xf32, #tpu.memory_space<vmem>>, %arg7: memref<1024x128xf32, #tpu.memory_space<vmem>>) attributes {dimension_semantics = [#tpu.dimension_semantics<arbitrary>], iteration_bounds = array<i64: 10>, scalar_prefetch = 0 : i64, scratch_operands = 0 : i64, tpu.core_type = #tpu.core_type<tc>, window_params = [{transform_indices = @transform_0, window_bounds = array<i64: 2, 1024, 128>}, {transform_indices = @transform_1, window_bounds = array<i64: 32, 1024>}, {transform_indices = @transform_2, window_bounds = array<i64: 1024, 128>}, {pipeline_mode = #tpu.pipeline_mode<synchronous>, transform_indices = @transform_3, window_bounds = array<i64: 128, 128>}, {pipeline_mode = #tpu.pipeline_mode<synchronous>, transform_indices = @transform_4, window_bounds = array<i64: 1, 128>}, {pipeline_mode = #tpu.pipeline_mode<synchronous>, transform_indices = @transform_5, window_bounds = array<i64: 128, 128>}, {transform_indices = @transform_6, window_bounds = array<i64: 1024, 128>}]} {
    %get3A = arith.constant 0 : index
    %get3A_0 = arith.constant 0 : index
    %get3A_1 = arith.constant 0 : index
    %get3A_2 = vector.load %arg1[%get3A, %get3A_0, %get3A_1] : memref<2x1024x128xf32, #tpu.memory_space<vmem>>, vector<1x1024x128xf32>
    %get3A_3 = vector.shape_cast %get3A_2 : vector<1x1024x128xf32> to vector<1024x128xf32>
    %get3A_4 = arith.constant 1 : index
    %get3A_5 = arith.constant 0 : index
    %get3A_6 = arith.constant 0 : index
    %get3A_7 = vector.load %arg1[%get3A_4, %get3A_5, %get3A_6] : memref<2x1024x128xf32, #tpu.memory_space<vmem>>, vector<1x1024x128xf32>
    %get3A_8 = vector.shape_cast %get3A_7 : vector<1x1024x128xf32> to vector<1024x128xf32>
    %add3A = arith.addf %get3A_3, %get3A_8 : vector<1024x128xf32>
    %get3A_9 = arith.constant 0 : index
    %get3A_10 = arith.constant 0 : index
    %get3A_11 = vector.load %arg2[%get3A_9, %get3A_10] : memref<32x1024xf32, #tpu.memory_space<vmem>>, vector<32x1024xf32>
    %reduce_sum3A = arith.constant dense<0.000000e+00> : vector<1024xf32>
    %reduce_sum3A_12 = vector.multi_reduction <add>, %get3A_11, %reduce_sum3A [0] : vector<32x1024xf32> to vector<1024xf32>
    %jit3A = arith.constant 1.000000e+00 : f32
    %max3A = vector.broadcast %jit3A : f32 to vector<1024xf32>
    %max3A_13 = arith.maximumf %max3A, %reduce_sum3A_12 : vector<1024xf32>
    %div3A = arith.constant 1.000000e+00 : f32
    %div3A_14 = vector.broadcast %div3A : f32 to vector<1024xf32>
    %div3A_15 = arith.divf %div3A_14, %max3A_13 : vector<1024xf32>
    %broadcast_in_dim3A = vector.shape_cast %div3A_15 : vector<1024xf32> to vector<1024x1xf32>
    %mul3A = vector.broadcast %broadcast_in_dim3A : vector<1024x1xf32> to vector<1024x128xf32>
    %mul3A_16 = arith.mulf %add3A, %mul3A : vector<1024x128xf32>
    %get3A_17 = arith.constant 0 : index
    %get3A_18 = arith.constant 0 : index
    %get3A_19 = vector.load %arg4[%get3A_17, %get3A_18] : memref<128x128xf32, #tpu.memory_space<vmem>>, vector<128x128xf32>
    %dot_general3A = arith.constant dense<0.000000e+00> : vector<1024x128xf32>
    %dot_general3A_20 = tpu.matmul %mul3A_16, %get3A_19, %dot_general3A {dimension_numbers = #tpu.dot_dimension_numbers<[1], [0], [0], [1], [0, 0, 1, 1], [], []>, transpose_lhs_hint = false} : vector<1024x128xf32>, vector<128x128xf32>, vector<1024x128xf32> -> vector<1024x128xf32>
    %get3A_21 = arith.constant 0 : index
    %get3A_22 = arith.constant 0 : index
    %get3A_23 = vector.load %arg5[%get3A_21, %get3A_22] : memref<1x128xf32, #tpu.memory_space<vmem>>, vector<1x128xf32>
    %add3A_24 = vector.broadcast %get3A_23 : vector<1x128xf32> to vector<1024x128xf32>
    %add3A_25 = arith.addf %dot_general3A_20, %add3A_24 : vector<1024x128xf32>
    %get3A_26 = arith.constant 0 : index
    %get3A_27 = arith.constant 0 : index
    %get3A_28 = vector.load %arg3[%get3A_26, %get3A_27] : memref<1024x128xf32, #tpu.memory_space<vmem>>, vector<1024x128xf32>
    %get3A_29 = arith.constant 0 : index
    %get3A_30 = arith.constant 0 : index
    %get3A_31 = vector.load %arg6[%get3A_29, %get3A_30] : memref<128x128xf32, #tpu.memory_space<vmem>>, vector<128x128xf32>
    %dot_general3A_32 = arith.constant dense<0.000000e+00> : vector<1024x128xf32>
    %dot_general3A_33 = tpu.matmul %get3A_28, %get3A_31, %dot_general3A_32 {dimension_numbers = #tpu.dot_dimension_numbers<[1], [0], [0], [1], [0, 0, 1, 1], [], []>, transpose_lhs_hint = false} : vector<1024x128xf32>, vector<128x128xf32>, vector<1024x128xf32> -> vector<1024x128xf32>
    %add3A_34 = arith.addf %add3A_25, %dot_general3A_33 : vector<1024x128xf32>
    %swap3A = arith.constant 0 : index
    %swap3A_35 = arith.constant 0 : index
    %swap3A_36 = vector.load %arg7[%swap3A, %swap3A_35] : memref<1024x128xf32, #tpu.memory_space<vmem>>, vector<1024x128xf32>
    tpu.vector_store %arg7[%swap3A, %swap3A_35], %add3A_34 {strides = array<i32>} : memref<1024x128xf32, #tpu.memory_space<vmem>>, vector<1024x128xf32>,
    return
  }
  func.func @transform_0(%arg0: i32) -> (i32, i32, i32) {
    %c0_i32 = arith.constant 0 : i32
    %c0_i32_0 = arith.constant 0 : i32
    %c0_i32_1 = arith.constant 0 : i32
    return %c0_i32, %arg0, %c0_i32_0 : i32, i32, i32
  }
  func.func @transform_1(%arg0: i32) -> (i32, i32) {
    %c0_i32 = arith.constant 0 : i32
    %c0_i32_0 = arith.constant 0 : i32
    return %c0_i32, %arg0 : i32, i32
  }
  func.func @transform_2(%arg0: i32) -> (i32, i32) {
    %c0_i32 = arith.constant 0 : i32
    %c0_i32_0 = arith.constant 0 : i32
    return %arg0, %c0_i32 : i32, i32
  }
  func.func @transform_3(%arg0: i32) -> (i32, i32) {
    %c0_i32 = arith.constant 0 : i32
    %c0_i32_0 = arith.constant 0 : i32
    %c0_i32_1 = arith.constant 0 : i32
    return %c0_i32, %c0_i32_0 : i32, i32
  }
  func.func @transform_4(%arg0: i32) -> (i32, i32) {
    %c0_i32 = arith.constant 0 : i32
    %c0_i32_0 = arith.constant 0 : i32
    %c0_i32_1 = arith.constant 0 : i32
    return %c0_i32, %c0_i32_0 : i32, i32
  }
  func.func @transform_5(%arg0: i32) -> (i32, i32) {
    %c0_i32 = arith.constant 0 : i32
    %c0_i32_0 = arith.constant 0 : i32
    %c0_i32_1 = arith.constant 0 : i32
    return %c0_i32, %c0_i32_0 : i32, i32
  }
  func.func @transform_6(%arg0: i32) -> (i32, i32) {
    %c0_i32 = arith.constant 0 : i32
    %c0_i32_0 = arith.constant 0 : i32
    return %arg0, %c0_i32 : i32, i32
  }
}

</mosaic_0001>

<sc_bundles>
// kernel: kernel.10.cloned.1.call-start
scs
__scs_entry_jumppad:
0x0: {  	(pc) =	sbr.rel $0x88, $3  }
0x1: {  	(tag) =	ssettag $0x0;
	lr =	simm.s32 $0x1  }
0x2: {  	[smem:$0x3F99] =	sst lr;
	_ =	strace $0xD0000000  }
0x3: {  	_ = 	snop  }
0x4: {  	_ = 	snop  }
0x5: {  	_ = 	snop  }
0x6: {  	_ = 	snop  }
0x7: {  	_ = 	snop  }
__scs_overlays_trampoline_lowered:
0x8: {  	[smem:$0x3FA8] =	sst s0  }
0x9: {  	[smem:$0x3FA9] =	sst s1  }
0xa: {  	[smem:$0x3FAA] =	sst s2  }
0xb: {  	[smem:$0x3FAB] =	sst s3  }
0xc: {  	[smem:$0x3FAC] =	sst s4  }
0xd: {  	[smem:$0x3FAD] =	sst s5  }
0xe: {  	[smem:$0x3FAE] =	sst s6  }
0xf: {  	[smem:$0x3FAF] =	sst s7  }
0x10: {  	[smem:$0x3FB0] =	sst s8  }
0x11: {  	[smem:$0x3FB1] =	sst s9;
	s0 =	simm.s32 @!p0 $0x0  }
0x12: {  	s1 =	sld [smem:$0x3F97];
	s0 =	simm.s32 @p0 $0x1  }
0x13: {  	[smem:$0x3FB2] =	sst s0;
	s0 =	simm.s32 @!p1 $0x0  }
0x14: {  	s2 =	sld [smem:$0x3F96];
	s0 =	simm.s32 @p1 $0x1  }
0x15: {  	[smem:$0x3FB3] =	sst s0;
	s0 =	simm.s32 @!p2 $0x0  }
0x16: {  	s3 =	sld [smem:$0x3FDB];
	s0 =	simm.s32 @p2 $0x1  }
0x17: {  	s4 =	simm.s32 $0x1BF5;
	[smem:$0x3FB5] =	sst s0  }
0x18: {  	s0 =	sld [smem:$0x3F98];
	_ =	swait.ge [sflag:s4], $0x0  }
0x19: {  	s7 =	sld [smem:$0x3F99]  }
0x1a: {  	s8 =	sadd.s32 $0xFFFFE003, lr  }
0x1b: {  	s9 =	sadd.s32 $0xFFFFFEF7, lr;
	s5 =	simm.s32 $0xFFFFFFFF;
	p2 =	slt.u32 s8, $0xFFFFF086  }
0x1c: {  	p1 =	slt.u32 s9, $0xF7A;
	s5 =	simm.s32 @!p2 $0x0  }
0x1d: {  	s5 =	simm.s32 @p1 $0x1;
	p0 =	seq.s32 s7, s2  }
0x1e: {  	s7 =	smul.u32 @!p0 $0xF7A, s2;
	p2 =	seq.s32 @!p0 s5, $0x0  }
0x1f: {  	s9 =	smul.u32 $0xF7A, s1;
	s8 =	simm.s32 @!p0 $0x1BF5;
	p2 =	por !p2, p0  }
0x20: {  	[sflag:s8] =	ssyncset.s32 @!p0 $0xFFFFF086;
	s6 =	sadd.s32 @!p0 s3, s7;
	s7 =	simm.s32 @!p0 $0x108  }
0x21: {  	s3 =	sadd.s32 s3, s9;
	s6 =	sadd.s32 @!p0 $0x88, s6;
	s7 =	simm.s32 @p2 $0x1082  }
0x22: {  	[simem:s7], [sflag:s8] =	dma.local @!p0 [hbm:s6], $0xF7A  }
0x23: {  	s9 =	sor.u32 $0xD0000000, s2;
	s6 =	simm.s32 $0x108;
	_ =	swait.ge @!p0 [sflag:s8], $0x0  }
0x24: {  	s3 =	sadd.s32 $0x88, s3;
	s6 =	simm.s32 @!p1 $0x1082;
	[sflag:s4] =	ssyncset.s32 $0xFFFFF086  }
0x25: {  	[simem:s6], [sflag:s4] =	dma.local [hbm:s3], $0xF7A  }
0x26: {  	[smem:$0x3F99] =	sst s1;
	(tag) =	ssettag s2;
	_ =	strace s9  }
0x27: {  	s1 =	sld [smem:$0x3FA9]  }
0x28: {  	s2 =	sld [smem:$0x3FAA]  }
0x29: {  	s4 =	sld [smem:$0x3FAC]  }
0x2a: {  	p0 =	seq.s32 s5, $0x0;
	s5 =	sld [smem:$0x3FAD]  }
0x2b: {  	s6 =	sld [smem:$0x3FAE]  }
0x2c: {  	s7 =	sld [smem:$0x3FAF]  }
0x2d: {  	s3 =	simm.s32 $0x108;
	s8 =	sld [smem:$0x3FB0]  }
0x2e: {  	s3 =	simm.s32 @!p0 $0x1082;
	s9 =	sld [smem:$0x3FB1]  }
0x2f: {  	lr =	sadd.s32 s0, s3;
	s0 =	sld [smem:$0x3FA8]  }
0x30: {  	s3 =	sld [smem:$0x3FAB]  }
0x31: {  	[smem:$0x3FB4] =	sst s10  }
0x32: {  	s10 =	sld [smem:$0x3FB2];
	_ =	sdelay $0x3  }
0x33: {  	p0 =	seq.s32 s10, $0x1;
	s10 =	sld [smem:$0x3FB4];
	_ =	sdelay $0x3  }
0x34: {  	[smem:$0x3FB4] =	sst s10  }
0x35: {  	s10 =	sld [smem:$0x3FB3];
	_ =	sdelay $0x3  }
0x36: {  	p1 =	seq.s32 s10, $0x1;
	s10 =	sld [smem:$0x3FB4];
	_ =	sdelay $0x3  }
0x37: {  	[smem:$0x3FB4] =	sst s10  }
0x38: {  	s10 =	sld [smem:$0x3FB5]  }
0x39: {  	_ = 	snop;
	(pc) =	sbr.ind lr, $3  }
0x3a: {  	_ = 	snop  }
0x3b: {  	_ = 	snop  }
0x3c: {  	p2 =	seq.s32 s10, $0x1;
	s10 =	sld [smem:$0x3FB4]  }
0x3d: {  	_ =	shalt  }
0x3e: {  	_ =	shalt  }
0x3f: {  	_ =	shalt  }
0x40: {  	_ =	shalt  }
0x41: {  	_ =	shalt  }
0x42: {  	_ =	shalt  }
0x43: {  	_ =	shalt  }
0x44: {  	_ =	shalt  }
0x45: {  	_ =	shalt  }
0x46: {  	_ =	shalt  }
0x47: {  	_ =	shalt  }
0x48: {  	_ =	shalt  }
0x49: {  	_ =	shalt  }
0x4a: {  	_ =	shalt  }
0x4b: {  	_ =	shalt  }
0x4c: {  	_ =	shalt  }
0x4d: {  	_ =	shalt  }
0x4e: {  	_ =	shalt  }
0x4f: {  	_ =	shalt  }
0x50: {  	_ =	shalt  }
0x51: {  	_ =	shalt  }
0x52: {  	_ =	shalt  }
0x53: {  	_ =	shalt  }
0x54: {  	_ =	shalt  }
0x55: {  	_ =	shalt  }
0x56: {  	_ =	shalt  }
0x57: {  	_ =	shalt  }
0x58: {  	_ =	shalt  }
0x59: {  	_ =	shalt  }
0x5a: {  	_ =	shalt  }
0x5b: {  	_ =	shalt  }
0x5c: {  	_ =	shalt  }
0x5d: {  	_ =	shalt  }
0x5e: {  	_ =	shalt  }
0x5f: {  	_ =	shalt  }
0x60: {  	_ =	shalt  }
0x61: {  	_ =	shalt  }
0x62: {  	_ =	shalt  }
0x63: {  	_ =	shalt  }
0x64: {  	_ =	shalt  }
0x65: {  	_ =	shalt  }
0x66: {  	_ =	shalt  }
0x67: {  	_ =	shalt  }
0x68: {  	_ =	shalt  }
0x69: {  	_ =	shalt  }
0x6a: {  	_ =	shalt  }
0x6b: {  	_ =	shalt  }
0x6c: {  	_ =	shalt  }
0x6d: {  	_ =	shalt  }
0x6e: {  	_ =	shalt  }
0x6f: {  	_ =	shalt  }
0x70: {  	_ =	shalt  }
0x71: {  	_ =	shalt  }
0x72: {  	_ =	shalt  }
0x73: {  	_ =	shalt  }
0x74: {  	_ =	shalt  }
0x75: {  	_ =	shalt  }
0x76: {  	_ =	shalt  }
0x77: {  	_ =	shalt  }
0x78: {  	_ =	shalt  }
0x79: {  	_ =	shalt  }
0x7a: {  	_ =	shalt  }
0x7b: {  	_ =	shalt  }
0x7c: {  	_ =	shalt  }
0x7d: {  	_ =	shalt  }
0x7e: {  	_ =	shalt  }
0x7f: {  	_ =	shalt  }
0x80: {  	_ =	shalt  }
0x81: {  	_ =	shalt  }
0x82: {  	_ =	shalt  }
0x83: {  	_ =	shalt  }
0x84: {  	_ =	shalt  }
0x85: {  	_ =	shalt  }
0x86: {  	_ =	shalt  }
0x87: {  	_ =	shalt  }
.Lfunc_end0:
.L_simem_size_0:
called_computation.1_lowered:
.L_overlay_start_0:
0x88: {  	s2 =	sld [smem:$0x3FD9]  }
0x89: {  	s3 =	sld [smem:$0x3FFE];
	_ =	sdelay $0x1  }
0x8a: {  	s1 =	srdreg.scid  }
0x8b: {  	s0 =	sand.u32 $0x1, s1  }
0x8c: {  	s17 =	sshll.u32 s0, $0xA;
	s2 =	sadd.s32 s3, s2  }
0x8d: {  	s2 =	sadd.s32 s2, s17  }
0x8e: {  	[smem:$0x3FC0] =	sst s2  }
0x8f: {  	_ = 	snop  }
0x90: {  	s18 =	sld [smem:$0x3FD0];
	(tm) =	ssettm $0x1  }
0x91: {  	s19 =	sld [smem:$0x3FFB];
	_ =	sdelay $0x3  }
0x92: {  	_ =	strace s19  }
0x93: {  	s2 =	sld [smem:$0x3FFC];
	_ =	sdelay $0x3  }
0x94: {  	_ =	strace s2  }
0x95: {  	s2 =	sld [smem:$0x3FFD];
	_ =	sdelay $0x3  }
0x96: {  	_ =	strace s2  }
0x97: {  	_ =	strace $0x8FFFFFFF  }
0x98: {  	s20 =	sld [smem:$0x3FDB];
	_ =	sdelay $0x1  }
0x99: {  	s4 =	simm.s32 $_scs_section_size  }
0x9a: {  	s5 =	simm.s32 $_size__tile_overlayer_lowered;
	s6 =	simm.s32 $_tile_overlayer_lowered  }
0x9b: {  	s7 =	simm.s32 $0x1BFF;
	s21 =	sshll.u32 s6, $0x1;
	s4 =	sadd.s32 s4, s20  }
0x9c: {  	s22 =	simm.s32 $0x0;
	s5 =	sshll.u32 s5, $0x1;
	s6 =	sadd.s32 s21, s4  }
0x9d: {  	[timem:s22], [sflag:s7] =	dma.local [hbm:s6], s5  }
0x9e: {  	_ =	swait.ge [sflag:s7], s5  }
0x9f: {  	s5 =	ssub.s32 $0x0, s5;
	[sflag:s7] =	ssyncset.done $0x0  }
0xa0: {  	[sflag:s7] =	ssyncadd.s32 s5;
	_ =	sdelay $0x1  }
0xa1: {  	s23 =	simm.s32 $0x1B8B  }
0xa2: {  	_ =	swait.ge [sflag:s23], $0x1  }
0xa3: {  	[sflag:s23] =	ssyncset.done $0x0  }
0xa4: {  	[sflag:s23] =	ssyncadd.s32 $0xFFFFFFFF  }
0xa5: {  	s5 =	sld [smem:$0x0]  }
0xa6: {  	s6 =	sand.u32 $0xFFFFFFFE, s1  }
0xa7: {  	p0 =	sne.s32 s1, s6  }
0xa8: {  	s6 =	sshll.u32 @p0 s6, $0xE  }
0xa9: {  	s6 =	sadd.s32 @p0 $0x11B8D, s6;
	s7 =	sshll.u32 @p0 s5, $0x11  }
0xaa: {  	s6 =	sor.u32 @p0 s7, s6  }
0xab: {  	[sflag:s6] =	ssyncadd.remote.s32 @p0 $0x1;
	_ =	sdelay $0x1  }
0xac: {  	s6 =	simm.s32 @p0 $0x1B8D  }
0xad: {  	_ =	swait.eq @p0 [sflag:s6], $0x1  }
0xae: {  	[sflag:s6] =	ssyncadd.s32 @p0 $0xFFFFFFFF  }
0xaf: {  	s7 =	sshll.u32 @!p0 s1, $0xE  }
0xb0: {  	s7 =	sor.u32 @!p0 $0x4000, s7;
	s6 =	simm.s32 @!p0 $0x1B8D  }
0xb1: {  	s5 =	sshll.u32 @!p0 s5, $0x11;
	s7 =	sadd.s32 @!p0 $0x11B8D, s7;
	_ =	swait.eq @!p0 [sflag:s6], $0x1  }
0xb2: {  	s5 =	sor.u32 @!p0 s5, s7;
	[sflag:s6] =	ssyncadd.s32 @!p0 $0xFFFFFFFF  }
0xb3: {  	s25 =	simm.s32 $0x1B8E;
	s24 =	sld [smem:$0x3FFE];
	[sflag:s5] =	ssyncadd.remote.s32 @!p0 $0x1  }
0xb4: {  	s26 =	simm.s32 $execute0_lowered;
	[smem:$0x3FD2] =	sst s25  }
0xb5: {  	s6 =	sshll.u32 s26, $0x1;
	_ =	strace $0x80000049;
	[dreg:$0x1] =	wrdreg $0xFFFFFFFF  }
0xb6: {  	s28 =	simm.s32 $_size_execute0_lowered;
	s4 =	sadd.s32 s4, s6;
	[dreg:$0x0] =	wrdreg $0x0  }
0xb7: {  	s6 =	sshll.u32 s28, $0x1;
	[dreg:$0x2] =	wrdreg s4  }
0xb8: {  	[dreg:$0x3] =	wrdreg s6  }
0xb9: {  	[dreg:$0x4] =	wrdreg $0xC0  }
0xba: {  	_ =	task [dreg:s22], $0x5FFFF  }
0xbb: {  	[dreg:$0x1] =	wrdreg $0xFFFFFFFF  }
0xbc: {  	[dreg:$0x0] =	wrdreg $0x60  }
0xbd: {  	[dreg:$0x2] =	wrdreg s24  }
0xbe: {  	[dreg:$0x3] =	wrdreg s18  }
0xbf: {  	[dreg:$0x4] =	wrdreg $0xB0000  }
0xc0: {  	[dreg:$0x5] =	wrdreg $0xA  }
0xc1: {  	_ =	task.clear_ibuf [dreg:s22], $0x6FFFF;
	_ =	strace $0x90000049  }
0xc2: {  	s29 =	simm.s32 $0xA;
	_ =	strace $0x8000004B  }
0xc3: {  	_ =	swait.ge [sflag:s29], $0x1  }
0xc4: {  	[sflag:s29] =	ssyncadd.s32 $0xFFFFFFFF  }
0xc5: {  	_ =	strace $0x9000004B  }
0xc6: {  	_ =	sfence  }
0xc7: {  	s30 =	sld [smem:$0x0];
	_ =	sdelay $0x2  }
0xc8: {  	s31 =	sshll.u32 s1, $0xD;
	s1 =	sshrl.u32 s1, $0x2  }
0xc9: {  	s4 =	sand.u32 $0x4000, s31;
	s1 =	sadd.s32 s1, s30  }
0xca: {  	s0 =	sor.u32 s4, s0;
	s1 =	sshll.u32 s1, $0x11  }
0xcb: {  	s0 =	sor.u32 s1, s0  }
0xcc: {  	s0 =	sadd.s32 $0x8F2B, s0  }
0xcd: {  	[sflag:s0] =	ssyncadd.remote.s32 $0x1  }
0xce: {  	_ =	sfence.sel $0xFFFF  }
0xcf: {  	[dreg:$0x0] =	wrdreg $0xFFFFFFFF;
	(pc) =	sbr.abs _section_cstart, $3  }
0xd0: {  	[dreg:$0x1] =	wrdreg $0xFFFFFFFF  }
0xd1: {  	_ =	task.clear_ibuf [dreg:s22], $0x2FFFF;
	_ =	strace $0x9FFFFFFF  }
0xd2: {  	(tm) =	ssettm $0x7FFFFFFF  }
0xd3: {  	_ =	shalt  }
tec
execute0_lowered:
.L_overlay_start_1:
0x0: {  	(tag) =	ssettag $0x1  }
0x1: {  	s0 =	rddreg [dreg:$0x0]  }
0x2: {  	s1 =	rddreg [dreg:$0x1]  }
0x3: {  	s2 =	rddreg [dreg:$0x2];
	s3 =	simm.s32 $0x0;
	s4 =	srdreg.scid  }
0x4: {  	s11 =	stileid.u32;
	s16 =	simm.s32 $0x3000;
	s17 =	simm.s32 $0x6  }
0x5: {  	s19 =	simm.s32 $0x80;
	s20 =	simm.s32 $0x1;
	[smem:$0x7FF] =	sst s3  }
0x6: {  	s4 =	sand.u32 $0x1, s4;
	s8 =	sshll.u32 s11, $0x1;
	s21 =	smul.u32 $0x50000, s11  }
0x7: {  	s7 =	smul.u32 $0x28000, s4;
	s9 =	ssub.s32 $0x2, s4;
	s4 =	sor.u32 s4, s8  }
0x8: {  	s5 =	sadd.s32 $0x16A00, s0;
	s6 =	sadd.s32 $0x2A00, s0;
	s10 =	smul.u32 $0x500, s4  }
0x9: {  	s26 =	smul.u32 $0x2800, s11;
	_ =	strace $0x8000004A;
	s22 =	sshrl.u32 s9, $0x1  }
0xa: {  	s23 =	sshrl.u32 s21, $0x2;
	s21 =	simm.s32 $0x7000;
	s24 =	sadd.s32 s6, s10  }
0xb: {  	s9 =	ssub.s32 s9, s22;
	s25 =	sadd.s32 s1, s10;
	[dreg:$0x4] =	wrdreg s24  }
0xc: {  	s8 =	sadd.s32 s23, s2;
	s9 =	smax.u32 s9, $0x1;
	[dreg:$0x5] =	wrdreg s25  }
0xd: {  	s0 =	sadd.s32 s7, s0;
	s28 =	sadd.s32 $0x4000, s8;
	[dreg:$0x6] =	wrdreg s9  }
.Ltmp0:
0xe: {  	s29 =	sadd.s32 $0x8000, s8;
	[dreg:$0x7] =	wrdreg s28;
	(pc) =	sbr.rel .LBB2_1-.Ltmp0, $4  }
0xf: {  	s7 =	smul.u32 $0x50, s4;
	s30 =	sadd.s32 $0xC000, s8;
	[dreg:$0x8] =	wrdreg s29  }
0x10: {  	s22 =	simm.s32 $0x2;
	s31 =	sadd.s32 $0x10000, s8;
	[dreg:$0x9] =	wrdreg s30  }
0x11: {  	s23 =	simm.s32 $0x3;
	s0 =	sadd.s32 $0x3EA00, s0;
	[dreg:$0xa] =	wrdreg s31  }
0x12: {  	v0 =	vimm.f32 $0.0e+00;
	s24 =	sadd.s32 s26, s0;
	s25 =	simm.s32 $0x4;
	s26 =	simm.s32 $0x5  }
.LBB2_9:
0x13: {  	_ =	swait.ge [sflag:s25], $0x4000  }
0x14: {  	s0 =	stileid.u32;
	[sflag:s25] =	ssyncset.done $0x0  }
0x15: {  	s0 =	sshll.u32 s0, $0x6;
	[sflag:s25] =	ssyncadd.s32 $0xFFFFC000  }
0x16: {  	s4 =	sshrl.u32 s8, $0x3;
	s0 =	sor.u32 $0x1C06, s0;
	[bflag:$0x0] =	sbarrier.arrive $0xFFFF  }
0x17: {  	[hbm:s24], [sflag:s0] =	dma.local [spmem:s4], $0x2800  }
0x18: {  	_ =	swait.ge [sflag:s17], $0x2800  }
0x19: {  	s3 =	sadd.s32 $0x1, s3;
	s31 =	rddreg [dreg:$0x6]  }
0x1a: {  	p0 =	sne.s32 s3, s31  }
.Ltmp1:
0x1b: {  	_ = 	snop;
	(pc) =	sbr.rel @!p0 .LBB2_10-.Ltmp1, $3  }
0x1c: {  	_ =	sdelay $0x1  }
0x1d: {  	[sflag:s17] =	ssyncset.done $0x0  }
0x1e: {  	[sflag:s17] =	ssyncadd.s32 $0xFFFFD800  }
.LBB2_1:
0x1f: {  	s0 =	simm.s32 $0x0;
	s4 =	simm.s32 $0x200  }
.LBB2_2:
0x20: {  	p0 =	sne.s32 s4, $0xFE00;
	[tilespmem:s0+$0x3070] =	vst v0  }
0x21: {  	[tilespmem:s0+$0x3000] =	vst v0  }
0x22: {  	[tilespmem:s0+$0x3010] =	vst v0  }
.Ltmp2:
0x23: {  	[tilespmem:s0+$0x3020] =	vst v0;
	(pc) =	sbr.rel @p0 .LBB2_2-.Ltmp2, $4  }
0x24: {  	[tilespmem:s0+$0x3030] =	vst v0  }
0x25: {  	[tilespmem:s0+$0x3040] =	vst v0  }
0x26: {  	[tilespmem:s0+$0x3050] =	vst v0  }
0x27: {  	[tilespmem:s0+$0x3060] =	vst v0;
	s0 =	sshra.s32 s4, $0x2;
	s4 =	sadd.s32 $0x200, s4  }
0x28: {  	[tilespmem:s0+$0x3070] =	vst v0  }
0x29: {  	[tilespmem:s0+$0x3000] =	vst v0  }
0x2a: {  	[tilespmem:s0+$0x3010] =	vst v0  }
0x2b: {  	[tilespmem:s0+$0x3020] =	vst v0  }
0x2c: {  	[tilespmem:s0+$0x3030] =	vst v0  }
0x2d: {  	[tilespmem:s0+$0x3040] =	vst v0  }
0x2e: {  	[tilespmem:s0+$0x3050] =	vst v0  }
0x2f: {  	[tilespmem:s0+$0x3060] =	vst v0  }
0x30: {  	[spmem:s8] =	stream.linear.scatter [tilespmem:s16], [sflag:$0x6], $0x4000, $0x38;
	[tilespmem:$0x1F000] =	vst v63  }
0x31: {  	_ =	swait.ge [sflag:s17], $0x4000  }
0x32: {  	[sflag:s17] =	ssyncset.done $0x0  }
0x33: {  	s12 =	rddreg [dreg:$0x7];
	[sflag:s17] =	ssyncadd.s32 $0xFFFFC000  }
0x34: {  	[spmem:s12] =	stream.linear.scatter [tilespmem:s16], [sflag:$0x6], $0x4000, $0x38;
	[tilespmem:$0x1F000] =	vst v63  }
0x35: {  	_ =	swait.ge [sflag:s17], $0x4000  }
0x36: {  	[sflag:s17] =	ssyncset.done $0x0  }
0x37: {  	s13 =	rddreg [dreg:$0x8];
	[sflag:s17] =	ssyncadd.s32 $0xFFFFC000  }
0x38: {  	[spmem:s13] =	stream.linear.scatter [tilespmem:s16], [sflag:$0x6], $0x4000, $0x38;
	[tilespmem:$0x1F000] =	vst v63  }
0x39: {  	_ =	swait.ge [sflag:s17], $0x4000  }
0x3a: {  	[sflag:s17] =	ssyncset.done $0x0  }
0x3b: {  	s14 =	rddreg [dreg:$0x9];
	[sflag:s17] =	ssyncadd.s32 $0xFFFFC000  }
0x3c: {  	[spmem:s14] =	stream.linear.scatter [tilespmem:s16], [sflag:$0x6], $0x4000, $0x38;
	[tilespmem:$0x1F000] =	vst v63  }
0x3d: {  	_ =	swait.ge [sflag:s17], $0x4000  }
0x3e: {  	[sflag:s17] =	ssyncset.done $0x0  }
0x3f: {  	s15 =	rddreg [dreg:$0xa];
	[sflag:s17] =	ssyncadd.s32 $0xFFFFC000  }
0x40: {  	[spmem:s15] =	stream.linear.scatter [tilespmem:s16], [sflag:$0x6], $0x4000, $0x38;
	[tilespmem:$0x1F000] =	vst v63  }
0x41: {  	_ =	swait.ge [sflag:s17], $0x4000  }
0x42: {  	[sflag:s17] =	ssyncset.done $0x0  }
0x43: {  	s0 =	simm.s32 $0x0;
	s4 =	rddreg [dreg:$0x4];
	[sflag:s17] =	ssyncadd.s32 $0xFFFFC000  }
0x44: {  	[tilespmem:s0], [sflag:$0x6] =	stream.linear.gather [hbm4b:s4+s0], $0x800, $0x38;
	[tilespmem:$0x1F000] =	vst v63  }
0x45: {  	_ =	swait.ge [sflag:s17], $0x800  }
0x46: {  	[sflag:s17] =	ssyncset.done $0x0  }
0x47: {  	s9 =	simm.s32 $0x1800;
	s18 =	rddreg [dreg:$0x5];
	[sflag:s17] =	ssyncadd.s32 $0xFFFFF800  }
0x48: {  	[tilespmem:s9], [sflag:$0x6] =	stream.linear.gather [hbm4b:s18+s0], $0x800, $0x38;
	[tilespmem:$0x1F000] =	vst v63  }
0x49: {  	_ =	swait.ge [sflag:s17], $0x800  }
0x4a: {  	s28 =	simm.s32 $0x1880;
	[sflag:s17] =	ssyncset.done $0x0  }
0x4b: {  	s29 =	simm.s32 $0x80;
	s30 =	simm.s32 $0x0;
	[sflag:s17] =	ssyncadd.s32 $0xFFFFF800  }
0x4c: {  	s31 =	simm.s32 $0x0;
	s9 =	simm.s32 $0x0;
	[bflag:$0x0] =	sbarrier.arrive $0xFFFF  }
.LBB2_4:
0x4d: {  	[tilespmem:s16], [sflag:$0x1] =	stream.indirect.gather [hbm4b:s5+s19], $0x80, s9, s19, $0xb8;
	[tilespmem:$0x1F000] =	vst v63  }
0x4e: {  	s4 =	smulhi.u32 $0xAAAAAAAB, s0;
	s10 =	sshll.u32 s0, $0x4;
	p0 =	seq.s32 s0, $0x4  }
0x4f: {  	s10 =	sadd.s32 @!p0 s7, s10;
	p1 =	slt.u32 @!p0 s0, $0x2  }
0x50: {  	s11 =	sadd.s32 @!p0 $0xFFFFFFFE, s0;
	s18 =	sshrl.u32 s4, $0x1;
	s4 =	sadd.s32 $0x1, s0  }
0x51: {  	s10 =	sshll.u32 @!p0 s10, $0x4;
	p1 =	por !p1, p0;
	s12 =	smov.u32 s4  }
0x52: {  	s9 =	smul.u32 $0xFFFFA000, s18;
	s10 =	sadd.s32 @!p0 $0x100, s10;
	s12 =	smov.u32 @p1 s11  }
0x53: {  	s18 =	simm.s32 @!p0 $0x0;
	s11 =	sshll.u32 @!p0 s12, $0xB;
	s12 =	sadd.s32 @!p0 s6, s10  }
0x54: {  	[tilespmem:s11], [sflag:$0x5] =	stream.linear.gather @!p0 [hbm4b:s12+s18], $0x800, $0x38;
	[tilespmem:$0x1F000] =	vst v63  }
0x55: {  	s9 =	sshra.s32 s9, $0x2;
	s10 =	sadd.s32 @!p0 s1, s10;
	s11 =	sadd.s32 @!p0 $0x1800, s11  }
0x56: {  	[tilespmem:s11], [sflag:$0x5] =	stream.linear.gather @!p0 [hbm4b:s10+s18], $0x800, $0x38;
	[tilespmem:$0x1F000] =	vst v63  }
0x57: {  	s18 =	sadd.s32 s9, s28  }
0x58: {  	s9 =	sadd.s32 s9, s29;
	s10 =	simm.s32 $0x0;
	s11 =	simm.s32 $0x0  }
.LBB2_5:
0x59: {  	s12 =	sadd.s32 s11, s31  }
0x5a: {  	p2 =	sne.s32 s11, $0x0;
	p1 =	seq.s32 s12, $0x0  }
0x5b: {  	p2 =	por !p2, !p1  }
0x5c: {  	s12 =	simm.s32 $0x1;
	p2 =	por !p2, !p2  }
0x5d: {  	s12 =	simm.s32 @!p2 $0x0  }
0x5e: {  	s12 =	ssub.s32 s0, s12  }
0x5f: {  	s13 =	smulhi.u32 $0x55555556, s12;
	s14 =	sshra.s32 s12, $0x1F  }
0x60: {  	_ =	swait.ge [sflag:s20], $0x4000;
	s14 =	smul.u32 $0x55555556, s14  }
0x61: {  	[sflag:s20] =	ssyncset.done $0x0  }
0x62: {  	[sflag:s20] =	ssyncadd.s32 $0xFFFFC000;
	s15 =	simm.s32 @!p1 $0x4;
	s13 =	sadd.s32 s14, s13  }
0x63: {  	_ =	swait.ge @!p1 [sflag:s15], $0x4000;
	s14 =	sshrl.u32 s13, $0x1F  }
0x64: {  	[sflag:s15] =	ssyncset.done @!p1 $0x0;
	s13 =	sadd.s32 s14, s13;
	s14 =	sshra.s32 s11, $0x2  }
0x65: {  	[sflag:s15] =	ssyncadd.s32 @!p1 $0xFFFFC000;
	s15 =	sadd.s32 s14, s9;
	s13 =	smul.u32 $0x3, s13  }
0x66: {  	[tilespmem:s21], [sflag:$0x2] =	stream.indirect.gather [hbm4b:s5+s19], $0x80, s15, s19, $0xb8;
	[tilespmem:$0x1F000] =	vst v63  }
0x67: {  	s12 =	ssub.s32 s12, s13  }
0x68: {  	s13 =	sshll.u32 s12, $0x4  }
0x69: {  	p1 =	slt.s32 s12, $0x0;
	s12 =	sadd.s32 $0x30, s13  }
0x6a: {  	s13 =	smov.u32 @p1 s12  }
0x6b: {  	s12 =	sadd.s32 s10, s13  }
0x6c: {  	s12 =	sshll.u32 s12, $0x9  }
0x6d: {  	s12 =	sshra.s32 s12, $0x2  }
0x6e: {  	s12 =	sadd.s32 $0x1800, s12  }
0x6f: {  	[spmem:s2] =	stream.indirect.scatter.add.f32 [tilespmem:s16], [sflag:$0x3], $0x80, s12, s19, $0xb8;
	[tilespmem:$0x1F000] =	vst v63  }
0x70: {  	p1 =	seq.s32 s11, $0x1C00;
	_ =	swait.ge [sflag:s22], $0x4000  }
.Ltmp3:
0x71: {  	[sflag:s22] =	ssyncset.done $0x0;
	(pc) =	sbr.rel @p1 .LBB2_7-.Ltmp3, $4  }
0x72: {  	[sflag:s22] =	ssyncadd.s32 $0xFFFFC000  }
0x73: {  	_ =	swait.ge [sflag:s23], $0x4000  }
0x74: {  	[sflag:s23] =	ssyncset.done $0x0  }
0x75: {  	s12 =	sadd.s32 s14, s18;
	[sflag:s23] =	ssyncadd.s32 $0xFFFFC000  }
0x76: {  	s10 =	sadd.s32 $0x2, s10  }
0x77: {  	s13 =	sadd.s32 s30, s10  }
0x78: {  	s13 =	sshrl.u32 s13, $0x4  }
0x79: {  	s14 =	smulhi.u32 $0x55555556, s13;
	_ =	sdelay $0x1  }
0x7a: {  	s11 =	sadd.s32 $0x400, s11;
	s14 =	smul.u32 $0x3, s14  }
0x7b: {  	s15 =	sadd.s32 s31, s11  }
0x7c: {  	s15 =	sand.u32 $0x1C00, s15;
	s13 =	ssub.s32 s13, s14  }
.Ltmp4:
0x7d: {  	s14 =	sshrl.u32 s15, $0x2;
	s13 =	sshll.u32 s13, $0xB;
	(pc) =	sbr.rel .LBB2_5-.Ltmp4, $4  }
0x7e: {  	s13 =	sor.u32 s14, s13  }
0x7f: {  	[tilespmem:s16], [sflag:$0x1] =	stream.indirect.gather [hbm4b:s5+s19], $0x80, s13, s19, $0xb8;
	[tilespmem:$0x1F000] =	vst v63  }
0x80: {  	_ = 	snop  }
0x81: {  	[spmem:s2] =	stream.indirect.scatter.add.f32 [tilespmem:s21], [sflag:$0x4], $0x80, s12, s19, $0xb8;
	[tilespmem:$0x1F000] =	vst v63  }
.LBB2_7:
.Ltmp5:
0x82: {  	(pc) =	sbr.rel @p0 .LBB2_9-.Ltmp5, $2  }
0x83: {  	_ =	sdelay $0x2  }
0x84: {  	[spmem:s2] =	stream.indirect.scatter.add.f32 [tilespmem:s21], [sflag:$0x4], $0x80, s12, s19, $0xb8;
	[tilespmem:$0x1F000] =	vst v63  }
0x85: {  	s0 =	smulhi.u32 $0xAAAAAAAB, s4  }
0x86: {  	_ =	swait.ge [sflag:s26], $0x800  }
.Ltmp6:
0x87: {  	[sflag:s26] =	ssyncset.done $0x0;
	s0 =	sshrl.u32 s0, $0x1;
	(pc) =	sbr.rel .LBB2_4-.Ltmp6, $4  }
0x88: {  	s31 =	sadd.s32 $0x2000, s31;
	[sflag:s26] =	ssyncadd.s32 $0xFFFFF800;
	s0 =	smul.u32 $0x3, s0  }
0x89: {  	s30 =	sadd.s32 $0x10, s30;
	s28 =	sadd.s32 $0x800, s28;
	_ =	swait.ge [sflag:s26], $0x800  }
0x8a: {  	s29 =	sadd.s32 $0x800, s29;
	[sflag:s26] =	ssyncset.done $0x0;
	s0 =	ssub.s32 s4, s0  }
0x8b: {  	[sflag:s26] =	ssyncadd.s32 $0xFFFFF800;
	s9 =	sshll.u32 s0, $0xB;
	s0 =	smov.u32 s4  }
.LBB2_10:
0x8c: {  	_ =	sfence.sel $0x180000  }
0x8d: {  	[bflag:$0x0] =	sbarrier.arrive $0xFFFF  }
0x8e: {  	_ =	strace $0x9000004A  }
0x8f: {  	s0 =	stileid.u32;
	[bflag:$0x2] =	sbarrier.arrive $0xFFFF  }
0x90: {  	p0 =	sne.s32 s0, $0x0;
	s0 =	rddreg [dreg:$0x3]  }
0x91: {  	s0 =	sadd.s32 @!p0 $0x100000, s0  }
0x92: {  	[sflag:s0] =	ssyncadd.tile.s32 @!p0 $0x1;
	_ =	shalt  }
.Lfunc_end2:
_tile_overlayer_lowered:
.L_overlay_start_2:
0x93: {  	(tag) =	ssettag $0x2  }
0x94: {  	s0 =	rddreg [dreg:$0x0];
	s2 =	stileid.u32  }
0x95: {  	s1 =	rddreg [dreg:$0x1];
	p0 =	sne.s32 s2, $0x0  }
0x96: {  	s3 =	rddreg [dreg:$0x2];
	[bflag:$0x3] =	sbarrier.arrive $0xFFFF;
	s2 =	simm.s32 @!p0 $0x1C06  }
0x97: {  	[timem:s3], [sflag:s2] =	dma.local @!p0 [hbm:s0], s1  }
0x98: {  	s0 =	simm.s32 @!p0 $0x6  }
0x99: {  	_ =	swait.ge @!p0 [sflag:s0], s1  }
0x9a: {  	s1 =	ssub.s32 @!p0 $0x0, s1;
	[sflag:s0] =	ssyncset.done @!p0 $0x0  }
0x9b: {  	[sflag:s0] =	ssyncadd.s32 @!p0 s1  }
0x9c: {  	[bflag:$0x3] =	sbarrier.arrive $0xFFFF  }
0x9d: {  	_ =	shalt  }

// kernel: kernel.13.cloned.1.call-start
scs
__scs_entry_jumppad:
0x0: {  	(pc) =	sbr.rel $0x88, $3  }
0x1: {  	(tag) =	ssettag $0x0;
	lr =	simm.s32 $0x1  }
0x2: {  	[smem:$0x3F99] =	sst lr;
	_ =	strace $0xD0000000  }
0x3: {  	_ = 	snop  }
0x4: {  	_ = 	snop  }
0x5: {  	_ = 	snop  }
0x6: {  	_ = 	snop  }
0x7: {  	_ = 	snop  }
__scs_overlays_trampoline_lowered:
0x8: {  	[smem:$0x3FA8] =	sst s0  }
0x9: {  	[smem:$0x3FA9] =	sst s1  }
0xa: {  	[smem:$0x3FAA] =	sst s2  }
0xb: {  	[smem:$0x3FAB] =	sst s3  }
0xc: {  	[smem:$0x3FAC] =	sst s4  }
0xd: {  	[smem:$0x3FAD] =	sst s5  }
0xe: {  	[smem:$0x3FAE] =	sst s6  }
0xf: {  	[smem:$0x3FAF] =	sst s7  }
0x10: {  	[smem:$0x3FB0] =	sst s8  }
0x11: {  	[smem:$0x3FB1] =	sst s9;
	s0 =	simm.s32 @!p0 $0x0  }
0x12: {  	s1 =	sld [smem:$0x3F97];
	s0 =	simm.s32 @p0 $0x1  }
0x13: {  	[smem:$0x3FB2] =	sst s0;
	s0 =	simm.s32 @!p1 $0x0  }
0x14: {  	s2 =	sld [smem:$0x3F96];
	s0 =	simm.s32 @p1 $0x1  }
0x15: {  	[smem:$0x3FB3] =	sst s0;
	s0 =	simm.s32 @!p2 $0x0  }
0x16: {  	s3 =	sld [smem:$0x3FDB];
	s0 =	simm.s32 @p2 $0x1  }
0x17: {  	s4 =	simm.s32 $0x1BF5;
	[smem:$0x3FB5] =	sst s0  }
0x18: {  	s0 =	sld [smem:$0x3F98];
	_ =	swait.ge [sflag:s4], $0x0  }
0x19: {  	s7 =	sld [smem:$0x3F99]  }
0x1a: {  	s8 =	sadd.s32 $0xFFFFE003, lr  }
0x1b: {  	s9 =	sadd.s32 $0xFFFFFEF7, lr;
	s5 =	simm.s32 $0xFFFFFFFF;
	p2 =	slt.u32 s8, $0xFFFFF086  }
0x1c: {  	p1 =	slt.u32 s9, $0xF7A;
	s5 =	simm.s32 @!p2 $0x0  }
0x1d: {  	s5 =	simm.s32 @p1 $0x1;
	p0 =	seq.s32 s7, s2  }
0x1e: {  	s7 =	smul.u32 @!p0 $0xF7A, s2;
	p2 =	seq.s32 @!p0 s5, $0x0  }
0x1f: {  	s9 =	smul.u32 $0xF7A, s1;
	s8 =	simm.s32 @!p0 $0x1BF5;
	p2 =	por !p2, p0  }
0x20: {  	[sflag:s8] =	ssyncset.s32 @!p0 $0xFFFFF086;
	s6 =	sadd.s32 @!p0 s3, s7;
	s7 =	simm.s32 @!p0 $0x108  }
0x21: {  	s3 =	sadd.s32 s3, s9;
	s6 =	sadd.s32 @!p0 $0x88, s6;
	s7 =	simm.s32 @p2 $0x1082  }
0x22: {  	[simem:s7], [sflag:s8] =	dma.local @!p0 [hbm:s6], $0xF7A  }
0x23: {  	s9 =	sor.u32 $0xD0000000, s2;
	s6 =	simm.s32 $0x108;
	_ =	swait.ge @!p0 [sflag:s8], $0x0  }
0x24: {  	s3 =	sadd.s32 $0x88, s3;
	s6 =	simm.s32 @!p1 $0x1082;
	[sflag:s4] =	ssyncset.s32 $0xFFFFF086  }
0x25: {  	[simem:s6], [sflag:s4] =	dma.local [hbm:s3], $0xF7A  }
0x26: {  	[smem:$0x3F99] =	sst s1;
	(tag) =	ssettag s2;
	_ =	strace s9  }
0x27: {  	s1 =	sld [smem:$0x3FA9]  }
0x28: {  	s2 =	sld [smem:$0x3FAA]  }
0x29: {  	s4 =	sld [smem:$0x3FAC]  }
0x2a: {  	p0 =	seq.s32 s5, $0x0;
	s5 =	sld [smem:$0x3FAD]  }
0x2b: {  	s6 =	sld [smem:$0x3FAE]  }
0x2c: {  	s7 =	sld [smem:$0x3FAF]  }
0x2d: {  	s3 =	simm.s32 $0x108;
	s8 =	sld [smem:$0x3FB0]  }
0x2e: {  	s3 =	simm.s32 @!p0 $0x1082;
	s9 =	sld [smem:$0x3FB1]  }
0x2f: {  	lr =	sadd.s32 s0, s3;
	s0 =	sld [smem:$0x3FA8]  }
0x30: {  	s3 =	sld [smem:$0x3FAB]  }
0x31: {  	[smem:$0x3FB4] =	sst s10  }
0x32: {  	s10 =	sld [smem:$0x3FB2];
	_ =	sdelay $0x3  }
0x33: {  	p0 =	seq.s32 s10, $0x1;
	s10 =	sld [smem:$0x3FB4];
	_ =	sdelay $0x3  }
0x34: {  	[smem:$0x3FB4] =	sst s10  }
0x35: {  	s10 =	sld [smem:$0x3FB3];
	_ =	sdelay $0x3  }
0x36: {  	p1 =	seq.s32 s10, $0x1;
	s10 =	sld [smem:$0x3FB4];
	_ =	sdelay $0x3  }
0x37: {  	[smem:$0x3FB4] =	sst s10  }
0x38: {  	s10 =	sld [smem:$0x3FB5]  }
0x39: {  	_ = 	snop;
	(pc) =	sbr.ind lr, $3  }
0x3a: {  	_ = 	snop  }
0x3b: {  	_ = 	snop  }
0x3c: {  	p2 =	seq.s32 s10, $0x1;
	s10 =	sld [smem:$0x3FB4]  }
0x3d: {  	_ =	shalt  }
0x3e: {  	_ =	shalt  }
0x3f: {  	_ =	shalt  }
0x40: {  	_ =	shalt  }
0x41: {  	_ =	shalt  }
0x42: {  	_ =	shalt  }
0x43: {  	_ =	shalt  }
0x44: {  	_ =	shalt  }
0x45: {  	_ =	shalt  }
0x46: {  	_ =	shalt  }
0x47: {  	_ =	shalt  }
0x48: {  	_ =	shalt  }
0x49: {  	_ =	shalt  }
0x4a: {  	_ =	shalt  }
0x4b: {  	_ =	shalt  }
0x4c: {  	_ =	shalt  }
0x4d: {  	_ =	shalt  }
0x4e: {  	_ =	shalt  }
0x4f: {  	_ =	shalt  }
0x50: {  	_ =	shalt  }
0x51: {  	_ =	shalt  }
0x52: {  	_ =	shalt  }
0x53: {  	_ =	shalt  }
0x54: {  	_ =	shalt  }
0x55: {  	_ =	shalt  }
0x56: {  	_ =	shalt  }
0x57: {  	_ =	shalt  }
0x58: {  	_ =	shalt  }
0x59: {  	_ =	shalt  }
0x5a: {  	_ =	shalt  }
0x5b: {  	_ =	shalt  }
0x5c: {  	_ =	shalt  }
0x5d: {  	_ =	shalt  }
0x5e: {  	_ =	shalt  }
0x5f: {  	_ =	shalt  }
0x60: {  	_ =	shalt  }
0x61: {  	_ =	shalt  }
0x62: {  	_ =	shalt  }
0x63: {  	_ =	shalt  }
0x64: {  	_ =	shalt  }
0x65: {  	_ =	shalt  }
0x66: {  	_ =	shalt  }
0x67: {  	_ =	shalt  }
0x68: {  	_ =	shalt  }
0x69: {  	_ =	shalt  }
0x6a: {  	_ =	shalt  }
0x6b: {  	_ =	shalt  }
0x6c: {  	_ =	shalt  }
0x6d: {  	_ =	shalt  }
0x6e: {  	_ =	shalt  }
0x6f: {  	_ =	shalt  }
0x70: {  	_ =	shalt  }
0x71: {  	_ =	shalt  }
0x72: {  	_ =	shalt  }
0x73: {  	_ =	shalt  }
0x74: {  	_ =	shalt  }
0x75: {  	_ =	shalt  }
0x76: {  	_ =	shalt  }
0x77: {  	_ =	shalt  }
0x78: {  	_ =	shalt  }
0x79: {  	_ =	shalt  }
0x7a: {  	_ =	shalt  }
0x7b: {  	_ =	shalt  }
0x7c: {  	_ =	shalt  }
0x7d: {  	_ =	shalt  }
0x7e: {  	_ =	shalt  }
0x7f: {  	_ =	shalt  }
0x80: {  	_ =	shalt  }
0x81: {  	_ =	shalt  }
0x82: {  	_ =	shalt  }
0x83: {  	_ =	shalt  }
0x84: {  	_ =	shalt  }
0x85: {  	_ =	shalt  }
0x86: {  	_ =	shalt  }
0x87: {  	_ =	shalt  }
.Lfunc_end0:
.L_simem_size_0:
called_computation.2_lowered:
.L_overlay_start_0:
0x88: {  	s2 =	sld [smem:$0x3FD9]  }
0x89: {  	s3 =	sld [smem:$0x3FFE];
	_ =	sdelay $0x1  }
0x8a: {  	s1 =	srdreg.scid  }
0x8b: {  	s0 =	sand.u32 $0x1, s1  }
0x8c: {  	s17 =	sshll.u32 s0, $0xA;
	s2 =	sadd.s32 s3, s2  }
0x8d: {  	s2 =	sadd.s32 s2, s17  }
0x8e: {  	[smem:$0x3FC0] =	sst s2  }
0x8f: {  	_ = 	snop  }
0x90: {  	s2 =	sld [smem:$0x3FD0];
	(tm) =	ssettm $0x1  }
0x91: {  	s18 =	sld [smem:$0x3FFB];
	_ =	sdelay $0x3  }
0x92: {  	_ =	strace s18  }
0x93: {  	s3 =	sld [smem:$0x3FFC];
	_ =	sdelay $0x3  }
0x94: {  	_ =	strace s3  }
0x95: {  	s3 =	sld [smem:$0x3FFD];
	_ =	sdelay $0x3  }
0x96: {  	_ =	strace s3  }
0x97: {  	_ =	strace $0x8FFFFFFF  }
0x98: {  	s19 =	sld [smem:$0x3FDB];
	_ =	sdelay $0x1  }
0x99: {  	s4 =	simm.s32 $_scs_section_size  }
0x9a: {  	s5 =	simm.s32 $_size__tile_overlayer_lowered;
	s6 =	simm.s32 $_tile_overlayer_lowered  }
0x9b: {  	s22 =	simm.s32 $0x1BFF;
	s21 =	sshll.u32 s6, $0x1;
	s3 =	sadd.s32 s4, s19  }
0x9c: {  	s7 =	simm.s32 $0x0;
	s20 =	sshll.u32 s5, $0x1;
	s5 =	sadd.s32 s21, s3  }
0x9d: {  	[timem:s7], [sflag:s22] =	dma.local [hbm:s5], s20  }
0x9e: {  	_ =	swait.ge [sflag:s22], s20  }
0x9f: {  	s4 =	ssub.s32 $0x0, s20;
	[sflag:s22] =	ssyncset.done $0x0  }
0xa0: {  	[sflag:s22] =	ssyncadd.s32 s4;
	_ =	sdelay $0x1  }
0xa1: {  	s23 =	simm.s32 $0x1B8B  }
0xa2: {  	_ =	swait.ge [sflag:s23], $0x1  }
0xa3: {  	[sflag:s23] =	ssyncset.done $0x0  }
0xa4: {  	s25 =	simm.s32 $0x1B8E;
	s24 =	sld [smem:$0x3FFE];
	[sflag:s23] =	ssyncadd.s32 $0xFFFFFFFF  }
0xa5: {  	s26 =	simm.s32 $execute0_lowered;
	[smem:$0x3FD2] =	sst s25  }
0xa6: {  	s5 =	sshll.u32 s26, $0x1;
	_ =	strace $0x8000004C;
	[dreg:$0x1] =	wrdreg $0xFFFFFFFF  }
0xa7: {  	s28 =	simm.s32 $_size_execute0_lowered;
	s3 =	sadd.s32 s3, s5;
	[dreg:$0x0] =	wrdreg $0x0  }
0xa8: {  	s5 =	sshll.u32 s28, $0x1;
	[dreg:$0x2] =	wrdreg s3  }
0xa9: {  	[dreg:$0x3] =	wrdreg s5  }
0xaa: {  	[dreg:$0x4] =	wrdreg $0xC0  }
0xab: {  	_ =	task [dreg:s7], $0x5FFFF  }
0xac: {  	[dreg:$0x1] =	wrdreg $0xFFFFFFFF  }
0xad: {  	[dreg:$0x0] =	wrdreg $0x60  }
0xae: {  	[dreg:$0x2] =	wrdreg s24  }
0xaf: {  	[dreg:$0x3] =	wrdreg s2  }
0xb0: {  	[dreg:$0x4] =	wrdreg $0xB0000  }
0xb1: {  	[dreg:$0x5] =	wrdreg $0x9  }
0xb2: {  	_ =	task.clear_ibuf [dreg:s7], $0x6FFFF;
	_ =	strace $0x9000004C  }
0xb3: {  	s29 =	simm.s32 $0x9;
	_ =	strace $0x8000004E  }
0xb4: {  	_ =	swait.ge [sflag:s29], $0x1  }
0xb5: {  	[sflag:s29] =	ssyncadd.s32 $0xFFFFFFFF  }
0xb6: {  	_ =	strace $0x9000004E  }
0xb7: {  	_ =	sfence  }
0xb8: {  	s30 =	sld [smem:$0x0];
	_ =	sdelay $0x2  }
0xb9: {  	s31 =	sshll.u32 s1, $0xD;
	s1 =	sshrl.u32 s1, $0x2  }
0xba: {  	s3 =	sand.u32 $0x4000, s31;
	s1 =	sadd.s32 s1, s30  }
0xbb: {  	s0 =	sor.u32 s3, s0;
	s1 =	sshll.u32 s1, $0x11  }
0xbc: {  	s0 =	sor.u32 s1, s0  }
0xbd: {  	s0 =	sadd.s32 $0x8F2B, s0  }
0xbe: {  	[sflag:s0] =	ssyncadd.remote.s32 $0x1  }
0xbf: {  	_ =	sfence.sel $0xFFFF  }
0xc0: {  	[dreg:$0x0] =	wrdreg $0xFFFFFFFF;
	(pc) =	sbr.abs _section_cstart, $3  }
0xc1: {  	[dreg:$0x1] =	wrdreg $0xFFFFFFFF  }
0xc2: {  	_ =	task.clear_ibuf [dreg:s7], $0x2FFFF;
	_ =	strace $0x9FFFFFFF  }
0xc3: {  	(tm) =	ssettm $0x7FFFFFFF  }
tec
execute0_lowered:
.L_overlay_start_1:
0x0: {  	(tag) =	ssettag $0x1  }
0x1: {  	s0 =	rddreg [dreg:$0x0]  }
0x2: {  	s1 =	rddreg [dreg:$0x1]  }
0x3: {  	s2 =	rddreg [dreg:$0x2];
	s3 =	simm.s32 $0x0;
	s4 =	srdreg.scid  }
0x4: {  	s11 =	stileid.u32;
	s16 =	simm.s32 $0x3000;
	s17 =	simm.s32 $0x6  }
0x5: {  	s19 =	simm.s32 $0x80;
	s20 =	simm.s32 $0x1;
	[smem:$0x7FF] =	sst s3  }
0x6: {  	s4 =	sand.u32 $0x1, s4;
	s8 =	sshll.u32 s11, $0x1;
	s21 =	smul.u32 $0x50000, s11  }
0x7: {  	s7 =	smul.u32 $0x28000, s4;
	s9 =	ssub.s32 $0x2, s4;
	s4 =	sor.u32 s4, s8  }
0x8: {  	s5 =	sadd.s32 $0xCA00, s0;
	s6 =	sadd.s32 $0x2A00, s0;
	s10 =	smul.u32 $0x500, s4  }
0x9: {  	s26 =	smul.u32 $0x2800, s11;
	_ =	strace $0x8000004D;
	s22 =	sshrl.u32 s9, $0x1  }
0xa: {  	s23 =	sshrl.u32 s21, $0x2;
	s21 =	simm.s32 $0x7000;
	s24 =	sadd.s32 s6, s10  }
0xb: {  	s9 =	ssub.s32 s9, s22;
	s25 =	sadd.s32 s1, s10;
	[dreg:$0x4] =	wrdreg s24  }
0xc: {  	s8 =	sadd.s32 s23, s2;
	s9 =	smax.u32 s9, $0x1;
	[dreg:$0x5] =	wrdreg s25  }
0xd: {  	s0 =	sadd.s32 s7, s0;
	s28 =	sadd.s32 $0x4000, s8;
	[dreg:$0x6] =	wrdreg s9  }
.Ltmp0:
0xe: {  	s29 =	sadd.s32 $0x8000, s8;
	[dreg:$0x7] =	wrdreg s28;
	(pc) =	sbr.rel .LBB2_1-.Ltmp0, $4  }
0xf: {  	s7 =	smul.u32 $0x50, s4;
	s30 =	sadd.s32 $0xC000, s8;
	[dreg:$0x8] =	wrdreg s29  }
0x10: {  	s22 =	simm.s32 $0x2;
	s31 =	sadd.s32 $0x10000, s8;
	[dreg:$0x9] =	wrdreg s30  }
0x11: {  	s23 =	simm.s32 $0x3;
	s0 =	sadd.s32 $0x34A00, s0;
	[dreg:$0xa] =	wrdreg s31  }
0x12: {  	v0 =	vimm.f32 $0.0e+00;
	s24 =	sadd.s32 s26, s0;
	s25 =	simm.s32 $0x4;
	s26 =	simm.s32 $0x5  }
.LBB2_9:
0x13: {  	_ =	swait.ge [sflag:s25], $0x4000  }
0x14: {  	s0 =	stileid.u32;
	[sflag:s25] =	ssyncset.done $0x0  }
0x15: {  	s0 =	sshll.u32 s0, $0x6;
	[sflag:s25] =	ssyncadd.s32 $0xFFFFC000  }
0x16: {  	s4 =	sshrl.u32 s8, $0x3;
	s0 =	sor.u32 $0x1C06, s0;
	[bflag:$0x0] =	sbarrier.arrive $0xFFFF  }
0x17: {  	[hbm:s24], [sflag:s0] =	dma.local [spmem:s4], $0x2800  }
0x18: {  	_ =	swait.ge [sflag:s17], $0x2800  }
0x19: {  	s3 =	sadd.s32 $0x1, s3;
	s31 =	rddreg [dreg:$0x6]  }
0x1a: {  	p0 =	sne.s32 s3, s31  }
.Ltmp1:
0x1b: {  	_ = 	snop;
	(pc) =	sbr.rel @!p0 .LBB2_10-.Ltmp1, $3  }
0x1c: {  	_ =	sdelay $0x1  }
0x1d: {  	[sflag:s17] =	ssyncset.done $0x0  }
0x1e: {  	[sflag:s17] =	ssyncadd.s32 $0xFFFFD800  }
.LBB2_1:
0x1f: {  	s0 =	simm.s32 $0x0;
	s4 =	simm.s32 $0x200  }
.LBB2_2:
0x20: {  	p0 =	sne.s32 s4, $0xFE00;
	[tilespmem:s0+$0x3070] =	vst v0  }
0x21: {  	[tilespmem:s0+$0x3000] =	vst v0  }
0x22: {  	[tilespmem:s0+$0x3010] =	vst v0  }
.Ltmp2:
0x23: {  	[tilespmem:s0+$0x3020] =	vst v0;
	(pc) =	sbr.rel @p0 .LBB2_2-.Ltmp2, $4  }
0x24: {  	[tilespmem:s0+$0x3030] =	vst v0  }
0x25: {  	[tilespmem:s0+$0x3040] =	vst v0  }
0x26: {  	[tilespmem:s0+$0x3050] =	vst v0  }
0x27: {  	[tilespmem:s0+$0x3060] =	vst v0;
	s0 =	sshra.s32 s4, $0x2;
	s4 =	sadd.s32 $0x200, s4  }
0x28: {  	[tilespmem:s0+$0x3070] =	vst v0  }
0x29: {  	[tilespmem:s0+$0x3000] =	vst v0  }
0x2a: {  	[tilespmem:s0+$0x3010] =	vst v0  }
0x2b: {  	[tilespmem:s0+$0x3020] =	vst v0  }
0x2c: {  	[tilespmem:s0+$0x3030] =	vst v0  }
0x2d: {  	[tilespmem:s0+$0x3040] =	vst v0  }
0x2e: {  	[tilespmem:s0+$0x3050] =	vst v0  }
0x2f: {  	[tilespmem:s0+$0x3060] =	vst v0  }
0x30: {  	[spmem:s8] =	stream.linear.scatter [tilespmem:s16], [sflag:$0x6], $0x4000, $0x38;
	[tilespmem:$0x1F000] =	vst v63  }
0x31: {  	_ =	swait.ge [sflag:s17], $0x4000  }
0x32: {  	[sflag:s17] =	ssyncset.done $0x0  }
0x33: {  	s12 =	rddreg [dreg:$0x7];
	[sflag:s17] =	ssyncadd.s32 $0xFFFFC000  }
0x34: {  	[spmem:s12] =	stream.linear.scatter [tilespmem:s16], [sflag:$0x6], $0x4000, $0x38;
	[tilespmem:$0x1F000] =	vst v63  }
0x35: {  	_ =	swait.ge [sflag:s17], $0x4000  }
0x36: {  	[sflag:s17] =	ssyncset.done $0x0  }
0x37: {  	s13 =	rddreg [dreg:$0x8];
	[sflag:s17] =	ssyncadd.s32 $0xFFFFC000  }
0x38: {  	[spmem:s13] =	stream.linear.scatter [tilespmem:s16], [sflag:$0x6], $0x4000, $0x38;
	[tilespmem:$0x1F000] =	vst v63  }
0x39: {  	_ =	swait.ge [sflag:s17], $0x4000  }
0x3a: {  	[sflag:s17] =	ssyncset.done $0x0  }
0x3b: {  	s14 =	rddreg [dreg:$0x9];
	[sflag:s17] =	ssyncadd.s32 $0xFFFFC000  }
0x3c: {  	[spmem:s14] =	stream.linear.scatter [tilespmem:s16], [sflag:$0x6], $0x4000, $0x38;
	[tilespmem:$0x1F000] =	vst v63  }
0x3d: {  	_ =	swait.ge [sflag:s17], $0x4000  }
0x3e: {  	[sflag:s17] =	ssyncset.done $0x0  }
0x3f: {  	s15 =	rddreg [dreg:$0xa];
	[sflag:s17] =	ssyncadd.s32 $0xFFFFC000  }
0x40: {  	[spmem:s15] =	stream.linear.scatter [tilespmem:s16], [sflag:$0x6], $0x4000, $0x38;
	[tilespmem:$0x1F000] =	vst v63  }
0x41: {  	_ =	swait.ge [sflag:s17], $0x4000  }
0x42: {  	[sflag:s17] =	ssyncset.done $0x0  }
0x43: {  	s0 =	simm.s32 $0x0;
	s4 =	rddreg [dreg:$0x4];
	[sflag:s17] =	ssyncadd.s32 $0xFFFFC000  }
0x44: {  	[tilespmem:s0], [sflag:$0x6] =	stream.linear.gather [hbm4b:s4+s0], $0x800, $0x38;
	[tilespmem:$0x1F000] =	vst v63  }
0x45: {  	_ =	swait.ge [sflag:s17], $0x800  }
0x46: {  	[sflag:s17] =	ssyncset.done $0x0  }
0x47: {  	s9 =	simm.s32 $0x1800;
	s18 =	rddreg [dreg:$0x5];
	[sflag:s17] =	ssyncadd.s32 $0xFFFFF800  }
0x48: {  	[tilespmem:s9], [sflag:$0x6] =	stream.linear.gather [hbm4b:s18+s0], $0x800, $0x38;
	[tilespmem:$0x1F000] =	vst v63  }
0x49: {  	_ =	swait.ge [sflag:s17], $0x800  }
0x4a: {  	s28 =	simm.s32 $0x1880;
	[sflag:s17] =	ssyncset.done $0x0  }
0x4b: {  	s29 =	simm.s32 $0x80;
	s30 =	simm.s32 $0x0;
	[sflag:s17] =	ssyncadd.s32 $0xFFFFF800  }
0x4c: {  	s31 =	simm.s32 $0x0;
	s9 =	simm.s32 $0x0;
	[bflag:$0x0] =	sbarrier.arrive $0xFFFF  }
.LBB2_4:
0x4d: {  	[tilespmem:s16], [sflag:$0x1] =	stream.indirect.gather [hbm4b:s5+s19], $0x80, s9, s19, $0xb8;
	[tilespmem:$0x1F000] =	vst v63  }
0x4e: {  	s4 =	smulhi.u32 $0xAAAAAAAB, s0;
	s10 =	sshll.u32 s0, $0x4;
	p0 =	seq.s32 s0, $0x4  }
0x4f: {  	s10 =	sadd.s32 @!p0 s7, s10;
	p1 =	slt.u32 @!p0 s0, $0x2  }
0x50: {  	s11 =	sadd.s32 @!p0 $0xFFFFFFFE, s0;
	s18 =	sshrl.u32 s4, $0x1;
	s4 =	sadd.s32 $0x1, s0  }
0x51: {  	s10 =	sshll.u32 @!p0 s10, $0x4;
	p1 =	por !p1, p0;
	s12 =	smov.u32 s4  }
0x52: {  	s9 =	smul.u32 $0xFFFFA000, s18;
	s10 =	sadd.s32 @!p0 $0x100, s10;
	s12 =	smov.u32 @p1 s11  }
0x53: {  	s18 =	simm.s32 @!p0 $0x0;
	s11 =	sshll.u32 @!p0 s12, $0xB;
	s12 =	sadd.s32 @!p0 s6, s10  }
0x54: {  	[tilespmem:s11], [sflag:$0x5] =	stream.linear.gather @!p0 [hbm4b:s12+s18], $0x800, $0x38;
	[tilespmem:$0x1F000] =	vst v63  }
0x55: {  	s9 =	sshra.s32 s9, $0x2;
	s10 =	sadd.s32 @!p0 s1, s10;
	s11 =	sadd.s32 @!p0 $0x1800, s11  }
0x56: {  	[tilespmem:s11], [sflag:$0x5] =	stream.linear.gather @!p0 [hbm4b:s10+s18], $0x800, $0x38;
	[tilespmem:$0x1F000] =	vst v63  }
0x57: {  	s18 =	sadd.s32 s9, s28  }
0x58: {  	s9 =	sadd.s32 s9, s29;
	s10 =	simm.s32 $0x0;
	s11 =	simm.s32 $0x0  }
.LBB2_5:
0x59: {  	s12 =	sadd.s32 s11, s31  }
0x5a: {  	p2 =	sne.s32 s11, $0x0;
	p1 =	seq.s32 s12, $0x0  }
0x5b: {  	p2 =	por !p2, !p1  }
0x5c: {  	s12 =	simm.s32 $0x1;
	p2 =	por !p2, !p2  }
0x5d: {  	s12 =	simm.s32 @!p2 $0x0  }
0x5e: {  	s12 =	ssub.s32 s0, s12  }
0x5f: {  	s13 =	smulhi.u32 $0x55555556, s12;
	s14 =	sshra.s32 s12, $0x1F  }
0x60: {  	_ =	swait.ge [sflag:s20], $0x4000;
	s14 =	smul.u32 $0x55555556, s14  }
0x61: {  	[sflag:s20] =	ssyncset.done $0x0  }
0x62: {  	[sflag:s20] =	ssyncadd.s32 $0xFFFFC000;
	s15 =	simm.s32 @!p1 $0x4;
	s13 =	sadd.s32 s14, s13  }
0x63: {  	_ =	swait.ge @!p1 [sflag:s15], $0x4000;
	s14 =	sshrl.u32 s13, $0x1F  }
0x64: {  	[sflag:s15] =	ssyncset.done @!p1 $0x0;
	s13 =	sadd.s32 s14, s13;
	s14 =	sshra.s32 s11, $0x2  }
0x65: {  	[sflag:s15] =	ssyncadd.s32 @!p1 $0xFFFFC000;
	s15 =	sadd.s32 s14, s9;
	s13 =	smul.u32 $0x3, s13  }
0x66: {  	[tilespmem:s21], [sflag:$0x2] =	stream.indirect.gather [hbm4b:s5+s19], $0x80, s15, s19, $0xb8;
	[tilespmem:$0x1F000] =	vst v63  }
0x67: {  	s12 =	ssub.s32 s12, s13  }
0x68: {  	s13 =	sshll.u32 s12, $0x4  }
0x69: {  	p1 =	slt.s32 s12, $0x0;
	s12 =	sadd.s32 $0x30, s13  }
0x6a: {  	s13 =	smov.u32 @p1 s12  }
0x6b: {  	s12 =	sadd.s32 s10, s13  }
0x6c: {  	s12 =	sshll.u32 s12, $0x9  }
0x6d: {  	s12 =	sshra.s32 s12, $0x2  }
0x6e: {  	s12 =	sadd.s32 $0x1800, s12  }
0x6f: {  	[spmem:s2] =	stream.indirect.scatter.add.f32 [tilespmem:s16], [sflag:$0x3], $0x80, s12, s19, $0xb8;
	[tilespmem:$0x1F000] =	vst v63  }
0x70: {  	p1 =	seq.s32 s11, $0x1C00;
	_ =	swait.ge [sflag:s22], $0x4000  }
.Ltmp3:
0x71: {  	[sflag:s22] =	ssyncset.done $0x0;
	(pc) =	sbr.rel @p1 .LBB2_7-.Ltmp3, $4  }
0x72: {  	[sflag:s22] =	ssyncadd.s32 $0xFFFFC000  }
0x73: {  	_ =	swait.ge [sflag:s23], $0x4000  }
0x74: {  	[sflag:s23] =	ssyncset.done $0x0  }
0x75: {  	s12 =	sadd.s32 s14, s18;
	[sflag:s23] =	ssyncadd.s32 $0xFFFFC000  }
0x76: {  	s10 =	sadd.s32 $0x2, s10  }
0x77: {  	s13 =	sadd.s32 s30, s10  }
0x78: {  	s13 =	sshrl.u32 s13, $0x4  }
0x79: {  	s14 =	smulhi.u32 $0x55555556, s13;
	_ =	sdelay $0x1  }
0x7a: {  	s11 =	sadd.s32 $0x400, s11;
	s14 =	smul.u32 $0x3, s14  }
0x7b: {  	s15 =	sadd.s32 s31, s11  }
0x7c: {  	s15 =	sand.u32 $0x1C00, s15;
	s13 =	ssub.s32 s13, s14  }
.Ltmp4:
0x7d: {  	s14 =	sshrl.u32 s15, $0x2;
	s13 =	sshll.u32 s13, $0xB;
	(pc) =	sbr.rel .LBB2_5-.Ltmp4, $4  }
0x7e: {  	s13 =	sor.u32 s14, s13  }
0x7f: {  	[tilespmem:s16], [sflag:$0x1] =	stream.indirect.gather [hbm4b:s5+s19], $0x80, s13, s19, $0xb8;
	[tilespmem:$0x1F000] =	vst v63  }
0x80: {  	_ = 	snop  }
0x81: {  	[spmem:s2] =	stream.indirect.scatter.add.f32 [tilespmem:s21], [sflag:$0x4], $0x80, s12, s19, $0xb8;
	[tilespmem:$0x1F000] =	vst v63  }
.LBB2_7:
.Ltmp5:
0x82: {  	(pc) =	sbr.rel @p0 .LBB2_9-.Ltmp5, $2  }
0x83: {  	_ =	sdelay $0x2  }
0x84: {  	[spmem:s2] =	stream.indirect.scatter.add.f32 [tilespmem:s21], [sflag:$0x4], $0x80, s12, s19, $0xb8;
	[tilespmem:$0x1F000] =	vst v63  }
0x85: {  	s0 =	smulhi.u32 $0xAAAAAAAB, s4  }
0x86: {  	_ =	swait.ge [sflag:s26], $0x800  }
.Ltmp6:
0x87: {  	[sflag:s26] =	ssyncset.done $0x0;
	s0 =	sshrl.u32 s0, $0x1;
	(pc) =	sbr.rel .LBB2_4-.Ltmp6, $4  }
0x88: {  	s31 =	sadd.s32 $0x2000, s31;
	[sflag:s26] =	ssyncadd.s32 $0xFFFFF800;
	s0 =	smul.u32 $0x3, s0  }
0x89: {  	s30 =	sadd.s32 $0x10, s30;
	s28 =	sadd.s32 $0x800, s28;
	_ =	swait.ge [sflag:s26], $0x800  }
0x8a: {  	s29 =	sadd.s32 $0x800, s29;
	[sflag:s26] =	ssyncset.done $0x0;
	s0 =	ssub.s32 s4, s0  }
0x8b: {  	[sflag:s26] =	ssyncadd.s32 $0xFFFFF800;
	s9 =	sshll.u32 s0, $0xB;
	s0 =	smov.u32 s4  }
.LBB2_10:
0x8c: {  	_ =	sfence.sel $0x180000  }
0x8d: {  	[bflag:$0x0] =	sbarrier.arrive $0xFFFF  }
0x8e: {  	_ =	strace $0x9000004D  }
0x8f: {  	s0 =	stileid.u32;
	[bflag:$0x2] =	sbarrier.arrive $0xFFFF  }
0x90: {  	p0 =	sne.s32 s0, $0x0;
	s0 =	rddreg [dreg:$0x3]  }
0x91: {  	s0 =	sadd.s32 @!p0 $0x100000, s0  }
0x92: {  	[sflag:s0] =	ssyncadd.tile.s32 @!p0 $0x1;
	_ =	shalt  }
.Lfunc_end2:
_tile_overlayer_lowered:
.L_overlay_start_2:
0x93: {  	(tag) =	ssettag $0x2  }
0x94: {  	s0 =	rddreg [dreg:$0x0];
	s2 =	stileid.u32  }
0x95: {  	s1 =	rddreg [dreg:$0x1];
	p0 =	sne.s32 s2, $0x0  }
0x96: {  	s3 =	rddreg [dreg:$0x2];
	[bflag:$0x3] =	sbarrier.arrive $0xFFFF;
	s2 =	simm.s32 @!p0 $0x1C06  }
0x97: {  	[timem:s3], [sflag:s2] =	dma.local @!p0 [hbm:s0], s1  }
0x98: {  	s0 =	simm.s32 @!p0 $0x6  }
0x99: {  	_ =	swait.ge @!p0 [sflag:s0], s1  }
0x9a: {  	s1 =	ssub.s32 @!p0 $0x0, s1;
	[sflag:s0] =	ssyncset.done @!p0 $0x0  }
0x9b: {  	[sflag:s0] =	ssyncadd.s32 @!p0 s1  }
0x9c: {  	[bflag:$0x3] =	sbarrier.arrive $0xFFFF  }
0x9d: {  	_ =	shalt  }

// kernel: kernel.7.cloned.1.call-start
scs
__scs_entry_jumppad:
0x0: {  	(pc) =	sbr.rel $0x88, $3  }
0x1: {  	(tag) =	ssettag $0x0;
	lr =	simm.s32 $0x1  }
0x2: {  	[smem:$0x3F99] =	sst lr;
	_ =	strace $0xD0000000  }
0x3: {  	_ = 	snop  }
0x4: {  	_ = 	snop  }
0x5: {  	_ = 	snop  }
0x6: {  	_ = 	snop  }
0x7: {  	_ = 	snop  }
__scs_overlays_trampoline_lowered:
0x8: {  	[smem:$0x3FA8] =	sst s0  }
0x9: {  	[smem:$0x3FA9] =	sst s1  }
0xa: {  	[smem:$0x3FAA] =	sst s2  }
0xb: {  	[smem:$0x3FAB] =	sst s3  }
0xc: {  	[smem:$0x3FAC] =	sst s4  }
0xd: {  	[smem:$0x3FAD] =	sst s5  }
0xe: {  	[smem:$0x3FAE] =	sst s6  }
0xf: {  	[smem:$0x3FAF] =	sst s7  }
0x10: {  	[smem:$0x3FB0] =	sst s8  }
0x11: {  	[smem:$0x3FB1] =	sst s9;
	s0 =	simm.s32 @!p0 $0x0  }
0x12: {  	s1 =	sld [smem:$0x3F97];
	s0 =	simm.s32 @p0 $0x1  }
0x13: {  	[smem:$0x3FB2] =	sst s0;
	s0 =	simm.s32 @!p1 $0x0  }
0x14: {  	s2 =	sld [smem:$0x3F96];
	s0 =	simm.s32 @p1 $0x1  }
0x15: {  	[smem:$0x3FB3] =	sst s0;
	s0 =	simm.s32 @!p2 $0x0  }
0x16: {  	s3 =	sld [smem:$0x3FDB];
	s0 =	simm.s32 @p2 $0x1  }
0x17: {  	s4 =	simm.s32 $0x1BF5;
	[smem:$0x3FB5] =	sst s0  }
0x18: {  	s0 =	sld [smem:$0x3F98];
	_ =	swait.ge [sflag:s4], $0x0  }
0x19: {  	s7 =	sld [smem:$0x3F99]  }
0x1a: {  	s8 =	sadd.s32 $0xFFFFE003, lr  }
0x1b: {  	s9 =	sadd.s32 $0xFFFFFEF7, lr;
	s5 =	simm.s32 $0xFFFFFFFF;
	p2 =	slt.u32 s8, $0xFFFFF086  }
0x1c: {  	p1 =	slt.u32 s9, $0xF7A;
	s5 =	simm.s32 @!p2 $0x0  }
0x1d: {  	s5 =	simm.s32 @p1 $0x1;
	p0 =	seq.s32 s7, s2  }
0x1e: {  	s7 =	smul.u32 @!p0 $0xF7A, s2;
	p2 =	seq.s32 @!p0 s5, $0x0  }
0x1f: {  	s9 =	smul.u32 $0xF7A, s1;
	s8 =	simm.s32 @!p0 $0x1BF5;
	p2 =	por !p2, p0  }
0x20: {  	[sflag:s8] =	ssyncset.s32 @!p0 $0xFFFFF086;
	s6 =	sadd.s32 @!p0 s3, s7;
	s7 =	simm.s32 @!p0 $0x108  }
0x21: {  	s3 =	sadd.s32 s3, s9;
	s6 =	sadd.s32 @!p0 $0x88, s6;
	s7 =	simm.s32 @p2 $0x1082  }
0x22: {  	[simem:s7], [sflag:s8] =	dma.local @!p0 [hbm:s6], $0xF7A  }
0x23: {  	s9 =	sor.u32 $0xD0000000, s2;
	s6 =	simm.s32 $0x108;
	_ =	swait.ge @!p0 [sflag:s8], $0x0  }
0x24: {  	s3 =	sadd.s32 $0x88, s3;
	s6 =	simm.s32 @!p1 $0x1082;
	[sflag:s4] =	ssyncset.s32 $0xFFFFF086  }
0x25: {  	[simem:s6], [sflag:s4] =	dma.local [hbm:s3], $0xF7A  }
0x26: {  	[smem:$0x3F99] =	sst s1;
	(tag) =	ssettag s2;
	_ =	strace s9  }
0x27: {  	s1 =	sld [smem:$0x3FA9]  }
0x28: {  	s2 =	sld [smem:$0x3FAA]  }
0x29: {  	s4 =	sld [smem:$0x3FAC]  }
0x2a: {  	p0 =	seq.s32 s5, $0x0;
	s5 =	sld [smem:$0x3FAD]  }
0x2b: {  	s6 =	sld [smem:$0x3FAE]  }
0x2c: {  	s7 =	sld [smem:$0x3FAF]  }
0x2d: {  	s3 =	simm.s32 $0x108;
	s8 =	sld [smem:$0x3FB0]  }
0x2e: {  	s3 =	simm.s32 @!p0 $0x1082;
	s9 =	sld [smem:$0x3FB1]  }
0x2f: {  	lr =	sadd.s32 s0, s3;
	s0 =	sld [smem:$0x3FA8]  }
0x30: {  	s3 =	sld [smem:$0x3FAB]  }
0x31: {  	[smem:$0x3FB4] =	sst s10  }
0x32: {  	s10 =	sld [smem:$0x3FB2];
	_ =	sdelay $0x3  }
0x33: {  	p0 =	seq.s32 s10, $0x1;
	s10 =	sld [smem:$0x3FB4];
	_ =	sdelay $0x3  }
0x34: {  	[smem:$0x3FB4] =	sst s10  }
0x35: {  	s10 =	sld [smem:$0x3FB3];
	_ =	sdelay $0x3  }
0x36: {  	p1 =	seq.s32 s10, $0x1;
	s10 =	sld [smem:$0x3FB4];
	_ =	sdelay $0x3  }
0x37: {  	[smem:$0x3FB4] =	sst s10  }
0x38: {  	s10 =	sld [smem:$0x3FB5]  }
0x39: {  	_ = 	snop;
	(pc) =	sbr.ind lr, $3  }
0x3a: {  	_ = 	snop  }
0x3b: {  	_ = 	snop  }
0x3c: {  	p2 =	seq.s32 s10, $0x1;
	s10 =	sld [smem:$0x3FB4]  }
0x3d: {  	_ =	shalt  }
0x3e: {  	_ =	shalt  }
0x3f: {  	_ =	shalt  }
0x40: {  	_ =	shalt  }
0x41: {  	_ =	shalt  }
0x42: {  	_ =	shalt  }
0x43: {  	_ =	shalt  }
0x44: {  	_ =	shalt  }
0x45: {  	_ =	shalt  }
0x46: {  	_ =	shalt  }
0x47: {  	_ =	shalt  }
0x48: {  	_ =	shalt  }
0x49: {  	_ =	shalt  }
0x4a: {  	_ =	shalt  }
0x4b: {  	_ =	shalt  }
0x4c: {  	_ =	shalt  }
0x4d: {  	_ =	shalt  }
0x4e: {  	_ =	shalt  }
0x4f: {  	_ =	shalt  }
0x50: {  	_ =	shalt  }
0x51: {  	_ =	shalt  }
0x52: {  	_ =	shalt  }
0x53: {  	_ =	shalt  }
0x54: {  	_ =	shalt  }
0x55: {  	_ =	shalt  }
0x56: {  	_ =	shalt  }
0x57: {  	_ =	shalt  }
0x58: {  	_ =	shalt  }
0x59: {  	_ =	shalt  }
0x5a: {  	_ =	shalt  }
0x5b: {  	_ =	shalt  }
0x5c: {  	_ =	shalt  }
0x5d: {  	_ =	shalt  }
0x5e: {  	_ =	shalt  }
0x5f: {  	_ =	shalt  }
0x60: {  	_ =	shalt  }
0x61: {  	_ =	shalt  }
0x62: {  	_ =	shalt  }
0x63: {  	_ =	shalt  }
0x64: {  	_ =	shalt  }
0x65: {  	_ =	shalt  }
0x66: {  	_ =	shalt  }
0x67: {  	_ =	shalt  }
0x68: {  	_ =	shalt  }
0x69: {  	_ =	shalt  }
0x6a: {  	_ =	shalt  }
0x6b: {  	_ =	shalt  }
0x6c: {  	_ =	shalt  }
0x6d: {  	_ =	shalt  }
0x6e: {  	_ =	shalt  }
0x6f: {  	_ =	shalt  }
0x70: {  	_ =	shalt  }
0x71: {  	_ =	shalt  }
0x72: {  	_ =	shalt  }
0x73: {  	_ =	shalt  }
0x74: {  	_ =	shalt  }
0x75: {  	_ =	shalt  }
0x76: {  	_ =	shalt  }
0x77: {  	_ =	shalt  }
0x78: {  	_ =	shalt  }
0x79: {  	_ =	shalt  }
0x7a: {  	_ =	shalt  }
0x7b: {  	_ =	shalt  }
0x7c: {  	_ =	shalt  }
0x7d: {  	_ =	shalt  }
0x7e: {  	_ =	shalt  }
0x7f: {  	_ =	shalt  }
0x80: {  	_ =	shalt  }
0x81: {  	_ =	shalt  }
0x82: {  	_ =	shalt  }
0x83: {  	_ =	shalt  }
0x84: {  	_ =	shalt  }
0x85: {  	_ =	shalt  }
0x86: {  	_ =	shalt  }
0x87: {  	_ =	shalt  }
.Lfunc_end0:
.L_simem_size_0:
called_computation_lowered:
.L_overlay_start_0:
0x88: {  	s2 =	sld [smem:$0x3FD9]  }
0x89: {  	s3 =	sld [smem:$0x3FFE];
	_ =	sdelay $0x1  }
0x8a: {  	s1 =	srdreg.scid  }
0x8b: {  	s0 =	sand.u32 $0x1, s1  }
0x8c: {  	s17 =	sshll.u32 s0, $0xA;
	s2 =	sadd.s32 s3, s2  }
0x8d: {  	s2 =	sadd.s32 s2, s17  }
0x8e: {  	[smem:$0x3FC0] =	sst s2  }
0x8f: {  	_ = 	snop  }
0x90: {  	s2 =	sld [smem:$0x3FD0];
	(tm) =	ssettm $0x1  }
0x91: {  	s18 =	sld [smem:$0x3FFB];
	_ =	sdelay $0x3  }
0x92: {  	_ =	strace s18  }
0x93: {  	s3 =	sld [smem:$0x3FFC];
	_ =	sdelay $0x3  }
0x94: {  	_ =	strace s3  }
0x95: {  	s3 =	sld [smem:$0x3FFD];
	_ =	sdelay $0x3  }
0x96: {  	_ =	strace s3  }
0x97: {  	_ =	strace $0x8FFFFFFF  }
0x98: {  	s19 =	sld [smem:$0x3FDB];
	_ =	sdelay $0x1  }
0x99: {  	s4 =	simm.s32 $_scs_section_size  }
0x9a: {  	s5 =	simm.s32 $_size__tile_overlayer_lowered;
	s6 =	simm.s32 $_tile_overlayer_lowered  }
0x9b: {  	s22 =	simm.s32 $0x1BFF;
	s21 =	sshll.u32 s6, $0x1;
	s3 =	sadd.s32 s4, s19  }
0x9c: {  	s7 =	simm.s32 $0x0;
	s20 =	sshll.u32 s5, $0x1;
	s5 =	sadd.s32 s21, s3  }
0x9d: {  	[timem:s7], [sflag:s22] =	dma.local [hbm:s5], s20  }
0x9e: {  	_ =	swait.ge [sflag:s22], s20  }
0x9f: {  	s4 =	ssub.s32 $0x0, s20;
	[sflag:s22] =	ssyncset.done $0x0  }
0xa0: {  	[sflag:s22] =	ssyncadd.s32 s4;
	_ =	sdelay $0x1  }
0xa1: {  	s23 =	simm.s32 $0x1B8B  }
0xa2: {  	_ =	swait.ge [sflag:s23], $0x1  }
0xa3: {  	[sflag:s23] =	ssyncset.done $0x0  }
0xa4: {  	s25 =	simm.s32 $0x1B8E;
	s24 =	sld [smem:$0x3FFE];
	[sflag:s23] =	ssyncadd.s32 $0xFFFFFFFF  }
0xa5: {  	s26 =	simm.s32 $execute0_lowered;
	[smem:$0x3FD2] =	sst s25  }
0xa6: {  	s5 =	sshll.u32 s26, $0x1;
	_ =	strace $0x80000046;
	[dreg:$0x1] =	wrdreg $0xFFFFFFFF  }
0xa7: {  	s28 =	simm.s32 $_size_execute0_lowered;
	s3 =	sadd.s32 s3, s5;
	[dreg:$0x0] =	wrdreg $0x0  }
0xa8: {  	s5 =	sshll.u32 s28, $0x1;
	[dreg:$0x2] =	wrdreg s3  }
0xa9: {  	[dreg:$0x3] =	wrdreg s5  }
0xaa: {  	[dreg:$0x4] =	wrdreg $0xC0  }
0xab: {  	_ =	task [dreg:s7], $0x5FFFF  }
0xac: {  	[dreg:$0x1] =	wrdreg $0xFFFFFFFF  }
0xad: {  	[dreg:$0x0] =	wrdreg $0x60  }
0xae: {  	[dreg:$0x2] =	wrdreg s2  }
0xaf: {  	[dreg:$0x3] =	wrdreg s24  }
0xb0: {  	[dreg:$0x4] =	wrdreg $0x9  }
0xb1: {  	_ =	task.clear_ibuf [dreg:s7], $0x5FFFF;
	_ =	strace $0x90000046  }
0xb2: {  	s29 =	simm.s32 $0x9;
	_ =	strace $0x80000048  }
0xb3: {  	_ =	swait.ge [sflag:s29], $0x1  }
0xb4: {  	[sflag:s29] =	ssyncadd.s32 $0xFFFFFFFF  }
0xb5: {  	_ =	strace $0x90000048  }
0xb6: {  	_ =	sfence  }
0xb7: {  	s30 =	sld [smem:$0x0];
	_ =	sdelay $0x2  }
0xb8: {  	s31 =	sshll.u32 s1, $0xD;
	s1 =	sshrl.u32 s1, $0x2  }
0xb9: {  	s3 =	sand.u32 $0x4000, s31;
	s1 =	sadd.s32 s1, s30  }
0xba: {  	s0 =	sor.u32 s3, s0;
	s1 =	sshll.u32 s1, $0x11  }
0xbb: {  	s0 =	sor.u32 s1, s0  }
0xbc: {  	s0 =	sadd.s32 $0x8F2B, s0  }
0xbd: {  	[sflag:s0] =	ssyncadd.remote.s32 $0x1  }
0xbe: {  	_ =	sfence.sel $0xFFFF  }
0xbf: {  	[dreg:$0x0] =	wrdreg $0xFFFFFFFF;
	(pc) =	sbr.abs _section_cstart, $3  }
0xc0: {  	[dreg:$0x1] =	wrdreg $0xFFFFFFFF  }
0xc1: {  	_ =	task.clear_ibuf [dreg:s7], $0x2FFFF;
	_ =	strace $0x9FFFFFFF  }
0xc2: {  	(tm) =	ssettm $0x7FFFFFFF  }
0xc3: {  	_ =	shalt  }
tec
execute0_lowered:
.L_overlay_start_1:
0x0: {  	(tag) =	ssettag $0x1  }
0x1: {  	s3 =	rddreg [dreg:$0x0];
	s1 =	srdreg.scid  }
0x2: {  	s0 =	stileid.u32;
	s4 =	rddreg [dreg:$0x1]  }
0x3: {  	s8 =	simm.s32 $0x0;
	s5 =	sand.u32 $0x1, s1;
	s2 =	sshll.u32 s0, $0x1  }
0x4: {  	s6 =	sor.u32 s5, s2;
	s2 =	simm.s32 $0x0;
	s5 =	ssub.s32 $0x2, s5  }
0x5: {  	s6 =	smul.u32 $0x500, s6;
	[smem:$0x7FF] =	sst s2;
	s7 =	sshrl.u32 s5, $0x1  }
0x6: {  	s1 =	rddreg [dreg:$0x2];
	_ =	strace $0x80000047;
	s5 =	ssub.s32 s5, s7  }
0x7: {  	s7 =	simm.s32 $0x2800;
	s4 =	sadd.s32 s6, s4;
	s3 =	sadd.s32 s3, s6  }
0x8: {  	v0 =	vimm.f32 $0.0e+00;
	v1 =	vimm.f32 $1.000000000e+00;
	s5 =	smax.u32 s5, $0x1;
	s6 =	simm.s32 $0x1;
	s4 =	sadd.s32 $0xCA00, s4  }
.LBB2_1:
0x9: {  	s9 =	simm.s32 $0x40;
	s10 =	simm.s32 $0x0  }
.LBB2_2:
0xa: {  	p0 =	sne.s32 s9, $0x9FC0;
	[tilespmem:s10+$0x2800] =	vst v0;
	s10 =	smov.u32 s9;
	s9 =	sadd.s32 $0x40, s9  }
.Ltmp0:
0xb: {  	(pc) =	sbr.rel @p0 .LBB2_2-.Ltmp0, $2  }
0xc: {  	_ =	sdelay $0x2  }
0xd: {  	s10 =	sshra.s32 s10, $0x2  }
0xe: {  	[tilespmem:s10+$0x2800] =	vst v0  }
0xf: {  	[tilespmem:s2], [sflag:$0x1] =	stream.linear.gather [hbm4b:s3+s2], $0x2800, $0x38;
	[tilespmem:$0x5000] =	vst v63  }
0x10: {  	_ =	swait.ge [sflag:s6], $0x2800  }
0x11: {  	[sflag:s6] =	ssyncset.done $0x0  }
0x12: {  	s9 =	simm.s32 $0x1C0;
	[sflag:s6] =	ssyncadd.s32 $0xFFFFD800  }
.LBB2_4:
0x13: {  	s10 =	sshra.s32 s9, $0x2  }
0x14: {  	v2 =	vld [tilespmem:s10+$0xFFFFFF90];
	_ =	sdelay $0x7  }
0x15: {  	[tilespmem:v2+s7+$0x0] =	vst.idx.add.f32.msk $0xffff, v1  }
0x16: {  	v2 =	vld [tilespmem:s10+$0xFFFFFFA0];
	_ =	sdelay $0x7  }
0x17: {  	[tilespmem:v2+s7+$0x0] =	vst.idx.add.f32.msk $0xffff, v1  }
0x18: {  	v2 =	vld [tilespmem:s10+$0xFFFFFFB0];
	_ =	sdelay $0x7  }
0x19: {  	[tilespmem:v2+s7+$0x0] =	vst.idx.add.f32.msk $0xffff, v1  }
0x1a: {  	v2 =	vld [tilespmem:s10+$0xFFFFFFC0];
	_ =	sdelay $0x7  }
0x1b: {  	[tilespmem:v2+s7+$0x0] =	vst.idx.add.f32.msk $0xffff, v1  }
0x1c: {  	v2 =	vld [tilespmem:s10+$0xFFFFFFD0];
	_ =	sdelay $0x7  }
0x1d: {  	[tilespmem:v2+s7+$0x0] =	vst.idx.add.f32.msk $0xffff, v1  }
0x1e: {  	v2 =	vld [tilespmem:s10+$0xFFFFFFE0];
	_ =	sdelay $0x7  }
0x1f: {  	[tilespmem:v2+s7+$0x0] =	vst.idx.add.f32.msk $0xffff, v1  }
0x20: {  	v2 =	vld [tilespmem:s10+$0xFFFFFFF0];
	_ =	sdelay $0x7  }
0x21: {  	[tilespmem:v2+s7+$0x0] =	vst.idx.add.f32.msk $0xffff, v1  }
0x22: {  	v2 =	vld [tilespmem:s10+$0x0];
	_ =	sdelay $0x2  }
0x23: {  	p0 =	sne.s32 s9, $0x9FC0  }
.Ltmp1:
0x24: {  	_ = 	snop;
	(pc) =	sbr.rel @p0 .LBB2_4-.Ltmp1, $2  }
0x25: {  	_ =	sdelay $0x2  }
0x26: {  	s9 =	sadd.s32 $0x200, s9;
	[tilespmem:v2+s7+$0x0] =	vst.idx.add.f32.msk $0xffff, v1  }
0x27: {  	s8 =	sadd.s32 $0x1, s8  }
0x28: {  	p0 =	sne.s32 s8, s5  }
.Ltmp2:
0x29: {  	_ = 	snop;
	(pc) =	sbr.rel @p0 .LBB2_1-.Ltmp2, $4  }
0x2a: {  	[hbm4b:s4+s2] =	stream.linear.scatter [tilespmem:s7], [sflag:$0x1], $0x2800, $0x38;
	[tilespmem:$0x5000] =	vst v63  }
0x2b: {  	_ =	swait.ge [sflag:s6], $0x2800  }
0x2c: {  	[sflag:s6] =	ssyncset.done $0x0  }
0x2d: {  	[sflag:s6] =	ssyncadd.s32 $0xFFFFD800  }
0x2e: {  	_ =	sfence.sel $0x180000  }
0x2f: {  	[bflag:$0x0] =	sbarrier.arrive $0xFFFF  }
0x30: {  	p0 =	sne.s32 s0, $0x0;
	_ =	strace $0x90000047  }
0x31: {  	s0 =	sadd.s32 @!p0 $0x100000, s1;
	[bflag:$0x2] =	sbarrier.arrive $0xFFFF  }
0x32: {  	[sflag:s0] =	ssyncadd.tile.s32 @!p0 $0x1;
	_ =	shalt  }
.Lfunc_end2:
_tile_overlayer_lowered:
.L_overlay_start_2:
0x33: {  	(tag) =	ssettag $0x2  }
0x34: {  	s0 =	rddreg [dreg:$0x0];
	s2 =	stileid.u32  }
0x35: {  	s1 =	rddreg [dreg:$0x1];
	p0 =	sne.s32 s2, $0x0  }
0x36: {  	s3 =	rddreg [dreg:$0x2];
	[bflag:$0x3] =	sbarrier.arrive $0xFFFF;
	s2 =	simm.s32 @!p0 $0x1C01  }
0x37: {  	[timem:s3], [sflag:s2] =	dma.local @!p0 [hbm:s0], s1  }
0x38: {  	s0 =	simm.s32 @!p0 $0x1  }
0x39: {  	_ =	swait.ge @!p0 [sflag:s0], s1  }
0x3a: {  	s1 =	ssub.s32 @!p0 $0x0, s1;
	[sflag:s0] =	ssyncset.done @!p0 $0x0  }
0x3b: {  	[sflag:s0] =	ssyncadd.s32 @!p0 s1  }
0x3c: {  	[bflag:$0x3] =	sbarrier.arrive $0xFFFF  }
0x3d: {  	_ =	shalt  }

</sc_bundles>
